<compile_context>
chip_gen: v7x
topology: tpu7x:2x2x1
jax: 0.10.2.dev20260603
libtpu: 0.0.44.dev20260713+nightly
codegen_flags: <defaults>
</compile_context>

<pallas_src>
import functools

import jax
import jax.numpy as jnp
from jax import lax
from jax.experimental import pallas as pl
from jax.experimental.pallas import tpu as pltpu
from jax.experimental.pallas import tpu_sc as plsc

NC = 2
NS = 16
CHUNK = 2048
SKEW0 = {0: 0.55, 2: 0.54, 3: 0.55}


@functools.lru_cache(maxsize=None)
def _edge_pass(e_pad, n_pad, F):
    ncols = max(F, 1)
    per = n_pad // NS
    m = e_pad // CHUNK
    nck0 = int(round(m * SKEW0[F] / NS))
    nck1 = m // NS - nck0

    mesh = plsc.VectorSubcoreMesh(core_axis_name="c", subcore_axis_name="s")

    out_type = [jax.ShapeDtypeStruct((NC * n_pad,), jnp.float32)] * ncols
    scratch = (
        [pltpu.VMEM_SHARED((n_pad,), jnp.float32)] * F
        + [pltpu.VMEM_SHARED((n_pad,), jnp.float32)] * ncols
        + [pltpu.VMEM((CHUNK,), jnp.int32)] * (4 if F > 0 else 2)
        + [pltpu.VMEM((CHUNK,), jnp.float32)] * ncols
        + [pltpu.VMEM((per,), jnp.float32)]
        + [pltpu.SemaphoreType.DMA] * 3
    )

    def body(*refs):
        n_in = 3 + F
        ins, outs, scr = refs[:n_in], refs[n_in:n_in + ncols], refs[n_in + ncols:]
        if F > 0:
            src_hbm, dst_hbm, zeros_hbm = ins[0], ins[1], ins[2]
            tables_hbm = ins[3:]
        else:
            dst_hbm, zeros_hbm, ones_hbm = ins[0], ins[1], ins[2]
        tables = scr[:F]
        accs = scr[F:F + ncols]
        if F > 0:
            src_bufs = [scr[F + ncols], scr[F + ncols + 1]]
            dst_bufs = [scr[F + ncols + 2], scr[F + ncols + 3]]
            vbufs = scr[F + ncols + 4:-4]
        else:
            src_bufs = [None, None]
            dst_bufs = [scr[F + ncols], scr[F + ncols + 1]]
            vbufs = scr[F + ncols + 2:-4]
        st_buf, sem_i, sem_g, sem_s = scr[-4], scr[-3], scr[-2], scr[-1]

        cid = lax.axis_index("c")
        sid = lax.axis_index("s")
        tid = cid * NS + sid

        sl = pl.ds(sid * per, per)
        pltpu.sync_copy(zeros_hbm.at[sl], st_buf)
        for a in accs:
            pltpu.sync_copy(st_buf, a.at[sl])
        for t, thbm in zip(tables, tables_hbm if F > 0 else ()):
            pltpu.sync_copy(thbm.at[sl], st_buf)
            pltpu.sync_copy(st_buf, t.at[sl])
        if F == 0:
            pltpu.sync_copy(ones_hbm, vbufs[0])
        plsc.subcore_barrier()

        base_ck = jnp.where(cid == 0, sid * nck0,
                            NS * nck0 + sid * nck1)
        nchunks = jnp.where(cid == 0, nck0, nck1)

        def fire_idx(ck, s):
            e = ck * CHUNK
            if F > 0:
                pltpu.async_copy(src_hbm.at[pl.ds(e, CHUNK)],
                                 src_bufs[s], sem_i)
            pltpu.async_copy(dst_hbm.at[pl.ds(e, CHUNK)],
                             dst_bufs[s], sem_i)

        fire_idx(base_ck, 0)

        def do_chunk(ci, s):
            if F > 0:
                pltpu.make_async_copy(src_hbm.at[pl.ds(0, CHUNK)],
                                      src_bufs[s], sem_i).wait()
            pltpu.make_async_copy(dst_hbm.at[pl.ds(0, CHUNK)],
                                  dst_bufs[s], sem_i).wait()

            @pl.when(ci + 1 < nchunks)
            def _():
                fire_idx(base_ck + ci + 1, 1 - s)

            if F > 0:
                gds = [pltpu.async_copy(t.at[src_bufs[s]], g, sem_g)
                       for t, g in zip(tables, vbufs)]
                for d in gds:
                    d.wait()
            sds = [pltpu.async_copy(g, a.at[dst_bufs[s]], sem_s, add=True)
                   for a, g in zip(accs, vbufs)]
            for d in sds:
                d.wait()

        def chunk(ci, _):
            par = lax.rem(ci, 2)

            @pl.when(par == 0)
            def _():
                do_chunk(ci, 0)

            @pl.when(par == 1)
            def _():
                do_chunk(ci, 1)

            return 0

        lax.fori_loop(0, nchunks, chunk, 0)
        plsc.subcore_barrier()

        for a, o in zip(accs, outs):
            pltpu.sync_copy(a.at[sl], st_buf)
            pltpu.sync_copy(st_buf, o.at[pl.ds(cid * n_pad + sid * per, per)])

    return pl.kernel(body, out_type=out_type, mesh=mesh, scratch_types=scratch)


def _round_up(x, m):
    return (x + m - 1) // m * m


def kernel(feat, subgraph, W1, b1, W2, b2):
    N = feat.shape[0]
    E = subgraph.shape[1]
    src, dst = subgraph[0], subgraph[1]

    n_pad = _round_up(N + 1, NS * 8)
    e_pad = _round_up(E, CHUNK * NC * NS)

    pad = jnp.full((e_pad - E,), N, dtype=jnp.int32)
    srcp = jnp.concatenate([src, pad])
    dstp = jnp.concatenate([dst, pad])
    zeros = jnp.zeros((n_pad,), jnp.float32)

    def pad_col(c):
        return jnp.concatenate([c, jnp.zeros((n_pad - N,), jnp.float32)])

    def combine(col):
        return col.reshape(NC, n_pad).sum(0)[:N]

    ones = jnp.ones((CHUNK,), jnp.float32)
    (deg2,) = _edge_pass(e_pad, n_pad, 0)(dstp, zeros, ones)
    deg = combine(deg2)
    norm = lax.rsqrt(jnp.maximum(deg, 1.0))

    g1 = (feat @ W1 + b1) * norm[:, None]
    F1 = g1.shape[1]
    cols1 = _edge_pass(e_pad, n_pad, F1)(
        srcp, dstp, zeros, *(pad_col(g1[:, c]) for c in range(F1)))
    agg1 = jnp.stack([combine(c) for c in cols1], axis=1)
    x2 = jax.nn.relu(agg1 * norm[:, None])

    g2 = (x2 @ W2 + b2) * norm[:, None]
    F2 = g2.shape[1]
    cols2 = _edge_pass(e_pad, n_pad, F2)(
        srcp, dstp, zeros, *(pad_col(g2[:, c]) for c in range(F2)))
    agg2 = jnp.stack([combine(c) for c in cols2], axis=1)
    return agg2 * norm[:, None]

# --- scband reference (transcript-rebuilt; emitter-appended) ---
"""Pipeline reference for scband-my-gcn-3384434230048 (READ-ONLY COPY).

The authoritative reference and input builder live on the scoring server;
editing this copy changes nothing except your own understanding.
"""

import jax, jax.numpy as jnp
import numpy as np

N = 100000
E = 6400000


def setup_inputs(seed: int = 0) -> dict:
    key = jax.random.key(seed)
    k1, k2, k3, k4, k5, k6 = jax.random.split(key, 6)
    feat = jax.random.normal(k1, (N, 3), dtype=jnp.float32)
    subgraph = jax.random.randint(k2, (2, E), 0, N, dtype=jnp.int32)
    # Learned parameters: GCNLayer1 (3 -> 2), GCNLayer2 (2 -> 3), per the
    # hardcoded dims inside myGCN.__init__.
    W1 = jax.random.normal(k3, (3, 2), dtype=jnp.float32) * 0.5
    b1 = jax.random.normal(k4, (2,), dtype=jnp.float32) * 0.1
    W2 = jax.random.normal(k5, (2, 3), dtype=jnp.float32) * 0.5
    b2 = jax.random.normal(k6, (3,), dtype=jnp.float32) * 0.1
    return {"feat": feat, "subgraph": subgraph, "W1": W1, "b1": b1, "W2": W2, "b2": b2}


def _gcn_layer(x, W, b, src, dst):
    # Standard GCN layer: linear transform, then symmetric-normalized
    # scatter-add aggregation over edges (single-partition version of the
    # distributed layer; send_map/recv_map halo exchange is a no-op when
    # size == 1).
    h = x @ W + b
    ones = jnp.ones(src.shape[0], dtype=x.dtype)
    deg = jax.ops.segment_sum(ones, dst, num_segments=N)
    norm = jax.lax.rsqrt(jnp.maximum(deg, 1.0))
    msg = jnp.take(h, src, axis=0) * norm[src][:, None]
    agg = jax.ops.segment_sum(msg, dst, num_segments=N)
    return agg * norm[:, None]


def reference(feat, subgraph, W1, b1, W2, b2):
    src = subgraph[0]
    dst = subgraph[1]
    h = _gcn_layer(feat, W1, b1, src, dst)
    h = jax.nn.relu(h)
    out = _gcn_layer(h, W2, b2, src, dst)
    return out

if __name__ == "__main__":
    import jax
    _d = setup_inputs()
    print(jax.jit(kernel)(*tuple(_d.values())))

</pallas_src>

<mosaic_0001>
#map = affine_map<(d0, d1) -> (0)>
module attributes {stable_mosaic.version = 14 : i64} {
  func.func @body(%arg0: i32, %arg1: i32, %arg2: memref<6422528xi32, #tpu.memory_space<hbm>>, %arg3: memref<6422528xi32, #tpu.memory_space<hbm>>, %arg4: memref<100096xf32, #tpu.memory_space<hbm>>, %arg5: memref<100096xf32, #tpu.memory_space<hbm>>, %arg6: memref<100096xf32, #tpu.memory_space<hbm>>, %arg7: memref<100096xf32, #tpu.memory_space<hbm>>, %arg8: memref<200192xf32, #tpu.memory_space<hbm>>, %arg9: memref<200192xf32, #tpu.memory_space<hbm>>, %arg10: memref<200192xf32, #tpu.memory_space<hbm>>, %arg11: memref<100096xf32, #tpu.memory_space<vmem_shared>>, %arg12: memref<100096xf32, #tpu.memory_space<vmem_shared>>, %arg13: memref<100096xf32, #tpu.memory_space<vmem_shared>>, %arg14: memref<100096xf32, #tpu.memory_space<vmem_shared>>, %arg15: memref<100096xf32, #tpu.memory_space<vmem_shared>>, %arg16: memref<100096xf32, #tpu.memory_space<vmem_shared>>, %arg17: memref<2048xi32, #tpu.memory_space<vmem>>, %arg18: memref<2048xi32, #tpu.memory_space<vmem>>, %arg19: memref<2048xi32, #tpu.memory_space<vmem>>, %arg20: memref<2048xi32, #tpu.memory_space<vmem>>, %arg21: memref<2048xf32, #tpu.memory_space<vmem>>, %arg22: memref<2048xf32, #tpu.memory_space<vmem>>, %arg23: memref<2048xf32, #tpu.memory_space<vmem>>, %arg24: memref<6256xf32, #tpu.memory_space<vmem>>, %arg25: memref<!tpu.dma_semaphore, #tpu.memory_space<semaphore_mem>>, %arg26: memref<!tpu.dma_semaphore, #tpu.memory_space<semaphore_mem>>, %arg27: memref<!tpu.dma_semaphore, #tpu.memory_space<semaphore_mem>>) attributes {dimension_semantics = [#tpu.dimension_semantics<core_parallel>, #tpu.dimension_semantics<subcore_parallel>], iteration_bounds = array<i64: 2, 16>, scalar_prefetch = 0 : i64, scratch_operands = 17 : i64, tpu.core_type = #tpu.core_type<sc_vector_subcore>, window_params = [{transform_indices = #map}, {transform_indices = #map}, {transform_indices = #map}, {transform_indices = #map}, {transform_indices = #map}, {transform_indices = #map}, {transform_indices = #map}, {transform_indices = #map}, {transform_indices = #map}]} {
    %mul3A = arith.constant 16 : i32
    %mul3A_0 = arith.muli %arg0, %mul3A : i32
    %add3A = arith.addi %mul3A_0, %arg1 : i32
    %mul3A_1 = arith.constant 6256 : i32
    %mul3A_2 = arith.muli %arg1, %mul3A_1 : i32
    "tpu.region"() ({
      %run_scoped3A = tpu.sem_alloc : memref<!tpu.dma_semaphore, #tpu.memory_space<semaphore_mem>>
      %dma_start3A_46 = tpu.memref_slice %arg4[%mul3A_2] : memref<100096xf32, #tpu.memory_space<hbm>> -> memref<6256xf32, #tpu.memory_space<hbm>>
      %dma_start3A_47 = tpu.memref_slice %arg4[%mul3A_2] : memref<100096xf32, #tpu.memory_space<hbm>> -> memref<6256xf32, #tpu.memory_space<hbm>>
      tpu.enqueue_dma source(%dma_start3A_47 : memref<6256xf32, #tpu.memory_space<hbm>>) target(%arg24 : memref<6256xf32, #tpu.memory_space<vmem>>) target_semaphore(%run_scoped3A : memref<!tpu.dma_semaphore, #tpu.memory_space<semaphore_mem>>)
      %dma_wait3A = tpu.memref_slice %arg4[%mul3A_2] : memref<100096xf32, #tpu.memory_space<hbm>> -> memref<6256xf32, #tpu.memory_space<hbm>>
      %dma_wait3A_48 = tpu.memref_slice %arg4[%mul3A_2] : memref<100096xf32, #tpu.memory_space<hbm>> -> memref<6256xf32, #tpu.memory_space<hbm>>
      tpu.wait_dma2 semaphore(%run_scoped3A : memref<!tpu.dma_semaphore, #tpu.memory_space<semaphore_mem>>) src(%dma_wait3A_48 : memref<6256xf32, #tpu.memory_space<hbm>>) dst(%arg24 : memref<6256xf32, #tpu.memory_space<vmem>>)
      tpu.yield
    }) : () -> ()
    "tpu.region"() ({
      %run_scoped3A = tpu.sem_alloc : memref<!tpu.dma_semaphore, #tpu.memory_space<semaphore_mem>>
      %dma_start3A_46 = tpu.memref_slice %arg14[%mul3A_2] : memref<100096xf32, #tpu.memory_space<vmem_shared>> -> memref<6256xf32, #tpu.memory_space<vmem_shared>>
      %dma_start3A_47 = tpu.memref_slice %arg14[%mul3A_2] : memref<100096xf32, #tpu.memory_space<vmem_shared>> -> memref<6256xf32, #tpu.memory_space<vmem_shared>>
      tpu.enqueue_dma source(%arg24 : memref<6256xf32, #tpu.memory_space<vmem>>) target(%dma_start3A_47 : memref<6256xf32, #tpu.memory_space<vmem_shared>>) target_semaphore(%run_scoped3A : memref<!tpu.dma_semaphore, #tpu.memory_space<semaphore_mem>>)
      %dma_wait3A = tpu.memref_slice %arg14[%mul3A_2] : memref<100096xf32, #tpu.memory_space<vmem_shared>> -> memref<6256xf32, #tpu.memory_space<vmem_shared>>
      %dma_wait3A_48 = tpu.memref_slice %arg14[%mul3A_2] : memref<100096xf32, #tpu.memory_space<vmem_shared>> -> memref<6256xf32, #tpu.memory_space<vmem_shared>>
      tpu.wait_dma2 semaphore(%run_scoped3A : memref<!tpu.dma_semaphore, #tpu.memory_space<semaphore_mem>>) src(%arg24 : memref<6256xf32, #tpu.memory_space<vmem>>) dst(%dma_wait3A_48 : memref<6256xf32, #tpu.memory_space<vmem_shared>>)
      tpu.yield
    }) : () -> ()
    "tpu.region"() ({
      %run_scoped3A = tpu.sem_alloc : memref<!tpu.dma_semaphore, #tpu.memory_space<semaphore_mem>>
      %dma_start3A_46 = tpu.memref_slice %arg15[%mul3A_2] : memref<100096xf32, #tpu.memory_space<vmem_shared>> -> memref<6256xf32, #tpu.memory_space<vmem_shared>>
      %dma_start3A_47 = tpu.memref_slice %arg15[%mul3A_2] : memref<100096xf32, #tpu.memory_space<vmem_shared>> -> memref<6256xf32, #tpu.memory_space<vmem_shared>>
      tpu.enqueue_dma source(%arg24 : memref<6256xf32, #tpu.memory_space<vmem>>) target(%dma_start3A_47 : memref<6256xf32, #tpu.memory_space<vmem_shared>>) target_semaphore(%run_scoped3A : memref<!tpu.dma_semaphore, #tpu.memory_space<semaphore_mem>>)
      %dma_wait3A = tpu.memref_slice %arg15[%mul3A_2] : memref<100096xf32, #tpu.memory_space<vmem_shared>> -> memref<6256xf32, #tpu.memory_space<vmem_shared>>
      %dma_wait3A_48 = tpu.memref_slice %arg15[%mul3A_2] : memref<100096xf32, #tpu.memory_space<vmem_shared>> -> memref<6256xf32, #tpu.memory_space<vmem_shared>>
      tpu.wait_dma2 semaphore(%run_scoped3A : memref<!tpu.dma_semaphore, #tpu.memory_space<semaphore_mem>>) src(%arg24 : memref<6256xf32, #tpu.memory_space<vmem>>) dst(%dma_wait3A_48 : memref<6256xf32, #tpu.memory_space<vmem_shared>>)
      tpu.yield
    }) : () -> ()
    "tpu.region"() ({
      %run_scoped3A = tpu.sem_alloc : memref<!tpu.dma_semaphore, #tpu.memory_space<semaphore_mem>>
      %dma_start3A_46 = tpu.memref_slice %arg16[%mul3A_2] : memref<100096xf32, #tpu.memory_space<vmem_shared>> -> memref<6256xf32, #tpu.memory_space<vmem_shared>>
      %dma_start3A_47 = tpu.memref_slice %arg16[%mul3A_2] : memref<100096xf32, #tpu.memory_space<vmem_shared>> -> memref<6256xf32, #tpu.memory_space<vmem_shared>>
      tpu.enqueue_dma source(%arg24 : memref<6256xf32, #tpu.memory_space<vmem>>) target(%dma_start3A_47 : memref<6256xf32, #tpu.memory_space<vmem_shared>>) target_semaphore(%run_scoped3A : memref<!tpu.dma_semaphore, #tpu.memory_space<semaphore_mem>>)
      %dma_wait3A = tpu.memref_slice %arg16[%mul3A_2] : memref<100096xf32, #tpu.memory_space<vmem_shared>> -> memref<6256xf32, #tpu.memory_space<vmem_shared>>
      %dma_wait3A_48 = tpu.memref_slice %arg16[%mul3A_2] : memref<100096xf32, #tpu.memory_space<vmem_shared>> -> memref<6256xf32, #tpu.memory_space<vmem_shared>>
      tpu.wait_dma2 semaphore(%run_scoped3A : memref<!tpu.dma_semaphore, #tpu.memory_space<semaphore_mem>>) src(%arg24 : memref<6256xf32, #tpu.memory_space<vmem>>) dst(%dma_wait3A_48 : memref<6256xf32, #tpu.memory_space<vmem_shared>>)
      tpu.yield
    }) : () -> ()
    "tpu.region"() ({
      %run_scoped3A = tpu.sem_alloc : memref<!tpu.dma_semaphore, #tpu.memory_space<semaphore_mem>>
      %dma_start3A_46 = tpu.memref_slice %arg5[%mul3A_2] : memref<100096xf32, #tpu.memory_space<hbm>> -> memref<6256xf32, #tpu.memory_space<hbm>>
      %dma_start3A_47 = tpu.memref_slice %arg5[%mul3A_2] : memref<100096xf32, #tpu.memory_space<hbm>> -> memref<6256xf32, #tpu.memory_space<hbm>>
      tpu.enqueue_dma source(%dma_start3A_47 : memref<6256xf32, #tpu.memory_space<hbm>>) target(%arg24 : memref<6256xf32, #tpu.memory_space<vmem>>) target_semaphore(%run_scoped3A : memref<!tpu.dma_semaphore, #tpu.memory_space<semaphore_mem>>)
      %dma_wait3A = tpu.memref_slice %arg5[%mul3A_2] : memref<100096xf32, #tpu.memory_space<hbm>> -> memref<6256xf32, #tpu.memory_space<hbm>>
      %dma_wait3A_48 = tpu.memref_slice %arg5[%mul3A_2] : memref<100096xf32, #tpu.memory_space<hbm>> -> memref<6256xf32, #tpu.memory_space<hbm>>
      tpu.wait_dma2 semaphore(%run_scoped3A : memref<!tpu.dma_semaphore, #tpu.memory_space<semaphore_mem>>) src(%dma_wait3A_48 : memref<6256xf32, #tpu.memory_space<hbm>>) dst(%arg24 : memref<6256xf32, #tpu.memory_space<vmem>>)
      tpu.yield
    }) : () -> ()
    "tpu.region"() ({
      %run_scoped3A = tpu.sem_alloc : memref<!tpu.dma_semaphore, #tpu.memory_space<semaphore_mem>>
      %dma_start3A_46 = tpu.memref_slice %arg11[%mul3A_2] : memref<100096xf32, #tpu.memory_space<vmem_shared>> -> memref<6256xf32, #tpu.memory_space<vmem_shared>>
      %dma_start3A_47 = tpu.memref_slice %arg11[%mul3A_2] : memref<100096xf32, #tpu.memory_space<vmem_shared>> -> memref<6256xf32, #tpu.memory_space<vmem_shared>>
      tpu.enqueue_dma source(%arg24 : memref<6256xf32, #tpu.memory_space<vmem>>) target(%dma_start3A_47 : memref<6256xf32, #tpu.memory_space<vmem_shared>>) target_semaphore(%run_scoped3A : memref<!tpu.dma_semaphore, #tpu.memory_space<semaphore_mem>>)
      %dma_wait3A = tpu.memref_slice %arg11[%mul3A_2] : memref<100096xf32, #tpu.memory_space<vmem_shared>> -> memref<6256xf32, #tpu.memory_space<vmem_shared>>
      %dma_wait3A_48 = tpu.memref_slice %arg11[%mul3A_2] : memref<100096xf32, #tpu.memory_space<vmem_shared>> -> memref<6256xf32, #tpu.memory_space<vmem_shared>>
      tpu.wait_dma2 semaphore(%run_scoped3A : memref<!tpu.dma_semaphore, #tpu.memory_space<semaphore_mem>>) src(%arg24 : memref<6256xf32, #tpu.memory_space<vmem>>) dst(%dma_wait3A_48 : memref<6256xf32, #tpu.memory_space<vmem_shared>>)
      tpu.yield
    }) : () -> ()
    "tpu.region"() ({
      %run_scoped3A = tpu.sem_alloc : memref<!tpu.dma_semaphore, #tpu.memory_space<semaphore_mem>>
      %dma_start3A_46 = tpu.memref_slice %arg6[%mul3A_2] : memref<100096xf32, #tpu.memory_space<hbm>> -> memref<6256xf32, #tpu.memory_space<hbm>>
      %dma_start3A_47 = tpu.memref_slice %arg6[%mul3A_2] : memref<100096xf32, #tpu.memory_space<hbm>> -> memref<6256xf32, #tpu.memory_space<hbm>>
      tpu.enqueue_dma source(%dma_start3A_47 : memref<6256xf32, #tpu.memory_space<hbm>>) target(%arg24 : memref<6256xf32, #tpu.memory_space<vmem>>) target_semaphore(%run_scoped3A : memref<!tpu.dma_semaphore, #tpu.memory_space<semaphore_mem>>)
      %dma_wait3A = tpu.memref_slice %arg6[%mul3A_2] : memref<100096xf32, #tpu.memory_space<hbm>> -> memref<6256xf32, #tpu.memory_space<hbm>>
      %dma_wait3A_48 = tpu.memref_slice %arg6[%mul3A_2] : memref<100096xf32, #tpu.memory_space<hbm>> -> memref<6256xf32, #tpu.memory_space<hbm>>
      tpu.wait_dma2 semaphore(%run_scoped3A : memref<!tpu.dma_semaphore, #tpu.memory_space<semaphore_mem>>) src(%dma_wait3A_48 : memref<6256xf32, #tpu.memory_space<hbm>>) dst(%arg24 : memref<6256xf32, #tpu.memory_space<vmem>>)
      tpu.yield
    }) : () -> ()
    "tpu.region"() ({
      %run_scoped3A = tpu.sem_alloc : memref<!tpu.dma_semaphore, #tpu.memory_space<semaphore_mem>>
      %dma_start3A_46 = tpu.memref_slice %arg12[%mul3A_2] : memref<100096xf32, #tpu.memory_space<vmem_shared>> -> memref<6256xf32, #tpu.memory_space<vmem_shared>>
      %dma_start3A_47 = tpu.memref_slice %arg12[%mul3A_2] : memref<100096xf32, #tpu.memory_space<vmem_shared>> -> memref<6256xf32, #tpu.memory_space<vmem_shared>>
      tpu.enqueue_dma source(%arg24 : memref<6256xf32, #tpu.memory_space<vmem>>) target(%dma_start3A_47 : memref<6256xf32, #tpu.memory_space<vmem_shared>>) target_semaphore(%run_scoped3A : memref<!tpu.dma_semaphore, #tpu.memory_space<semaphore_mem>>)
      %dma_wait3A = tpu.memref_slice %arg12[%mul3A_2] : memref<100096xf32, #tpu.memory_space<vmem_shared>> -> memref<6256xf32, #tpu.memory_space<vmem_shared>>
      %dma_wait3A_48 = tpu.memref_slice %arg12[%mul3A_2] : memref<100096xf32, #tpu.memory_space<vmem_shared>> -> memref<6256xf32, #tpu.memory_space<vmem_shared>>
      tpu.wait_dma2 semaphore(%run_scoped3A : memref<!tpu.dma_semaphore, #tpu.memory_space<semaphore_mem>>) src(%arg24 : memref<6256xf32, #tpu.memory_space<vmem>>) dst(%dma_wait3A_48 : memref<6256xf32, #tpu.memory_space<vmem_shared>>)
      tpu.yield
    }) : () -> ()
    "tpu.region"() ({
      %run_scoped3A = tpu.sem_alloc : memref<!tpu.dma_semaphore, #tpu.memory_space<semaphore_mem>>
      %dma_start3A_46 = tpu.memref_slice %arg7[%mul3A_2] : memref<100096xf32, #tpu.memory_space<hbm>> -> memref<6256xf32, #tpu.memory_space<hbm>>
      %dma_start3A_47 = tpu.memref_slice %arg7[%mul3A_2] : memref<100096xf32, #tpu.memory_space<hbm>> -> memref<6256xf32, #tpu.memory_space<hbm>>
      tpu.enqueue_dma source(%dma_start3A_47 : memref<6256xf32, #tpu.memory_space<hbm>>) target(%arg24 : memref<6256xf32, #tpu.memory_space<vmem>>) target_semaphore(%run_scoped3A : memref<!tpu.dma_semaphore, #tpu.memory_space<semaphore_mem>>)
      %dma_wait3A = tpu.memref_slice %arg7[%mul3A_2] : memref<100096xf32, #tpu.memory_space<hbm>> -> memref<6256xf32, #tpu.memory_space<hbm>>
      %dma_wait3A_48 = tpu.memref_slice %arg7[%mul3A_2] : memref<100096xf32, #tpu.memory_space<hbm>> -> memref<6256xf32, #tpu.memory_space<hbm>>
      tpu.wait_dma2 semaphore(%run_scoped3A : memref<!tpu.dma_semaphore, #tpu.memory_space<semaphore_mem>>) src(%dma_wait3A_48 : memref<6256xf32, #tpu.memory_space<hbm>>) dst(%arg24 : memref<6256xf32, #tpu.memory_space<vmem>>)
      tpu.yield
    }) : () -> ()
    "tpu.region"() ({
      %run_scoped3A = tpu.sem_alloc : memref<!tpu.dma_semaphore, #tpu.memory_space<semaphore_mem>>
      %dma_start3A_46 = tpu.memref_slice %arg13[%mul3A_2] : memref<100096xf32, #tpu.memory_space<vmem_shared>> -> memref<6256xf32, #tpu.memory_space<vmem_shared>>
      %dma_start3A_47 = tpu.memref_slice %arg13[%mul3A_2] : memref<100096xf32, #tpu.memory_space<vmem_shared>> -> memref<6256xf32, #tpu.memory_space<vmem_shared>>
      tpu.enqueue_dma source(%arg24 : memref<6256xf32, #tpu.memory_space<vmem>>) target(%dma_start3A_47 : memref<6256xf32, #tpu.memory_space<vmem_shared>>) target_semaphore(%run_scoped3A : memref<!tpu.dma_semaphore, #tpu.memory_space<semaphore_mem>>)
      %dma_wait3A = tpu.memref_slice %arg13[%mul3A_2] : memref<100096xf32, #tpu.memory_space<vmem_shared>> -> memref<6256xf32, #tpu.memory_space<vmem_shared>>
      %dma_wait3A_48 = tpu.memref_slice %arg13[%mul3A_2] : memref<100096xf32, #tpu.memory_space<vmem_shared>> -> memref<6256xf32, #tpu.memory_space<vmem_shared>>
      tpu.wait_dma2 semaphore(%run_scoped3A : memref<!tpu.dma_semaphore, #tpu.memory_space<semaphore_mem>>) src(%arg24 : memref<6256xf32, #tpu.memory_space<vmem>>) dst(%dma_wait3A_48 : memref<6256xf32, #tpu.memory_space<vmem_shared>>)
      tpu.yield
    }) : () -> ()
    %barrier3A = arith.constant 0 : index
    tpu.barrier barrier_id(%barrier3A)
    %eq3A = arith.constant 0 : i32
    %eq3A_3 = arith.cmpi eq, %arg0, %eq3A : i32
    %mul3A_4 = arith.constant 108 : i32
    %mul3A_5 = arith.muli %arg1, %mul3A_4 : i32
    %mul3A_6 = arith.constant 88 : i32
    %mul3A_7 = arith.muli %arg1, %mul3A_6 : i32
    %add3A_8 = arith.constant 1728 : i32
    %add3A_9 = arith.addi %add3A_8, %mul3A_7 : i32
    %select_n3A = arith.select %eq3A_3, %mul3A_5, %add3A_9 : i32
    %eq3A_10 = arith.constant 0 : i32
    %eq3A_11 = arith.cmpi eq, %arg0, %eq3A_10 : i32
    %jit3A = arith.constant 108 : i32
    %jit3A_12 = arith.constant 88 : i32
    %select_n3A_13 = arith.select %eq3A_11, %jit3A, %jit3A_12 : i32
    %mul3A_14 = arith.constant 2048 : i32
    %mul3A_15 = arith.muli %select_n3A, %mul3A_14 : i32
    %dma_start3A = tpu.memref_slice %arg2[%mul3A_15] : memref<6422528xi32, #tpu.memory_space<hbm>> -> memref<2048xi32, #tpu.memory_space<hbm>>
    %dma_start3A_16 = tpu.memref_slice %arg2[%mul3A_15] : memref<6422528xi32, #tpu.memory_space<hbm>> -> memref<2048xi32, #tpu.memory_space<hbm>>
    tpu.enqueue_dma source(%dma_start3A_16 : memref<2048xi32, #tpu.memory_space<hbm>>) target(%arg17 : memref<2048xi32, #tpu.memory_space<vmem>>) target_semaphore(%arg25 : memref<!tpu.dma_semaphore, #tpu.memory_space<semaphore_mem>>)
    %dma_start3A_17 = tpu.memref_slice %arg3[%mul3A_15] : memref<6422528xi32, #tpu.memory_space<hbm>> -> memref<2048xi32, #tpu.memory_space<hbm>>
    %dma_start3A_18 = tpu.memref_slice %arg3[%mul3A_15] : memref<6422528xi32, #tpu.memory_space<hbm>> -> memref<2048xi32, #tpu.memory_space<hbm>>
    tpu.enqueue_dma source(%dma_start3A_18 : memref<2048xi32, #tpu.memory_space<hbm>>) target(%arg19 : memref<2048xi32, #tpu.memory_space<vmem>>) target_semaphore(%arg25 : memref<!tpu.dma_semaphore, #tpu.memory_space<semaphore_mem>>)
    %while3A = arith.constant 0 : i32
    %while3A_19 = arith.constant 0 : i32
    %while3A_20 = arith.subi %select_n3A_13, %while3A : i32
    %while3A_21 = arith.addi %while3A, %while3A_20 : i32
    %while3A_22 = arith.constant 1 : i32
    %while3A_23 = arith.divsi %while3A_20, %while3A_22 : i32
    %while3A_24 = arith.muli %while3A_23, %while3A_22 : i32
    %while3A_25 = arith.addi %while3A, %while3A_24 : i32
    %while3A_26 = arith.constant 1 : i32
    %while3A_27 = scf.for %while3A_46 = %while3A to %while3A_25 step %while3A_26 iter_args(%while3A_47 = %while3A_19) -> (i32)  : i32 {
      %rem3A = arith.constant 2 : i32
      %rem3A_48 = arith.remsi %while3A_46, %rem3A : i32
      %eq3A_49 = arith.constant 0 : i32
      %eq3A_50 = arith.cmpi eq, %rem3A_48, %eq3A_49 : i32
      %convert_element_type3A = arith.extui %eq3A_50 : i1 to i32
      %cond3A = arith.constant 0 : i32
      %cond3A_51 = arith.cmpi ne, %convert_element_type3A, %cond3A : i32
      scf.if %cond3A_51 {
        %dma_wait3A = arith.constant 0 : i32
        %dma_wait3A_58 = tpu.memref_slice %arg2[%dma_wait3A] : memref<6422528xi32, #tpu.memory_space<hbm>> -> memref<2048xi32, #tpu.memory_space<hbm>>
        %dma_wait3A_59 = arith.constant 0 : i32
        %dma_wait3A_60 = tpu.memref_slice %arg2[%dma_wait3A_59] : memref<6422528xi32, #tpu.memory_space<hbm>> -> memref<2048xi32, #tpu.memory_space<hbm>>
        tpu.wait_dma2 semaphore(%arg25 : memref<!tpu.dma_semaphore, #tpu.memory_space<semaphore_mem>>) src(%dma_wait3A_60 : memref<2048xi32, #tpu.memory_space<hbm>>) dst(%arg17 : memref<2048xi32, #tpu.memory_space<vmem>>)
        %dma_wait3A_61 = arith.constant 0 : i32
        %dma_wait3A_62 = tpu.memref_slice %arg3[%dma_wait3A_61] : memref<6422528xi32, #tpu.memory_space<hbm>> -> memref<2048xi32, #tpu.memory_space<hbm>>
        %dma_wait3A_63 = arith.constant 0 : i32
        %dma_wait3A_64 = tpu.memref_slice %arg3[%dma_wait3A_63] : memref<6422528xi32, #tpu.memory_space<hbm>> -> memref<2048xi32, #tpu.memory_space<hbm>>
        tpu.wait_dma2 semaphore(%arg25 : memref<!tpu.dma_semaphore, #tpu.memory_space<semaphore_mem>>) src(%dma_wait3A_64 : memref<2048xi32, #tpu.memory_space<hbm>>) dst(%arg19 : memref<2048xi32, #tpu.memory_space<vmem>>)
        %add3A_65 = arith.constant 1 : i32
        %add3A_66 = arith.addi %while3A_46, %add3A_65 : i32
        %lt3A = arith.cmpi slt, %add3A_66, %select_n3A_13 : i32
        %convert_element_type3A_67 = arith.extui %lt3A : i1 to i32
        %cond3A_68 = arith.constant 0 : i32
        %cond3A_69 = arith.cmpi ne, %convert_element_type3A_67, %cond3A_68 : i32
        scf.if %cond3A_69 {
          %add3A_94 = arith.addi %select_n3A, %while3A_46 : i32
          %add3A_95 = arith.constant 1 : i32
          %add3A_96 = arith.addi %add3A_94, %add3A_95 : i32
          %mul3A_97 = arith.constant 2048 : i32
          %mul3A_98 = arith.muli %add3A_96, %mul3A_97 : i32
          %dma_start3A_99 = tpu.memref_slice %arg2[%mul3A_98] : memref<6422528xi32, #tpu.memory_space<hbm>> -> memref<2048xi32, #tpu.memory_space<hbm>>
          %dma_start3A_100 = tpu.memref_slice %arg2[%mul3A_98] : memref<6422528xi32, #tpu.memory_space<hbm>> -> memref<2048xi32, #tpu.memory_space<hbm>>
          tpu.enqueue_dma source(%dma_start3A_100 : memref<2048xi32, #tpu.memory_space<hbm>>) target(%arg18 : memref<2048xi32, #tpu.memory_space<vmem>>) target_semaphore(%arg25 : memref<!tpu.dma_semaphore, #tpu.memory_space<semaphore_mem>>)
          %dma_start3A_101 = tpu.memref_slice %arg3[%mul3A_98] : memref<6422528xi32, #tpu.memory_space<hbm>> -> memref<2048xi32, #tpu.memory_space<hbm>>
          %dma_start3A_102 = tpu.memref_slice %arg3[%mul3A_98] : memref<6422528xi32, #tpu.memory_space<hbm>> -> memref<2048xi32, #tpu.memory_space<hbm>>
          tpu.enqueue_dma source(%dma_start3A_102 : memref<2048xi32, #tpu.memory_space<hbm>>) target(%arg20 : memref<2048xi32, #tpu.memory_space<vmem>>) target_semaphore(%arg25 : memref<!tpu.dma_semaphore, #tpu.memory_space<semaphore_mem>>)
        } else {
        }
        %dma_start3A_70 = arith.constant 0 : i32
        %dma_start3A_71 = tpu.memref_slice %arg11[%dma_start3A_70] : memref<100096xf32, #tpu.memory_space<vmem_shared>> -> memref<100096xf32, #tpu.memory_space<vmem_shared>>
        tpu.enqueue_indirect_dma source(%dma_start3A_71 : memref<100096xf32, #tpu.memory_space<vmem_shared>>) target(%arg21 : memref<2048xf32, #tpu.memory_space<vmem>>) offsets(%arg17 : memref<2048xi32, #tpu.memory_space<vmem>>) semaphore(%arg26 : memref<!tpu.dma_semaphore, #tpu.memory_space<semaphore_mem>>)
        %dma_start3A_72 = arith.constant 0 : i32
        %dma_start3A_73 = tpu.memref_slice %arg12[%dma_start3A_72] : memref<100096xf32, #tpu.memory_space<vmem_shared>> -> memref<100096xf32, #tpu.memory_space<vmem_shared>>
        tpu.enqueue_indirect_dma source(%dma_start3A_73 : memref<100096xf32, #tpu.memory_space<vmem_shared>>) target(%arg22 : memref<2048xf32, #tpu.memory_space<vmem>>) offsets(%arg17 : memref<2048xi32, #tpu.memory_space<vmem>>) semaphore(%arg26 : memref<!tpu.dma_semaphore, #tpu.memory_space<semaphore_mem>>)
        %dma_start3A_74 = arith.constant 0 : i32
        %dma_start3A_75 = tpu.memref_slice %arg13[%dma_start3A_74] : memref<100096xf32, #tpu.memory_space<vmem_shared>> -> memref<100096xf32, #tpu.memory_space<vmem_shared>>
        tpu.enqueue_indirect_dma source(%dma_start3A_75 : memref<100096xf32, #tpu.memory_space<vmem_shared>>) target(%arg23 : memref<2048xf32, #tpu.memory_space<vmem>>) offsets(%arg17 : memref<2048xi32, #tpu.memory_space<vmem>>) semaphore(%arg26 : memref<!tpu.dma_semaphore, #tpu.memory_space<semaphore_mem>>)
        %dma_wait3A_76 = arith.constant 0 : i32
        %dma_wait3A_77 = tpu.memref_slice %arg11[%dma_wait3A_76] : memref<100096xf32, #tpu.memory_space<vmem_shared>> -> memref<100096xf32, #tpu.memory_space<vmem_shared>>
        tpu.wait_indirect_dma semaphore(%arg26 : memref<!tpu.dma_semaphore, #tpu.memory_space<semaphore_mem>>) src(%dma_wait3A_77 : memref<100096xf32, #tpu.memory_space<vmem_shared>>) dst(%arg21 : memref<2048xf32, #tpu.memory_space<vmem>>)
        %dma_wait3A_78 = arith.constant 0 : i32
        %dma_wait3A_79 = tpu.memref_slice %arg12[%dma_wait3A_78] : memref<100096xf32, #tpu.memory_space<vmem_shared>> -> memref<100096xf32, #tpu.memory_space<vmem_shared>>
        tpu.wait_indirect_dma semaphore(%arg26 : memref<!tpu.dma_semaphore, #tpu.memory_space<semaphore_mem>>) src(%dma_wait3A_79 : memref<100096xf32, #tpu.memory_space<vmem_shared>>) dst(%arg22 : memref<2048xf32, #tpu.memory_space<vmem>>)
        %dma_wait3A_80 = arith.constant 0 : i32
        %dma_wait3A_81 = tpu.memref_slice %arg13[%dma_wait3A_80] : memref<100096xf32, #tpu.memory_space<vmem_shared>> -> memref<100096xf32, #tpu.memory_space<vmem_shared>>
        tpu.wait_indirect_dma semaphore(%arg26 : memref<!tpu.dma_semaphore, #tpu.memory_space<semaphore_mem>>) src(%dma_wait3A_81 : memref<100096xf32, #tpu.memory_space<vmem_shared>>) dst(%arg23 : memref<2048xf32, #tpu.memory_space<vmem>>)
        %dma_start3A_82 = arith.constant 0 : i32
        %dma_start3A_83 = tpu.memref_slice %arg14[%dma_start3A_82] : memref<100096xf32, #tpu.memory_space<vmem_shared>> -> memref<100096xf32, #tpu.memory_space<vmem_shared>>
        tpu.enqueue_indirect_dma source(%arg21 : memref<2048xf32, #tpu.memory_space<vmem>>) target(%dma_start3A_83 : memref<100096xf32, #tpu.memory_space<vmem_shared>>) offsets(%arg19 : memref<2048xi32, #tpu.memory_space<vmem>>) semaphore(%arg27 : memref<!tpu.dma_semaphore, #tpu.memory_space<semaphore_mem>>) {add = true}
        %dma_start3A_84 = arith.constant 0 : i32
        %dma_start3A_85 = tpu.memref_slice %arg15[%dma_start3A_84] : memref<100096xf32, #tpu.memory_space<vmem_shared>> -> memref<100096xf32, #tpu.memory_space<vmem_shared>>
        tpu.enqueue_indirect_dma source(%arg22 : memref<2048xf32, #tpu.memory_space<vmem>>) target(%dma_start3A_85 : memref<100096xf32, #tpu.memory_space<vmem_shared>>) offsets(%arg19 : memref<2048xi32, #tpu.memory_space<vmem>>) semaphore(%arg27 : memref<!tpu.dma_semaphore, #tpu.memory_space<semaphore_mem>>) {add = true}
        %dma_start3A_86 = arith.constant 0 : i32
        %dma_start3A_87 = tpu.memref_slice %arg16[%dma_start3A_86] : memref<100096xf32, #tpu.memory_space<vmem_shared>> -> memref<100096xf32, #tpu.memory_space<vmem_shared>>
        tpu.enqueue_indirect_dma source(%arg23 : memref<2048xf32, #tpu.memory_space<vmem>>) target(%dma_start3A_87 : memref<100096xf32, #tpu.memory_space<vmem_shared>>) offsets(%arg19 : memref<2048xi32, #tpu.memory_space<vmem>>) semaphore(%arg27 : memref<!tpu.dma_semaphore, #tpu.memory_space<semaphore_mem>>) {add = true}
        %dma_wait3A_88 = arith.constant 0 : i32
        %dma_wait3A_89 = tpu.memref_slice %arg14[%dma_wait3A_88] : memref<100096xf32, #tpu.memory_space<vmem_shared>> -> memref<100096xf32, #tpu.memory_space<vmem_shared>>
        tpu.wait_indirect_dma semaphore(%arg27 : memref<!tpu.dma_semaphore, #tpu.memory_space<semaphore_mem>>) src(%arg21 : memref<2048xf32, #tpu.memory_space<vmem>>) dst(%dma_wait3A_89 : memref<100096xf32, #tpu.memory_space<vmem_shared>>)
        %dma_wait3A_90 = arith.constant 0 : i32
        %dma_wait3A_91 = tpu.memref_slice %arg15[%dma_wait3A_90] : memref<100096xf32, #tpu.memory_space<vmem_shared>> -> memref<100096xf32, #tpu.memory_space<vmem_shared>>
        tpu.wait_indirect_dma semaphore(%arg27 : memref<!tpu.dma_semaphore, #tpu.memory_space<semaphore_mem>>) src(%arg22 : memref<2048xf32, #tpu.memory_space<vmem>>) dst(%dma_wait3A_91 : memref<100096xf32, #tpu.memory_space<vmem_shared>>)
        %dma_wait3A_92 = arith.constant 0 : i32
        %dma_wait3A_93 = tpu.memref_slice %arg16[%dma_wait3A_92] : memref<100096xf32, #tpu.memory_space<vmem_shared>> -> memref<100096xf32, #tpu.memory_space<vmem_shared>>
        tpu.wait_indirect_dma semaphore(%arg27 : memref<!tpu.dma_semaphore, #tpu.memory_space<semaphore_mem>>) src(%arg23 : memref<2048xf32, #tpu.memory_space<vmem>>) dst(%dma_wait3A_93 : memref<100096xf32, #tpu.memory_space<vmem_shared>>)
      } else {
      }
      %eq3A_52 = arith.constant 1 : i32
      %eq3A_53 = arith.cmpi eq, %rem3A_48, %eq3A_52 : i32
      %convert_element_type3A_54 = arith.extui %eq3A_53 : i1 to i32
      %cond3A_55 = arith.constant 0 : i32
      %cond3A_56 = arith.cmpi ne, %convert_element_type3A_54, %cond3A_55 : i32
      scf.if %cond3A_56 {
        %dma_wait3A = arith.constant 0 : i32
        %dma_wait3A_58 = tpu.memref_slice %arg2[%dma_wait3A] : memref<6422528xi32, #tpu.memory_space<hbm>> -> memref<2048xi32, #tpu.memory_space<hbm>>
        %dma_wait3A_59 = arith.constant 0 : i32
        %dma_wait3A_60 = tpu.memref_slice %arg2[%dma_wait3A_59] : memref<6422528xi32, #tpu.memory_space<hbm>> -> memref<2048xi32, #tpu.memory_space<hbm>>
        tpu.wait_dma2 semaphore(%arg25 : memref<!tpu.dma_semaphore, #tpu.memory_space<semaphore_mem>>) src(%dma_wait3A_60 : memref<2048xi32, #tpu.memory_space<hbm>>) dst(%arg18 : memref<2048xi32, #tpu.memory_space<vmem>>)
        %dma_wait3A_61 = arith.constant 0 : i32
        %dma_wait3A_62 = tpu.memref_slice %arg3[%dma_wait3A_61] : memref<6422528xi32, #tpu.memory_space<hbm>> -> memref<2048xi32, #tpu.memory_space<hbm>>
        %dma_wait3A_63 = arith.constant 0 : i32
        %dma_wait3A_64 = tpu.memref_slice %arg3[%dma_wait3A_63] : memref<6422528xi32, #tpu.memory_space<hbm>> -> memref<2048xi32, #tpu.memory_space<hbm>>
        tpu.wait_dma2 semaphore(%arg25 : memref<!tpu.dma_semaphore, #tpu.memory_space<semaphore_mem>>) src(%dma_wait3A_64 : memref<2048xi32, #tpu.memory_space<hbm>>) dst(%arg20 : memref<2048xi32, #tpu.memory_space<vmem>>)
        %add3A_65 = arith.constant 1 : i32
        %add3A_66 = arith.addi %while3A_46, %add3A_65 : i32
        %lt3A = arith.cmpi slt, %add3A_66, %select_n3A_13 : i32
        %convert_element_type3A_67 = arith.extui %lt3A : i1 to i32
        %cond3A_68 = arith.constant 0 : i32
        %cond3A_69 = arith.cmpi ne, %convert_element_type3A_67, %cond3A_68 : i32
        scf.if %cond3A_69 {
          %add3A_94 = arith.addi %select_n3A, %while3A_46 : i32
          %add3A_95 = arith.constant 1 : i32
          %add3A_96 = arith.addi %add3A_94, %add3A_95 : i32
          %mul3A_97 = arith.constant 2048 : i32
          %mul3A_98 = arith.muli %add3A_96, %mul3A_97 : i32
          %dma_start3A_99 = tpu.memref_slice %arg2[%mul3A_98] : memref<6422528xi32, #tpu.memory_space<hbm>> -> memref<2048xi32, #tpu.memory_space<hbm>>
          %dma_start3A_100 = tpu.memref_slice %arg2[%mul3A_98] : memref<6422528xi32, #tpu.memory_space<hbm>> -> memref<2048xi32, #tpu.memory_space<hbm>>
          tpu.enqueue_dma source(%dma_start3A_100 : memref<2048xi32, #tpu.memory_space<hbm>>) target(%arg17 : memref<2048xi32, #tpu.memory_space<vmem>>) target_semaphore(%arg25 : memref<!tpu.dma_semaphore, #tpu.memory_space<semaphore_mem>>)
          %dma_start3A_101 = tpu.memref_slice %arg3[%mul3A_98] : memref<6422528xi32, #tpu.memory_space<hbm>> -> memref<2048xi32, #tpu.memory_space<hbm>>
          %dma_start3A_102 = tpu.memref_slice %arg3[%mul3A_98] : memref<6422528xi32, #tpu.memory_space<hbm>> -> memref<2048xi32, #tpu.memory_space<hbm>>
          tpu.enqueue_dma source(%dma_start3A_102 : memref<2048xi32, #tpu.memory_space<hbm>>) target(%arg19 : memref<2048xi32, #tpu.memory_space<vmem>>) target_semaphore(%arg25 : memref<!tpu.dma_semaphore, #tpu.memory_space<semaphore_mem>>)
        } else {
        }
        %dma_start3A_70 = arith.constant 0 : i32
        %dma_start3A_71 = tpu.memref_slice %arg11[%dma_start3A_70] : memref<100096xf32, #tpu.memory_space<vmem_shared>> -> memref<100096xf32, #tpu.memory_space<vmem_shared>>
        tpu.enqueue_indirect_dma source(%dma_start3A_71 : memref<100096xf32, #tpu.memory_space<vmem_shared>>) target(%arg21 : memref<2048xf32, #tpu.memory_space<vmem>>) offsets(%arg18 : memref<2048xi32, #tpu.memory_space<vmem>>) semaphore(%arg26 : memref<!tpu.dma_semaphore, #tpu.memory_space<semaphore_mem>>)
        %dma_start3A_72 = arith.constant 0 : i32
        %dma_start3A_73 = tpu.memref_slice %arg12[%dma_start3A_72] : memref<100096xf32, #tpu.memory_space<vmem_shared>> -> memref<100096xf32, #tpu.memory_space<vmem_shared>>
        tpu.enqueue_indirect_dma source(%dma_start3A_73 : memref<100096xf32, #tpu.memory_space<vmem_shared>>) target(%arg22 : memref<2048xf32, #tpu.memory_space<vmem>>) offsets(%arg18 : memref<2048xi32, #tpu.memory_space<vmem>>) semaphore(%arg26 : memref<!tpu.dma_semaphore, #tpu.memory_space<semaphore_mem>>)
        %dma_start3A_74 = arith.constant 0 : i32
        %dma_start3A_75 = tpu.memref_slice %arg13[%dma_start3A_74] : memref<100096xf32, #tpu.memory_space<vmem_shared>> -> memref<100096xf32, #tpu.memory_space<vmem_shared>>
        tpu.enqueue_indirect_dma source(%dma_start3A_75 : memref<100096xf32, #tpu.memory_space<vmem_shared>>) target(%arg23 : memref<2048xf32, #tpu.memory_space<vmem>>) offsets(%arg18 : memref<2048xi32, #tpu.memory_space<vmem>>) semaphore(%arg26 : memref<!tpu.dma_semaphore, #tpu.memory_space<semaphore_mem>>)
        %dma_wait3A_76 = arith.constant 0 : i32
        %dma_wait3A_77 = tpu.memref_slice %arg11[%dma_wait3A_76] : memref<100096xf32, #tpu.memory_space<vmem_shared>> -> memref<100096xf32, #tpu.memory_space<vmem_shared>>
        tpu.wait_indirect_dma semaphore(%arg26 : memref<!tpu.dma_semaphore, #tpu.memory_space<semaphore_mem>>) src(%dma_wait3A_77 : memref<100096xf32, #tpu.memory_space<vmem_shared>>) dst(%arg21 : memref<2048xf32, #tpu.memory_space<vmem>>)
        %dma_wait3A_78 = arith.constant 0 : i32
        %dma_wait3A_79 = tpu.memref_slice %arg12[%dma_wait3A_78] : memref<100096xf32, #tpu.memory_space<vmem_shared>> -> memref<100096xf32, #tpu.memory_space<vmem_shared>>
        tpu.wait_indirect_dma semaphore(%arg26 : memref<!tpu.dma_semaphore, #tpu.memory_space<semaphore_mem>>) src(%dma_wait3A_79 : memref<100096xf32, #tpu.memory_space<vmem_shared>>) dst(%arg22 : memref<2048xf32, #tpu.memory_space<vmem>>)
        %dma_wait3A_80 = arith.constant 0 : i32
        %dma_wait3A_81 = tpu.memref_slice %arg13[%dma_wait3A_80] : memref<100096xf32, #tpu.memory_space<vmem_shared>> -> memref<100096xf32, #tpu.memory_space<vmem_shared>>
        tpu.wait_indirect_dma semaphore(%arg26 : memref<!tpu.dma_semaphore, #tpu.memory_space<semaphore_mem>>) src(%dma_wait3A_81 : memref<100096xf32, #tpu.memory_space<vmem_shared>>) dst(%arg23 : memref<2048xf32, #tpu.memory_space<vmem>>)
        %dma_start3A_82 = arith.constant 0 : i32
        %dma_start3A_83 = tpu.memref_slice %arg14[%dma_start3A_82] : memref<100096xf32, #tpu.memory_space<vmem_shared>> -> memref<100096xf32, #tpu.memory_space<vmem_shared>>
        tpu.enqueue_indirect_dma source(%arg21 : memref<2048xf32, #tpu.memory_space<vmem>>) target(%dma_start3A_83 : memref<100096xf32, #tpu.memory_space<vmem_shared>>) offsets(%arg20 : memref<2048xi32, #tpu.memory_space<vmem>>) semaphore(%arg27 : memref<!tpu.dma_semaphore, #tpu.memory_space<semaphore_mem>>) {add = true}
        %dma_start3A_84 = arith.constant 0 : i32
        %dma_start3A_85 = tpu.memref_slice %arg15[%dma_start3A_84] : memref<100096xf32, #tpu.memory_space<vmem_shared>> -> memref<100096xf32, #tpu.memory_space<vmem_shared>>
        tpu.enqueue_indirect_dma source(%arg22 : memref<2048xf32, #tpu.memory_space<vmem>>) target(%dma_start3A_85 : memref<100096xf32, #tpu.memory_space<vmem_shared>>) offsets(%arg20 : memref<2048xi32, #tpu.memory_space<vmem>>) semaphore(%arg27 : memref<!tpu.dma_semaphore, #tpu.memory_space<semaphore_mem>>) {add = true}
        %dma_start3A_86 = arith.constant 0 : i32
        %dma_start3A_87 = tpu.memref_slice %arg16[%dma_start3A_86] : memref<100096xf32, #tpu.memory_space<vmem_shared>> -> memref<100096xf32, #tpu.memory_space<vmem_shared>>
        tpu.enqueue_indirect_dma source(%arg23 : memref<2048xf32, #tpu.memory_space<vmem>>) target(%dma_start3A_87 : memref<100096xf32, #tpu.memory_space<vmem_shared>>) offsets(%arg20 : memref<2048xi32, #tpu.memory_space<vmem>>) semaphore(%arg27 : memref<!tpu.dma_semaphore, #tpu.memory_space<semaphore_mem>>) {add = true}
        %dma_wait3A_88 = arith.constant 0 : i32
        %dma_wait3A_89 = tpu.memref_slice %arg14[%dma_wait3A_88] : memref<100096xf32, #tpu.memory_space<vmem_shared>> -> memref<100096xf32, #tpu.memory_space<vmem_shared>>
        tpu.wait_indirect_dma semaphore(%arg27 : memref<!tpu.dma_semaphore, #tpu.memory_space<semaphore_mem>>) src(%arg21 : memref<2048xf32, #tpu.memory_space<vmem>>) dst(%dma_wait3A_89 : memref<100096xf32, #tpu.memory_space<vmem_shared>>)
        %dma_wait3A_90 = arith.constant 0 : i32
        %dma_wait3A_91 = tpu.memref_slice %arg15[%dma_wait3A_90] : memref<100096xf32, #tpu.memory_space<vmem_shared>> -> memref<100096xf32, #tpu.memory_space<vmem_shared>>
        tpu.wait_indirect_dma semaphore(%arg27 : memref<!tpu.dma_semaphore, #tpu.memory_space<semaphore_mem>>) src(%arg22 : memref<2048xf32, #tpu.memory_space<vmem>>) dst(%dma_wait3A_91 : memref<100096xf32, #tpu.memory_space<vmem_shared>>)
        %dma_wait3A_92 = arith.constant 0 : i32
        %dma_wait3A_93 = tpu.memref_slice %arg16[%dma_wait3A_92] : memref<100096xf32, #tpu.memory_space<vmem_shared>> -> memref<100096xf32, #tpu.memory_space<vmem_shared>>
        tpu.wait_indirect_dma semaphore(%arg27 : memref<!tpu.dma_semaphore, #tpu.memory_space<semaphore_mem>>) src(%arg23 : memref<2048xf32, #tpu.memory_space<vmem>>) dst(%dma_wait3A_93 : memref<100096xf32, #tpu.memory_space<vmem_shared>>)
      } else {
      }
      %while3A_57 = arith.constant 0 : i32
      scf.yield %while3A_57 : i32
    }
    %while3A_28 = arith.constant 1 : i32
    %while3A_29 = scf.for %while3A_46 = %while3A_25 to %while3A_21 step %while3A_28 iter_args(%while3A_47 = %while3A_27) -> (i32)  : i32 {
      %rem3A = arith.constant 2 : i32
      %rem3A_48 = arith.remsi %while3A_46, %rem3A : i32
      %eq3A_49 = arith.constant 0 : i32
      %eq3A_50 = arith.cmpi eq, %rem3A_48, %eq3A_49 : i32
      %convert_element_type3A = arith.extui %eq3A_50 : i1 to i32
      %cond3A = arith.constant 0 : i32
      %cond3A_51 = arith.cmpi ne, %convert_element_type3A, %cond3A : i32
      scf.if %cond3A_51 {
        %dma_wait3A = arith.constant 0 : i32
        %dma_wait3A_58 = tpu.memref_slice %arg2[%dma_wait3A] : memref<6422528xi32, #tpu.memory_space<hbm>> -> memref<2048xi32, #tpu.memory_space<hbm>>
        %dma_wait3A_59 = arith.constant 0 : i32
        %dma_wait3A_60 = tpu.memref_slice %arg2[%dma_wait3A_59] : memref<6422528xi32, #tpu.memory_space<hbm>> -> memref<2048xi32, #tpu.memory_space<hbm>>
        tpu.wait_dma2 semaphore(%arg25 : memref<!tpu.dma_semaphore, #tpu.memory_space<semaphore_mem>>) src(%dma_wait3A_60 : memref<2048xi32, #tpu.memory_space<hbm>>) dst(%arg17 : memref<2048xi32, #tpu.memory_space<vmem>>)
        %dma_wait3A_61 = arith.constant 0 : i32
        %dma_wait3A_62 = tpu.memref_slice %arg3[%dma_wait3A_61] : memref<6422528xi32, #tpu.memory_space<hbm>> -> memref<2048xi32, #tpu.memory_space<hbm>>
        %dma_wait3A_63 = arith.constant 0 : i32
        %dma_wait3A_64 = tpu.memref_slice %arg3[%dma_wait3A_63] : memref<6422528xi32, #tpu.memory_space<hbm>> -> memref<2048xi32, #tpu.memory_space<hbm>>
        tpu.wait_dma2 semaphore(%arg25 : memref<!tpu.dma_semaphore, #tpu.memory_space<semaphore_mem>>) src(%dma_wait3A_64 : memref<2048xi32, #tpu.memory_space<hbm>>) dst(%arg19 : memref<2048xi32, #tpu.memory_space<vmem>>)
        %add3A_65 = arith.constant 1 : i32
        %add3A_66 = arith.addi %while3A_46, %add3A_65 : i32
        %lt3A = arith.cmpi slt, %add3A_66, %select_n3A_13 : i32
        %convert_element_type3A_67 = arith.extui %lt3A : i1 to i32
        %cond3A_68 = arith.constant 0 : i32
        %cond3A_69 = arith.cmpi ne, %convert_element_type3A_67, %cond3A_68 : i32
        scf.if %cond3A_69 {
          %add3A_94 = arith.addi %select_n3A, %while3A_46 : i32
          %add3A_95 = arith.constant 1 : i32
          %add3A_96 = arith.addi %add3A_94, %add3A_95 : i32
          %mul3A_97 = arith.constant 2048 : i32
          %mul3A_98 = arith.muli %add3A_96, %mul3A_97 : i32
          %dma_start3A_99 = tpu.memref_slice %arg2[%mul3A_98] : memref<6422528xi32, #tpu.memory_space<hbm>> -> memref<2048xi32, #tpu.memory_space<hbm>>
          %dma_start3A_100 = tpu.memref_slice %arg2[%mul3A_98] : memref<6422528xi32, #tpu.memory_space<hbm>> -> memref<2048xi32, #tpu.memory_space<hbm>>
          tpu.enqueue_dma source(%dma_start3A_100 : memref<2048xi32, #tpu.memory_space<hbm>>) target(%arg18 : memref<2048xi32, #tpu.memory_space<vmem>>) target_semaphore(%arg25 : memref<!tpu.dma_semaphore, #tpu.memory_space<semaphore_mem>>)
          %dma_start3A_101 = tpu.memref_slice %arg3[%mul3A_98] : memref<6422528xi32, #tpu.memory_space<hbm>> -> memref<2048xi32, #tpu.memory_space<hbm>>
          %dma_start3A_102 = tpu.memref_slice %arg3[%mul3A_98] : memref<6422528xi32, #tpu.memory_space<hbm>> -> memref<2048xi32, #tpu.memory_space<hbm>>
          tpu.enqueue_dma source(%dma_start3A_102 : memref<2048xi32, #tpu.memory_space<hbm>>) target(%arg20 : memref<2048xi32, #tpu.memory_space<vmem>>) target_semaphore(%arg25 : memref<!tpu.dma_semaphore, #tpu.memory_space<semaphore_mem>>)
        } else {
        }
        %dma_start3A_70 = arith.constant 0 : i32
        %dma_start3A_71 = tpu.memref_slice %arg11[%dma_start3A_70] : memref<100096xf32, #tpu.memory_space<vmem_shared>> -> memref<100096xf32, #tpu.memory_space<vmem_shared>>
        tpu.enqueue_indirect_dma source(%dma_start3A_71 : memref<100096xf32, #tpu.memory_space<vmem_shared>>) target(%arg21 : memref<2048xf32, #tpu.memory_space<vmem>>) offsets(%arg17 : memref<2048xi32, #tpu.memory_space<vmem>>) semaphore(%arg26 : memref<!tpu.dma_semaphore, #tpu.memory_space<semaphore_mem>>)
        %dma_start3A_72 = arith.constant 0 : i32
        %dma_start3A_73 = tpu.memref_slice %arg12[%dma_start3A_72] : memref<100096xf32, #tpu.memory_space<vmem_shared>> -> memref<100096xf32, #tpu.memory_space<vmem_shared>>
        tpu.enqueue_indirect_dma source(%dma_start3A_73 : memref<100096xf32, #tpu.memory_space<vmem_shared>>) target(%arg22 : memref<2048xf32, #tpu.memory_space<vmem>>) offsets(%arg17 : memref<2048xi32, #tpu.memory_space<vmem>>) semaphore(%arg26 : memref<!tpu.dma_semaphore, #tpu.memory_space<semaphore_mem>>)
        %dma_start3A_74 = arith.constant 0 : i32
        %dma_start3A_75 = tpu.memref_slice %arg13[%dma_start3A_74] : memref<100096xf32, #tpu.memory_space<vmem_shared>> -> memref<100096xf32, #tpu.memory_space<vmem_shared>>
        tpu.enqueue_indirect_dma source(%dma_start3A_75 : memref<100096xf32, #tpu.memory_space<vmem_shared>>) target(%arg23 : memref<2048xf32, #tpu.memory_space<vmem>>) offsets(%arg17 : memref<2048xi32, #tpu.memory_space<vmem>>) semaphore(%arg26 : memref<!tpu.dma_semaphore, #tpu.memory_space<semaphore_mem>>)
        %dma_wait3A_76 = arith.constant 0 : i32
        %dma_wait3A_77 = tpu.memref_slice %arg11[%dma_wait3A_76] : memref<100096xf32, #tpu.memory_space<vmem_shared>> -> memref<100096xf32, #tpu.memory_space<vmem_shared>>
        tpu.wait_indirect_dma semaphore(%arg26 : memref<!tpu.dma_semaphore, #tpu.memory_space<semaphore_mem>>) src(%dma_wait3A_77 : memref<100096xf32, #tpu.memory_space<vmem_shared>>) dst(%arg21 : memref<2048xf32, #tpu.memory_space<vmem>>)
        %dma_wait3A_78 = arith.constant 0 : i32
        %dma_wait3A_79 = tpu.memref_slice %arg12[%dma_wait3A_78] : memref<100096xf32, #tpu.memory_space<vmem_shared>> -> memref<100096xf32, #tpu.memory_space<vmem_shared>>
        tpu.wait_indirect_dma semaphore(%arg26 : memref<!tpu.dma_semaphore, #tpu.memory_space<semaphore_mem>>) src(%dma_wait3A_79 : memref<100096xf32, #tpu.memory_space<vmem_shared>>) dst(%arg22 : memref<2048xf32, #tpu.memory_space<vmem>>)
        %dma_wait3A_80 = arith.constant 0 : i32
        %dma_wait3A_81 = tpu.memref_slice %arg13[%dma_wait3A_80] : memref<100096xf32, #tpu.memory_space<vmem_shared>> -> memref<100096xf32, #tpu.memory_space<vmem_shared>>
        tpu.wait_indirect_dma semaphore(%arg26 : memref<!tpu.dma_semaphore, #tpu.memory_space<semaphore_mem>>) src(%dma_wait3A_81 : memref<100096xf32, #tpu.memory_space<vmem_shared>>) dst(%arg23 : memref<2048xf32, #tpu.memory_space<vmem>>)
        %dma_start3A_82 = arith.constant 0 : i32
        %dma_start3A_83 = tpu.memref_slice %arg14[%dma_start3A_82] : memref<100096xf32, #tpu.memory_space<vmem_shared>> -> memref<100096xf32, #tpu.memory_space<vmem_shared>>
        tpu.enqueue_indirect_dma source(%arg21 : memref<2048xf32, #tpu.memory_space<vmem>>) target(%dma_start3A_83 : memref<100096xf32, #tpu.memory_space<vmem_shared>>) offsets(%arg19 : memref<2048xi32, #tpu.memory_space<vmem>>) semaphore(%arg27 : memref<!tpu.dma_semaphore, #tpu.memory_space<semaphore_mem>>) {add = true}
        %dma_start3A_84 = arith.constant 0 : i32
        %dma_start3A_85 = tpu.memref_slice %arg15[%dma_start3A_84] : memref<100096xf32, #tpu.memory_space<vmem_shared>> -> memref<100096xf32, #tpu.memory_space<vmem_shared>>
        tpu.enqueue_indirect_dma source(%arg22 : memref<2048xf32, #tpu.memory_space<vmem>>) target(%dma_start3A_85 : memref<100096xf32, #tpu.memory_space<vmem_shared>>) offsets(%arg19 : memref<2048xi32, #tpu.memory_space<vmem>>) semaphore(%arg27 : memref<!tpu.dma_semaphore, #tpu.memory_space<semaphore_mem>>) {add = true}
        %dma_start3A_86 = arith.constant 0 : i32
        %dma_start3A_87 = tpu.memref_slice %arg16[%dma_start3A_86] : memref<100096xf32, #tpu.memory_space<vmem_shared>> -> memref<100096xf32, #tpu.memory_space<vmem_shared>>
        tpu.enqueue_indirect_dma source(%arg23 : memref<2048xf32, #tpu.memory_space<vmem>>) target(%dma_start3A_87 : memref<100096xf32, #tpu.memory_space<vmem_shared>>) offsets(%arg19 : memref<2048xi32, #tpu.memory_space<vmem>>) semaphore(%arg27 : memref<!tpu.dma_semaphore, #tpu.memory_space<semaphore_mem>>) {add = true}
        %dma_wait3A_88 = arith.constant 0 : i32
        %dma_wait3A_89 = tpu.memref_slice %arg14[%dma_wait3A_88] : memref<100096xf32, #tpu.memory_space<vmem_shared>> -> memref<100096xf32, #tpu.memory_space<vmem_shared>>
        tpu.wait_indirect_dma semaphore(%arg27 : memref<!tpu.dma_semaphore, #tpu.memory_space<semaphore_mem>>) src(%arg21 : memref<2048xf32, #tpu.memory_space<vmem>>) dst(%dma_wait3A_89 : memref<100096xf32, #tpu.memory_space<vmem_shared>>)
        %dma_wait3A_90 = arith.constant 0 : i32
        %dma_wait3A_91 = tpu.memref_slice %arg15[%dma_wait3A_90] : memref<100096xf32, #tpu.memory_space<vmem_shared>> -> memref<100096xf32, #tpu.memory_space<vmem_shared>>
        tpu.wait_indirect_dma semaphore(%arg27 : memref<!tpu.dma_semaphore, #tpu.memory_space<semaphore_mem>>) src(%arg22 : memref<2048xf32, #tpu.memory_space<vmem>>) dst(%dma_wait3A_91 : memref<100096xf32, #tpu.memory_space<vmem_shared>>)
        %dma_wait3A_92 = arith.constant 0 : i32
        %dma_wait3A_93 = tpu.memref_slice %arg16[%dma_wait3A_92] : memref<100096xf32, #tpu.memory_space<vmem_shared>> -> memref<100096xf32, #tpu.memory_space<vmem_shared>>
        tpu.wait_indirect_dma semaphore(%arg27 : memref<!tpu.dma_semaphore, #tpu.memory_space<semaphore_mem>>) src(%arg23 : memref<2048xf32, #tpu.memory_space<vmem>>) dst(%dma_wait3A_93 : memref<100096xf32, #tpu.memory_space<vmem_shared>>)
      } else {
      }
      %eq3A_52 = arith.constant 1 : i32
      %eq3A_53 = arith.cmpi eq, %rem3A_48, %eq3A_52 : i32
      %convert_element_type3A_54 = arith.extui %eq3A_53 : i1 to i32
      %cond3A_55 = arith.constant 0 : i32
      %cond3A_56 = arith.cmpi ne, %convert_element_type3A_54, %cond3A_55 : i32
      scf.if %cond3A_56 {
        %dma_wait3A = arith.constant 0 : i32
        %dma_wait3A_58 = tpu.memref_slice %arg2[%dma_wait3A] : memref<6422528xi32, #tpu.memory_space<hbm>> -> memref<2048xi32, #tpu.memory_space<hbm>>
        %dma_wait3A_59 = arith.constant 0 : i32
        %dma_wait3A_60 = tpu.memref_slice %arg2[%dma_wait3A_59] : memref<6422528xi32, #tpu.memory_space<hbm>> -> memref<2048xi32, #tpu.memory_space<hbm>>
        tpu.wait_dma2 semaphore(%arg25 : memref<!tpu.dma_semaphore, #tpu.memory_space<semaphore_mem>>) src(%dma_wait3A_60 : memref<2048xi32, #tpu.memory_space<hbm>>) dst(%arg18 : memref<2048xi32, #tpu.memory_space<vmem>>)
        %dma_wait3A_61 = arith.constant 0 : i32
        %dma_wait3A_62 = tpu.memref_slice %arg3[%dma_wait3A_61] : memref<6422528xi32, #tpu.memory_space<hbm>> -> memref<2048xi32, #tpu.memory_space<hbm>>
        %dma_wait3A_63 = arith.constant 0 : i32
        %dma_wait3A_64 = tpu.memref_slice %arg3[%dma_wait3A_63] : memref<6422528xi32, #tpu.memory_space<hbm>> -> memref<2048xi32, #tpu.memory_space<hbm>>
        tpu.wait_dma2 semaphore(%arg25 : memref<!tpu.dma_semaphore, #tpu.memory_space<semaphore_mem>>) src(%dma_wait3A_64 : memref<2048xi32, #tpu.memory_space<hbm>>) dst(%arg20 : memref<2048xi32, #tpu.memory_space<vmem>>)
        %add3A_65 = arith.constant 1 : i32
        %add3A_66 = arith.addi %while3A_46, %add3A_65 : i32
        %lt3A = arith.cmpi slt, %add3A_66, %select_n3A_13 : i32
        %convert_element_type3A_67 = arith.extui %lt3A : i1 to i32
        %cond3A_68 = arith.constant 0 : i32
        %cond3A_69 = arith.cmpi ne, %convert_element_type3A_67, %cond3A_68 : i32
        scf.if %cond3A_69 {
          %add3A_94 = arith.addi %select_n3A, %while3A_46 : i32
          %add3A_95 = arith.constant 1 : i32
          %add3A_96 = arith.addi %add3A_94, %add3A_95 : i32
          %mul3A_97 = arith.constant 2048 : i32
          %mul3A_98 = arith.muli %add3A_96, %mul3A_97 : i32
          %dma_start3A_99 = tpu.memref_slice %arg2[%mul3A_98] : memref<6422528xi32, #tpu.memory_space<hbm>> -> memref<2048xi32, #tpu.memory_space<hbm>>
          %dma_start3A_100 = tpu.memref_slice %arg2[%mul3A_98] : memref<6422528xi32, #tpu.memory_space<hbm>> -> memref<2048xi32, #tpu.memory_space<hbm>>
          tpu.enqueue_dma source(%dma_start3A_100 : memref<2048xi32, #tpu.memory_space<hbm>>) target(%arg17 : memref<2048xi32, #tpu.memory_space<vmem>>) target_semaphore(%arg25 : memref<!tpu.dma_semaphore, #tpu.memory_space<semaphore_mem>>)
          %dma_start3A_101 = tpu.memref_slice %arg3[%mul3A_98] : memref<6422528xi32, #tpu.memory_space<hbm>> -> memref<2048xi32, #tpu.memory_space<hbm>>
          %dma_start3A_102 = tpu.memref_slice %arg3[%mul3A_98] : memref<6422528xi32, #tpu.memory_space<hbm>> -> memref<2048xi32, #tpu.memory_space<hbm>>
          tpu.enqueue_dma source(%dma_start3A_102 : memref<2048xi32, #tpu.memory_space<hbm>>) target(%arg19 : memref<2048xi32, #tpu.memory_space<vmem>>) target_semaphore(%arg25 : memref<!tpu.dma_semaphore, #tpu.memory_space<semaphore_mem>>)
        } else {
        }
        %dma_start3A_70 = arith.constant 0 : i32
        %dma_start3A_71 = tpu.memref_slice %arg11[%dma_start3A_70] : memref<100096xf32, #tpu.memory_space<vmem_shared>> -> memref<100096xf32, #tpu.memory_space<vmem_shared>>
        tpu.enqueue_indirect_dma source(%dma_start3A_71 : memref<100096xf32, #tpu.memory_space<vmem_shared>>) target(%arg21 : memref<2048xf32, #tpu.memory_space<vmem>>) offsets(%arg18 : memref<2048xi32, #tpu.memory_space<vmem>>) semaphore(%arg26 : memref<!tpu.dma_semaphore, #tpu.memory_space<semaphore_mem>>)
        %dma_start3A_72 = arith.constant 0 : i32
        %dma_start3A_73 = tpu.memref_slice %arg12[%dma_start3A_72] : memref<100096xf32, #tpu.memory_space<vmem_shared>> -> memref<100096xf32, #tpu.memory_space<vmem_shared>>
        tpu.enqueue_indirect_dma source(%dma_start3A_73 : memref<100096xf32, #tpu.memory_space<vmem_shared>>) target(%arg22 : memref<2048xf32, #tpu.memory_space<vmem>>) offsets(%arg18 : memref<2048xi32, #tpu.memory_space<vmem>>) semaphore(%arg26 : memref<!tpu.dma_semaphore, #tpu.memory_space<semaphore_mem>>)
        %dma_start3A_74 = arith.constant 0 : i32
        %dma_start3A_75 = tpu.memref_slice %arg13[%dma_start3A_74] : memref<100096xf32, #tpu.memory_space<vmem_shared>> -> memref<100096xf32, #tpu.memory_space<vmem_shared>>
        tpu.enqueue_indirect_dma source(%dma_start3A_75 : memref<100096xf32, #tpu.memory_space<vmem_shared>>) target(%arg23 : memref<2048xf32, #tpu.memory_space<vmem>>) offsets(%arg18 : memref<2048xi32, #tpu.memory_space<vmem>>) semaphore(%arg26 : memref<!tpu.dma_semaphore, #tpu.memory_space<semaphore_mem>>)
        %dma_wait3A_76 = arith.constant 0 : i32
        %dma_wait3A_77 = tpu.memref_slice %arg11[%dma_wait3A_76] : memref<100096xf32, #tpu.memory_space<vmem_shared>> -> memref<100096xf32, #tpu.memory_space<vmem_shared>>
        tpu.wait_indirect_dma semaphore(%arg26 : memref<!tpu.dma_semaphore, #tpu.memory_space<semaphore_mem>>) src(%dma_wait3A_77 : memref<100096xf32, #tpu.memory_space<vmem_shared>>) dst(%arg21 : memref<2048xf32, #tpu.memory_space<vmem>>)
        %dma_wait3A_78 = arith.constant 0 : i32
        %dma_wait3A_79 = tpu.memref_slice %arg12[%dma_wait3A_78] : memref<100096xf32, #tpu.memory_space<vmem_shared>> -> memref<100096xf32, #tpu.memory_space<vmem_shared>>
        tpu.wait_indirect_dma semaphore(%arg26 : memref<!tpu.dma_semaphore, #tpu.memory_space<semaphore_mem>>) src(%dma_wait3A_79 : memref<100096xf32, #tpu.memory_space<vmem_shared>>) dst(%arg22 : memref<2048xf32, #tpu.memory_space<vmem>>)
        %dma_wait3A_80 = arith.constant 0 : i32
        %dma_wait3A_81 = tpu.memref_slice %arg13[%dma_wait3A_80] : memref<100096xf32, #tpu.memory_space<vmem_shared>> -> memref<100096xf32, #tpu.memory_space<vmem_shared>>
        tpu.wait_indirect_dma semaphore(%arg26 : memref<!tpu.dma_semaphore, #tpu.memory_space<semaphore_mem>>) src(%dma_wait3A_81 : memref<100096xf32, #tpu.memory_space<vmem_shared>>) dst(%arg23 : memref<2048xf32, #tpu.memory_space<vmem>>)
        %dma_start3A_82 = arith.constant 0 : i32
        %dma_start3A_83 = tpu.memref_slice %arg14[%dma_start3A_82] : memref<100096xf32, #tpu.memory_space<vmem_shared>> -> memref<100096xf32, #tpu.memory_space<vmem_shared>>
        tpu.enqueue_indirect_dma source(%arg21 : memref<2048xf32, #tpu.memory_space<vmem>>) target(%dma_start3A_83 : memref<100096xf32, #tpu.memory_space<vmem_shared>>) offsets(%arg20 : memref<2048xi32, #tpu.memory_space<vmem>>) semaphore(%arg27 : memref<!tpu.dma_semaphore, #tpu.memory_space<semaphore_mem>>) {add = true}
        %dma_start3A_84 = arith.constant 0 : i32
        %dma_start3A_85 = tpu.memref_slice %arg15[%dma_start3A_84] : memref<100096xf32, #tpu.memory_space<vmem_shared>> -> memref<100096xf32, #tpu.memory_space<vmem_shared>>
        tpu.enqueue_indirect_dma source(%arg22 : memref<2048xf32, #tpu.memory_space<vmem>>) target(%dma_start3A_85 : memref<100096xf32, #tpu.memory_space<vmem_shared>>) offsets(%arg20 : memref<2048xi32, #tpu.memory_space<vmem>>) semaphore(%arg27 : memref<!tpu.dma_semaphore, #tpu.memory_space<semaphore_mem>>) {add = true}
        %dma_start3A_86 = arith.constant 0 : i32
        %dma_start3A_87 = tpu.memref_slice %arg16[%dma_start3A_86] : memref<100096xf32, #tpu.memory_space<vmem_shared>> -> memref<100096xf32, #tpu.memory_space<vmem_shared>>
        tpu.enqueue_indirect_dma source(%arg23 : memref<2048xf32, #tpu.memory_space<vmem>>) target(%dma_start3A_87 : memref<100096xf32, #tpu.memory_space<vmem_shared>>) offsets(%arg20 : memref<2048xi32, #tpu.memory_space<vmem>>) semaphore(%arg27 : memref<!tpu.dma_semaphore, #tpu.memory_space<semaphore_mem>>) {add = true}
        %dma_wait3A_88 = arith.constant 0 : i32
        %dma_wait3A_89 = tpu.memref_slice %arg14[%dma_wait3A_88] : memref<100096xf32, #tpu.memory_space<vmem_shared>> -> memref<100096xf32, #tpu.memory_space<vmem_shared>>
        tpu.wait_indirect_dma semaphore(%arg27 : memref<!tpu.dma_semaphore, #tpu.memory_space<semaphore_mem>>) src(%arg21 : memref<2048xf32, #tpu.memory_space<vmem>>) dst(%dma_wait3A_89 : memref<100096xf32, #tpu.memory_space<vmem_shared>>)
        %dma_wait3A_90 = arith.constant 0 : i32
        %dma_wait3A_91 = tpu.memref_slice %arg15[%dma_wait3A_90] : memref<100096xf32, #tpu.memory_space<vmem_shared>> -> memref<100096xf32, #tpu.memory_space<vmem_shared>>
        tpu.wait_indirect_dma semaphore(%arg27 : memref<!tpu.dma_semaphore, #tpu.memory_space<semaphore_mem>>) src(%arg22 : memref<2048xf32, #tpu.memory_space<vmem>>) dst(%dma_wait3A_91 : memref<100096xf32, #tpu.memory_space<vmem_shared>>)
        %dma_wait3A_92 = arith.constant 0 : i32
        %dma_wait3A_93 = tpu.memref_slice %arg16[%dma_wait3A_92] : memref<100096xf32, #tpu.memory_space<vmem_shared>> -> memref<100096xf32, #tpu.memory_space<vmem_shared>>
        tpu.wait_indirect_dma semaphore(%arg27 : memref<!tpu.dma_semaphore, #tpu.memory_space<semaphore_mem>>) src(%arg23 : memref<2048xf32, #tpu.memory_space<vmem>>) dst(%dma_wait3A_93 : memref<100096xf32, #tpu.memory_space<vmem_shared>>)
      } else {
      }
      %while3A_57 = arith.constant 0 : i32
      scf.yield %while3A_57 : i32
    }
    %barrier3A_30 = arith.constant 0 : index
    tpu.barrier barrier_id(%barrier3A_30)
    "tpu.region"() ({
      %run_scoped3A = tpu.sem_alloc : memref<!tpu.dma_semaphore, #tpu.memory_space<semaphore_mem>>
      %dma_start3A_46 = tpu.memref_slice %arg14[%mul3A_2] : memref<100096xf32, #tpu.memory_space<vmem_shared>> -> memref<6256xf32, #tpu.memory_space<vmem_shared>>
      %dma_start3A_47 = tpu.memref_slice %arg14[%mul3A_2] : memref<100096xf32, #tpu.memory_space<vmem_shared>> -> memref<6256xf32, #tpu.memory_space<vmem_shared>>
      tpu.enqueue_dma source(%dma_start3A_47 : memref<6256xf32, #tpu.memory_space<vmem_shared>>) target(%arg24 : memref<6256xf32, #tpu.memory_space<vmem>>) target_semaphore(%run_scoped3A : memref<!tpu.dma_semaphore, #tpu.memory_space<semaphore_mem>>)
      %dma_wait3A = tpu.memref_slice %arg14[%mul3A_2] : memref<100096xf32, #tpu.memory_space<vmem_shared>> -> memref<6256xf32, #tpu.memory_space<vmem_shared>>
      %dma_wait3A_48 = tpu.memref_slice %arg14[%mul3A_2] : memref<100096xf32, #tpu.memory_space<vmem_shared>> -> memref<6256xf32, #tpu.memory_space<vmem_shared>>
      tpu.wait_dma2 semaphore(%run_scoped3A : memref<!tpu.dma_semaphore, #tpu.memory_space<semaphore_mem>>) src(%dma_wait3A_48 : memref<6256xf32, #tpu.memory_space<vmem_shared>>) dst(%arg24 : memref<6256xf32, #tpu.memory_space<vmem>>)
      tpu.yield
    }) : () -> ()
    %mul3A_31 = arith.constant 100096 : i32
    %mul3A_32 = arith.muli %arg0, %mul3A_31 : i32
    %mul3A_33 = arith.constant 6256 : i32
    %mul3A_34 = arith.muli %arg1, %mul3A_33 : i32
    %add3A_35 = arith.addi %mul3A_32, %mul3A_34 : i32
    "tpu.region"() ({
      %run_scoped3A = tpu.sem_alloc : memref<!tpu.dma_semaphore, #tpu.memory_space<semaphore_mem>>
      %dma_start3A_46 = tpu.memref_slice %arg8[%add3A_35] : memref<200192xf32, #tpu.memory_space<hbm>> -> memref<6256xf32, #tpu.memory_space<hbm>>
      %dma_start3A_47 = tpu.memref_slice %arg8[%add3A_35] : memref<200192xf32, #tpu.memory_space<hbm>> -> memref<6256xf32, #tpu.memory_space<hbm>>
      tpu.enqueue_dma source(%arg24 : memref<6256xf32, #tpu.memory_space<vmem>>) target(%dma_start3A_47 : memref<6256xf32, #tpu.memory_space<hbm>>) target_semaphore(%run_scoped3A : memref<!tpu.dma_semaphore, #tpu.memory_space<semaphore_mem>>)
      %dma_wait3A = tpu.memref_slice %arg8[%add3A_35] : memref<200192xf32, #tpu.memory_space<hbm>> -> memref<6256xf32, #tpu.memory_space<hbm>>
      %dma_wait3A_48 = tpu.memref_slice %arg8[%add3A_35] : memref<200192xf32, #tpu.memory_space<hbm>> -> memref<6256xf32, #tpu.memory_space<hbm>>
      tpu.wait_dma2 semaphore(%run_scoped3A : memref<!tpu.dma_semaphore, #tpu.memory_space<semaphore_mem>>) src(%arg24 : memref<6256xf32, #tpu.memory_space<vmem>>) dst(%dma_wait3A_48 : memref<6256xf32, #tpu.memory_space<hbm>>)
      tpu.yield
    }) : () -> ()
    "tpu.region"() ({
      %run_scoped3A = tpu.sem_alloc : memref<!tpu.dma_semaphore, #tpu.memory_space<semaphore_mem>>
      %dma_start3A_46 = tpu.memref_slice %arg15[%mul3A_2] : memref<100096xf32, #tpu.memory_space<vmem_shared>> -> memref<6256xf32, #tpu.memory_space<vmem_shared>>
      %dma_start3A_47 = tpu.memref_slice %arg15[%mul3A_2] : memref<100096xf32, #tpu.memory_space<vmem_shared>> -> memref<6256xf32, #tpu.memory_space<vmem_shared>>
      tpu.enqueue_dma source(%dma_start3A_47 : memref<6256xf32, #tpu.memory_space<vmem_shared>>) target(%arg24 : memref<6256xf32, #tpu.memory_space<vmem>>) target_semaphore(%run_scoped3A : memref<!tpu.dma_semaphore, #tpu.memory_space<semaphore_mem>>)
      %dma_wait3A = tpu.memref_slice %arg15[%mul3A_2] : memref<100096xf32, #tpu.memory_space<vmem_shared>> -> memref<6256xf32, #tpu.memory_space<vmem_shared>>
      %dma_wait3A_48 = tpu.memref_slice %arg15[%mul3A_2] : memref<100096xf32, #tpu.memory_space<vmem_shared>> -> memref<6256xf32, #tpu.memory_space<vmem_shared>>
      tpu.wait_dma2 semaphore(%run_scoped3A : memref<!tpu.dma_semaphore, #tpu.memory_space<semaphore_mem>>) src(%dma_wait3A_48 : memref<6256xf32, #tpu.memory_space<vmem_shared>>) dst(%arg24 : memref<6256xf32, #tpu.memory_space<vmem>>)
      tpu.yield
    }) : () -> ()
    %mul3A_36 = arith.constant 100096 : i32
    %mul3A_37 = arith.muli %arg0, %mul3A_36 : i32
    %mul3A_38 = arith.constant 6256 : i32
    %mul3A_39 = arith.muli %arg1, %mul3A_38 : i32
    %add3A_40 = arith.addi %mul3A_37, %mul3A_39 : i32
    "tpu.region"() ({
      %run_scoped3A = tpu.sem_alloc : memref<!tpu.dma_semaphore, #tpu.memory_space<semaphore_mem>>
      %dma_start3A_46 = tpu.memref_slice %arg9[%add3A_40] : memref<200192xf32, #tpu.memory_space<hbm>> -> memref<6256xf32, #tpu.memory_space<hbm>>
      %dma_start3A_47 = tpu.memref_slice %arg9[%add3A_40] : memref<200192xf32, #tpu.memory_space<hbm>> -> memref<6256xf32, #tpu.memory_space<hbm>>
      tpu.enqueue_dma source(%arg24 : memref<6256xf32, #tpu.memory_space<vmem>>) target(%dma_start3A_47 : memref<6256xf32, #tpu.memory_space<hbm>>) target_semaphore(%run_scoped3A : memref<!tpu.dma_semaphore, #tpu.memory_space<semaphore_mem>>)
      %dma_wait3A = tpu.memref_slice %arg9[%add3A_40] : memref<200192xf32, #tpu.memory_space<hbm>> -> memref<6256xf32, #tpu.memory_space<hbm>>
      %dma_wait3A_48 = tpu.memref_slice %arg9[%add3A_40] : memref<200192xf32, #tpu.memory_space<hbm>> -> memref<6256xf32, #tpu.memory_space<hbm>>
      tpu.wait_dma2 semaphore(%run_scoped3A : memref<!tpu.dma_semaphore, #tpu.memory_space<semaphore_mem>>) src(%arg24 : memref<6256xf32, #tpu.memory_space<vmem>>) dst(%dma_wait3A_48 : memref<6256xf32, #tpu.memory_space<hbm>>)
      tpu.yield
    }) : () -> ()
    "tpu.region"() ({
      %run_scoped3A = tpu.sem_alloc : memref<!tpu.dma_semaphore, #tpu.memory_space<semaphore_mem>>
      %dma_start3A_46 = tpu.memref_slice %arg16[%mul3A_2] : memref<100096xf32, #tpu.memory_space<vmem_shared>> -> memref<6256xf32, #tpu.memory_space<vmem_shared>>
      %dma_start3A_47 = tpu.memref_slice %arg16[%mul3A_2] : memref<100096xf32, #tpu.memory_space<vmem_shared>> -> memref<6256xf32, #tpu.memory_space<vmem_shared>>
      tpu.enqueue_dma source(%dma_start3A_47 : memref<6256xf32, #tpu.memory_space<vmem_shared>>) target(%arg24 : memref<6256xf32, #tpu.memory_space<vmem>>) target_semaphore(%run_scoped3A : memref<!tpu.dma_semaphore, #tpu.memory_space<semaphore_mem>>)
      %dma_wait3A = tpu.memref_slice %arg16[%mul3A_2] : memref<100096xf32, #tpu.memory_space<vmem_shared>> -> memref<6256xf32, #tpu.memory_space<vmem_shared>>
      %dma_wait3A_48 = tpu.memref_slice %arg16[%mul3A_2] : memref<100096xf32, #tpu.memory_space<vmem_shared>> -> memref<6256xf32, #tpu.memory_space<vmem_shared>>
      tpu.wait_dma2 semaphore(%run_scoped3A : memref<!tpu.dma_semaphore, #tpu.memory_space<semaphore_mem>>) src(%dma_wait3A_48 : memref<6256xf32, #tpu.memory_space<vmem_shared>>) dst(%arg24 : memref<6256xf32, #tpu.memory_space<vmem>>)
      tpu.yield
    }) : () -> ()
    %mul3A_41 = arith.constant 100096 : i32
    %mul3A_42 = arith.muli %arg0, %mul3A_41 : i32
    %mul3A_43 = arith.constant 6256 : i32
    %mul3A_44 = arith.muli %arg1, %mul3A_43 : i32
    %add3A_45 = arith.addi %mul3A_42, %mul3A_44 : i32
    "tpu.region"() ({
      %run_scoped3A = tpu.sem_alloc : memref<!tpu.dma_semaphore, #tpu.memory_space<semaphore_mem>>
      %dma_start3A_46 = tpu.memref_slice %arg10[%add3A_45] : memref<200192xf32, #tpu.memory_space<hbm>> -> memref<6256xf32, #tpu.memory_space<hbm>>
      %dma_start3A_47 = tpu.memref_slice %arg10[%add3A_45] : memref<200192xf32, #tpu.memory_space<hbm>> -> memref<6256xf32, #tpu.memory_space<hbm>>
      tpu.enqueue_dma source(%arg24 : memref<6256xf32, #tpu.memory_space<vmem>>) target(%dma_start3A_47 : memref<6256xf32, #tpu.memory_space<hbm>>) target_semaphore(%run_scoped3A : memref<!tpu.dma_semaphore, #tpu.memory_space<semaphore_mem>>)
      %dma_wait3A = tpu.memref_slice %arg10[%add3A_45] : memref<200192xf32, #tpu.memory_space<hbm>> -> memref<6256xf32, #tpu.memory_space<hbm>>
      %dma_wait3A_48 = tpu.memref_slice %arg10[%add3A_45] : memref<200192xf32, #tpu.memory_space<hbm>> -> memref<6256xf32, #tpu.memory_space<hbm>>
      tpu.wait_dma2 semaphore(%run_scoped3A : memref<!tpu.dma_semaphore, #tpu.memory_space<semaphore_mem>>) src(%arg24 : memref<6256xf32, #tpu.memory_space<vmem>>) dst(%dma_wait3A_48 : memref<6256xf32, #tpu.memory_space<hbm>>)
      tpu.yield
    }) : () -> ()
    return
  }
}

#map = affine_map<(d0, d1) -> (0)>
module attributes {stable_mosaic.version = 14 : i64} {
  func.func @body(%arg0: i32, %arg1: i32, %arg2: memref<6422528xi32, #tpu.memory_space<hbm>>, %arg3: memref<100096xf32, #tpu.memory_space<hbm>>, %arg4: memref<2048xf32, #tpu.memory_space<hbm>>, %arg5: memref<200192xf32, #tpu.memory_space<hbm>>, %arg6: memref<100096xf32, #tpu.memory_space<vmem_shared>>, %arg7: memref<2048xi32, #tpu.memory_space<vmem>>, %arg8: memref<2048xi32, #tpu.memory_space<vmem>>, %arg9: memref<2048xf32, #tpu.memory_space<vmem>>, %arg10: memref<6256xf32, #tpu.memory_space<vmem>>, %arg11: memref<!tpu.dma_semaphore, #tpu.memory_space<semaphore_mem>>, %arg12: memref<!tpu.dma_semaphore, #tpu.memory_space<semaphore_mem>>, %arg13: memref<!tpu.dma_semaphore, #tpu.memory_space<semaphore_mem>>) attributes {dimension_semantics = [#tpu.dimension_semantics<core_parallel>, #tpu.dimension_semantics<subcore_parallel>], iteration_bounds = array<i64: 2, 16>, scalar_prefetch = 0 : i64, scratch_operands = 8 : i64, tpu.core_type = #tpu.core_type<sc_vector_subcore>, window_params = [{transform_indices = #map}, {transform_indices = #map}, {transform_indices = #map}, {transform_indices = #map}]} {
    %mul3A = arith.constant 16 : i32
    %mul3A_0 = arith.muli %arg0, %mul3A : i32
    %add3A = arith.addi %mul3A_0, %arg1 : i32
    %mul3A_1 = arith.constant 6256 : i32
    %mul3A_2 = arith.muli %arg1, %mul3A_1 : i32
    "tpu.region"() ({
      %run_scoped3A = tpu.sem_alloc : memref<!tpu.dma_semaphore, #tpu.memory_space<semaphore_mem>>
      %dma_start3A_34 = tpu.memref_slice %arg3[%mul3A_2] : memref<100096xf32, #tpu.memory_space<hbm>> -> memref<6256xf32, #tpu.memory_space<hbm>>
      %dma_start3A_35 = tpu.memref_slice %arg3[%mul3A_2] : memref<100096xf32, #tpu.memory_space<hbm>> -> memref<6256xf32, #tpu.memory_space<hbm>>
      tpu.enqueue_dma source(%dma_start3A_35 : memref<6256xf32, #tpu.memory_space<hbm>>) target(%arg10 : memref<6256xf32, #tpu.memory_space<vmem>>) target_semaphore(%run_scoped3A : memref<!tpu.dma_semaphore, #tpu.memory_space<semaphore_mem>>)
      %dma_wait3A = tpu.memref_slice %arg3[%mul3A_2] : memref<100096xf32, #tpu.memory_space<hbm>> -> memref<6256xf32, #tpu.memory_space<hbm>>
      %dma_wait3A_36 = tpu.memref_slice %arg3[%mul3A_2] : memref<100096xf32, #tpu.memory_space<hbm>> -> memref<6256xf32, #tpu.memory_space<hbm>>
      tpu.wait_dma2 semaphore(%run_scoped3A : memref<!tpu.dma_semaphore, #tpu.memory_space<semaphore_mem>>) src(%dma_wait3A_36 : memref<6256xf32, #tpu.memory_space<hbm>>) dst(%arg10 : memref<6256xf32, #tpu.memory_space<vmem>>)
      tpu.yield
    }) : () -> ()
    "tpu.region"() ({
      %run_scoped3A = tpu.sem_alloc : memref<!tpu.dma_semaphore, #tpu.memory_space<semaphore_mem>>
      %dma_start3A_34 = tpu.memref_slice %arg6[%mul3A_2] : memref<100096xf32, #tpu.memory_space<vmem_shared>> -> memref<6256xf32, #tpu.memory_space<vmem_shared>>
      %dma_start3A_35 = tpu.memref_slice %arg6[%mul3A_2] : memref<100096xf32, #tpu.memory_space<vmem_shared>> -> memref<6256xf32, #tpu.memory_space<vmem_shared>>
      tpu.enqueue_dma source(%arg10 : memref<6256xf32, #tpu.memory_space<vmem>>) target(%dma_start3A_35 : memref<6256xf32, #tpu.memory_space<vmem_shared>>) target_semaphore(%run_scoped3A : memref<!tpu.dma_semaphore, #tpu.memory_space<semaphore_mem>>)
      %dma_wait3A = tpu.memref_slice %arg6[%mul3A_2] : memref<100096xf32, #tpu.memory_space<vmem_shared>> -> memref<6256xf32, #tpu.memory_space<vmem_shared>>
      %dma_wait3A_36 = tpu.memref_slice %arg6[%mul3A_2] : memref<100096xf32, #tpu.memory_space<vmem_shared>> -> memref<6256xf32, #tpu.memory_space<vmem_shared>>
      tpu.wait_dma2 semaphore(%run_scoped3A : memref<!tpu.dma_semaphore, #tpu.memory_space<semaphore_mem>>) src(%arg10 : memref<6256xf32, #tpu.memory_space<vmem>>) dst(%dma_wait3A_36 : memref<6256xf32, #tpu.memory_space<vmem_shared>>)
      tpu.yield
    }) : () -> ()
    "tpu.region"() ({
      %run_scoped3A = tpu.sem_alloc : memref<!tpu.dma_semaphore, #tpu.memory_space<semaphore_mem>>
      tpu.enqueue_dma source(%arg4 : memref<2048xf32, #tpu.memory_space<hbm>>) target(%arg9 : memref<2048xf32, #tpu.memory_space<vmem>>) target_semaphore(%run_scoped3A : memref<!tpu.dma_semaphore, #tpu.memory_space<semaphore_mem>>)
      tpu.wait_dma2 semaphore(%run_scoped3A : memref<!tpu.dma_semaphore, #tpu.memory_space<semaphore_mem>>) src(%arg4 : memref<2048xf32, #tpu.memory_space<hbm>>) dst(%arg9 : memref<2048xf32, #tpu.memory_space<vmem>>)
      tpu.yield
    }) : () -> ()
    %barrier3A = arith.constant 0 : index
    tpu.barrier barrier_id(%barrier3A)
    %eq3A = arith.constant 0 : i32
    %eq3A_3 = arith.cmpi eq, %arg0, %eq3A : i32
    %mul3A_4 = arith.constant 108 : i32
    %mul3A_5 = arith.muli %arg1, %mul3A_4 : i32
    %mul3A_6 = arith.constant 88 : i32
    %mul3A_7 = arith.muli %arg1, %mul3A_6 : i32
    %add3A_8 = arith.constant 1728 : i32
    %add3A_9 = arith.addi %add3A_8, %mul3A_7 : i32
    %select_n3A = arith.select %eq3A_3, %mul3A_5, %add3A_9 : i32
    %eq3A_10 = arith.constant 0 : i32
    %eq3A_11 = arith.cmpi eq, %arg0, %eq3A_10 : i32
    %jit3A = arith.constant 108 : i32
    %jit3A_12 = arith.constant 88 : i32
    %select_n3A_13 = arith.select %eq3A_11, %jit3A, %jit3A_12 : i32
    %mul3A_14 = arith.constant 2048 : i32
    %mul3A_15 = arith.muli %select_n3A, %mul3A_14 : i32
    %dma_start3A = tpu.memref_slice %arg2[%mul3A_15] : memref<6422528xi32, #tpu.memory_space<hbm>> -> memref<2048xi32, #tpu.memory_space<hbm>>
    %dma_start3A_16 = tpu.memref_slice %arg2[%mul3A_15] : memref<6422528xi32, #tpu.memory_space<hbm>> -> memref<2048xi32, #tpu.memory_space<hbm>>
    tpu.enqueue_dma source(%dma_start3A_16 : memref<2048xi32, #tpu.memory_space<hbm>>) target(%arg7 : memref<2048xi32, #tpu.memory_space<vmem>>) target_semaphore(%arg11 : memref<!tpu.dma_semaphore, #tpu.memory_space<semaphore_mem>>)
    %while3A = arith.constant 0 : i32
    %while3A_17 = arith.constant 0 : i32
    %while3A_18 = arith.subi %select_n3A_13, %while3A : i32
    %while3A_19 = arith.addi %while3A, %while3A_18 : i32
    %while3A_20 = arith.constant 1 : i32
    %while3A_21 = arith.divsi %while3A_18, %while3A_20 : i32
    %while3A_22 = arith.muli %while3A_21, %while3A_20 : i32
    %while3A_23 = arith.addi %while3A, %while3A_22 : i32
    %while3A_24 = arith.constant 1 : i32
    %while3A_25 = scf.for %while3A_34 = %while3A to %while3A_23 step %while3A_24 iter_args(%while3A_35 = %while3A_17) -> (i32)  : i32 {
      %rem3A = arith.constant 2 : i32
      %rem3A_36 = arith.remsi %while3A_34, %rem3A : i32
      %eq3A_37 = arith.constant 0 : i32
      %eq3A_38 = arith.cmpi eq, %rem3A_36, %eq3A_37 : i32
      %convert_element_type3A = arith.extui %eq3A_38 : i1 to i32
      %cond3A = arith.constant 0 : i32
      %cond3A_39 = arith.cmpi ne, %convert_element_type3A, %cond3A : i32
      scf.if %cond3A_39 {
        %dma_wait3A = arith.constant 0 : i32
        %dma_wait3A_46 = tpu.memref_slice %arg2[%dma_wait3A] : memref<6422528xi32, #tpu.memory_space<hbm>> -> memref<2048xi32, #tpu.memory_space<hbm>>
        %dma_wait3A_47 = arith.constant 0 : i32
        %dma_wait3A_48 = tpu.memref_slice %arg2[%dma_wait3A_47] : memref<6422528xi32, #tpu.memory_space<hbm>> -> memref<2048xi32, #tpu.memory_space<hbm>>
        tpu.wait_dma2 semaphore(%arg11 : memref<!tpu.dma_semaphore, #tpu.memory_space<semaphore_mem>>) src(%dma_wait3A_48 : memref<2048xi32, #tpu.memory_space<hbm>>) dst(%arg7 : memref<2048xi32, #tpu.memory_space<vmem>>)
        %add3A_49 = arith.constant 1 : i32
        %add3A_50 = arith.addi %while3A_34, %add3A_49 : i32
        %lt3A = arith.cmpi slt, %add3A_50, %select_n3A_13 : i32
        %convert_element_type3A_51 = arith.extui %lt3A : i1 to i32
        %cond3A_52 = arith.constant 0 : i32
        %cond3A_53 = arith.cmpi ne, %convert_element_type3A_51, %cond3A_52 : i32
        scf.if %cond3A_53 {
          %add3A_58 = arith.addi %select_n3A, %while3A_34 : i32
          %add3A_59 = arith.constant 1 : i32
          %add3A_60 = arith.addi %add3A_58, %add3A_59 : i32
          %mul3A_61 = arith.constant 2048 : i32
          %mul3A_62 = arith.muli %add3A_60, %mul3A_61 : i32
          %dma_start3A_63 = tpu.memref_slice %arg2[%mul3A_62] : memref<6422528xi32, #tpu.memory_space<hbm>> -> memref<2048xi32, #tpu.memory_space<hbm>>
          %dma_start3A_64 = tpu.memref_slice %arg2[%mul3A_62] : memref<6422528xi32, #tpu.memory_space<hbm>> -> memref<2048xi32, #tpu.memory_space<hbm>>
          tpu.enqueue_dma source(%dma_start3A_64 : memref<2048xi32, #tpu.memory_space<hbm>>) target(%arg8 : memref<2048xi32, #tpu.memory_space<vmem>>) target_semaphore(%arg11 : memref<!tpu.dma_semaphore, #tpu.memory_space<semaphore_mem>>)
        } else {
        }
        %dma_start3A_54 = arith.constant 0 : i32
        %dma_start3A_55 = tpu.memref_slice %arg6[%dma_start3A_54] : memref<100096xf32, #tpu.memory_space<vmem_shared>> -> memref<100096xf32, #tpu.memory_space<vmem_shared>>
        tpu.enqueue_indirect_dma source(%arg9 : memref<2048xf32, #tpu.memory_space<vmem>>) target(%dma_start3A_55 : memref<100096xf32, #tpu.memory_space<vmem_shared>>) offsets(%arg7 : memref<2048xi32, #tpu.memory_space<vmem>>) semaphore(%arg13 : memref<!tpu.dma_semaphore, #tpu.memory_space<semaphore_mem>>) {add = true}
        %dma_wait3A_56 = arith.constant 0 : i32
        %dma_wait3A_57 = tpu.memref_slice %arg6[%dma_wait3A_56] : memref<100096xf32, #tpu.memory_space<vmem_shared>> -> memref<100096xf32, #tpu.memory_space<vmem_shared>>
        tpu.wait_indirect_dma semaphore(%arg13 : memref<!tpu.dma_semaphore, #tpu.memory_space<semaphore_mem>>) src(%arg9 : memref<2048xf32, #tpu.memory_space<vmem>>) dst(%dma_wait3A_57 : memref<100096xf32, #tpu.memory_space<vmem_shared>>)
      } else {
      }
      %eq3A_40 = arith.constant 1 : i32
      %eq3A_41 = arith.cmpi eq, %rem3A_36, %eq3A_40 : i32
      %convert_element_type3A_42 = arith.extui %eq3A_41 : i1 to i32
      %cond3A_43 = arith.constant 0 : i32
      %cond3A_44 = arith.cmpi ne, %convert_element_type3A_42, %cond3A_43 : i32
      scf.if %cond3A_44 {
        %dma_wait3A = arith.constant 0 : i32
        %dma_wait3A_46 = tpu.memref_slice %arg2[%dma_wait3A] : memref<6422528xi32, #tpu.memory_space<hbm>> -> memref<2048xi32, #tpu.memory_space<hbm>>
        %dma_wait3A_47 = arith.constant 0 : i32
        %dma_wait3A_48 = tpu.memref_slice %arg2[%dma_wait3A_47] : memref<6422528xi32, #tpu.memory_space<hbm>> -> memref<2048xi32, #tpu.memory_space<hbm>>
        tpu.wait_dma2 semaphore(%arg11 : memref<!tpu.dma_semaphore, #tpu.memory_space<semaphore_mem>>) src(%dma_wait3A_48 : memref<2048xi32, #tpu.memory_space<hbm>>) dst(%arg8 : memref<2048xi32, #tpu.memory_space<vmem>>)
        %add3A_49 = arith.constant 1 : i32
        %add3A_50 = arith.addi %while3A_34, %add3A_49 : i32
        %lt3A = arith.cmpi slt, %add3A_50, %select_n3A_13 : i32
        %convert_element_type3A_51 = arith.extui %lt3A : i1 to i32
        %cond3A_52 = arith.constant 0 : i32
        %cond3A_53 = arith.cmpi ne, %convert_element_type3A_51, %cond3A_52 : i32
        scf.if %cond3A_53 {
          %add3A_58 = arith.addi %select_n3A, %while3A_34 : i32
          %add3A_59 = arith.constant 1 : i32
          %add3A_60 = arith.addi %add3A_58, %add3A_59 : i32
          %mul3A_61 = arith.constant 2048 : i32
          %mul3A_62 = arith.muli %add3A_60, %mul3A_61 : i32
          %dma_start3A_63 = tpu.memref_slice %arg2[%mul3A_62] : memref<6422528xi32, #tpu.memory_space<hbm>> -> memref<2048xi32, #tpu.memory_space<hbm>>
          %dma_start3A_64 = tpu.memref_slice %arg2[%mul3A_62] : memref<6422528xi32, #tpu.memory_space<hbm>> -> memref<2048xi32, #tpu.memory_space<hbm>>
          tpu.enqueue_dma source(%dma_start3A_64 : memref<2048xi32, #tpu.memory_space<hbm>>) target(%arg7 : memref<2048xi32, #tpu.memory_space<vmem>>) target_semaphore(%arg11 : memref<!tpu.dma_semaphore, #tpu.memory_space<semaphore_mem>>)
        } else {
        }
        %dma_start3A_54 = arith.constant 0 : i32
        %dma_start3A_55 = tpu.memref_slice %arg6[%dma_start3A_54] : memref<100096xf32, #tpu.memory_space<vmem_shared>> -> memref<100096xf32, #tpu.memory_space<vmem_shared>>
        tpu.enqueue_indirect_dma source(%arg9 : memref<2048xf32, #tpu.memory_space<vmem>>) target(%dma_start3A_55 : memref<100096xf32, #tpu.memory_space<vmem_shared>>) offsets(%arg8 : memref<2048xi32, #tpu.memory_space<vmem>>) semaphore(%arg13 : memref<!tpu.dma_semaphore, #tpu.memory_space<semaphore_mem>>) {add = true}
        %dma_wait3A_56 = arith.constant 0 : i32
        %dma_wait3A_57 = tpu.memref_slice %arg6[%dma_wait3A_56] : memref<100096xf32, #tpu.memory_space<vmem_shared>> -> memref<100096xf32, #tpu.memory_space<vmem_shared>>
        tpu.wait_indirect_dma semaphore(%arg13 : memref<!tpu.dma_semaphore, #tpu.memory_space<semaphore_mem>>) src(%arg9 : memref<2048xf32, #tpu.memory_space<vmem>>) dst(%dma_wait3A_57 : memref<100096xf32, #tpu.memory_space<vmem_shared>>)
      } else {
      }
      %while3A_45 = arith.constant 0 : i32
      scf.yield %while3A_45 : i32
    }
    %while3A_26 = arith.constant 1 : i32
    %while3A_27 = scf.for %while3A_34 = %while3A_23 to %while3A_19 step %while3A_26 iter_args(%while3A_35 = %while3A_25) -> (i32)  : i32 {
      %rem3A = arith.constant 2 : i32
      %rem3A_36 = arith.remsi %while3A_34, %rem3A : i32
      %eq3A_37 = arith.constant 0 : i32
      %eq3A_38 = arith.cmpi eq, %rem3A_36, %eq3A_37 : i32
      %convert_element_type3A = arith.extui %eq3A_38 : i1 to i32
      %cond3A = arith.constant 0 : i32
      %cond3A_39 = arith.cmpi ne, %convert_element_type3A, %cond3A : i32
      scf.if %cond3A_39 {
        %dma_wait3A = arith.constant 0 : i32
        %dma_wait3A_46 = tpu.memref_slice %arg2[%dma_wait3A] : memref<6422528xi32, #tpu.memory_space<hbm>> -> memref<2048xi32, #tpu.memory_space<hbm>>
        %dma_wait3A_47 = arith.constant 0 : i32
        %dma_wait3A_48 = tpu.memref_slice %arg2[%dma_wait3A_47] : memref<6422528xi32, #tpu.memory_space<hbm>> -> memref<2048xi32, #tpu.memory_space<hbm>>
        tpu.wait_dma2 semaphore(%arg11 : memref<!tpu.dma_semaphore, #tpu.memory_space<semaphore_mem>>) src(%dma_wait3A_48 : memref<2048xi32, #tpu.memory_space<hbm>>) dst(%arg7 : memref<2048xi32, #tpu.memory_space<vmem>>)
        %add3A_49 = arith.constant 1 : i32
        %add3A_50 = arith.addi %while3A_34, %add3A_49 : i32
        %lt3A = arith.cmpi slt, %add3A_50, %select_n3A_13 : i32
        %convert_element_type3A_51 = arith.extui %lt3A : i1 to i32
        %cond3A_52 = arith.constant 0 : i32
        %cond3A_53 = arith.cmpi ne, %convert_element_type3A_51, %cond3A_52 : i32
        scf.if %cond3A_53 {
          %add3A_58 = arith.addi %select_n3A, %while3A_34 : i32
          %add3A_59 = arith.constant 1 : i32
          %add3A_60 = arith.addi %add3A_58, %add3A_59 : i32
          %mul3A_61 = arith.constant 2048 : i32
          %mul3A_62 = arith.muli %add3A_60, %mul3A_61 : i32
          %dma_start3A_63 = tpu.memref_slice %arg2[%mul3A_62] : memref<6422528xi32, #tpu.memory_space<hbm>> -> memref<2048xi32, #tpu.memory_space<hbm>>
          %dma_start3A_64 = tpu.memref_slice %arg2[%mul3A_62] : memref<6422528xi32, #tpu.memory_space<hbm>> -> memref<2048xi32, #tpu.memory_space<hbm>>
          tpu.enqueue_dma source(%dma_start3A_64 : memref<2048xi32, #tpu.memory_space<hbm>>) target(%arg8 : memref<2048xi32, #tpu.memory_space<vmem>>) target_semaphore(%arg11 : memref<!tpu.dma_semaphore, #tpu.memory_space<semaphore_mem>>)
        } else {
        }
        %dma_start3A_54 = arith.constant 0 : i32
        %dma_start3A_55 = tpu.memref_slice %arg6[%dma_start3A_54] : memref<100096xf32, #tpu.memory_space<vmem_shared>> -> memref<100096xf32, #tpu.memory_space<vmem_shared>>
        tpu.enqueue_indirect_dma source(%arg9 : memref<2048xf32, #tpu.memory_space<vmem>>) target(%dma_start3A_55 : memref<100096xf32, #tpu.memory_space<vmem_shared>>) offsets(%arg7 : memref<2048xi32, #tpu.memory_space<vmem>>) semaphore(%arg13 : memref<!tpu.dma_semaphore, #tpu.memory_space<semaphore_mem>>) {add = true}
        %dma_wait3A_56 = arith.constant 0 : i32
        %dma_wait3A_57 = tpu.memref_slice %arg6[%dma_wait3A_56] : memref<100096xf32, #tpu.memory_space<vmem_shared>> -> memref<100096xf32, #tpu.memory_space<vmem_shared>>
        tpu.wait_indirect_dma semaphore(%arg13 : memref<!tpu.dma_semaphore, #tpu.memory_space<semaphore_mem>>) src(%arg9 : memref<2048xf32, #tpu.memory_space<vmem>>) dst(%dma_wait3A_57 : memref<100096xf32, #tpu.memory_space<vmem_shared>>)
      } else {
      }
      %eq3A_40 = arith.constant 1 : i32
      %eq3A_41 = arith.cmpi eq, %rem3A_36, %eq3A_40 : i32
      %convert_element_type3A_42 = arith.extui %eq3A_41 : i1 to i32
      %cond3A_43 = arith.constant 0 : i32
      %cond3A_44 = arith.cmpi ne, %convert_element_type3A_42, %cond3A_43 : i32
      scf.if %cond3A_44 {
        %dma_wait3A = arith.constant 0 : i32
        %dma_wait3A_46 = tpu.memref_slice %arg2[%dma_wait3A] : memref<6422528xi32, #tpu.memory_space<hbm>> -> memref<2048xi32, #tpu.memory_space<hbm>>
        %dma_wait3A_47 = arith.constant 0 : i32
        %dma_wait3A_48 = tpu.memref_slice %arg2[%dma_wait3A_47] : memref<6422528xi32, #tpu.memory_space<hbm>> -> memref<2048xi32, #tpu.memory_space<hbm>>
        tpu.wait_dma2 semaphore(%arg11 : memref<!tpu.dma_semaphore, #tpu.memory_space<semaphore_mem>>) src(%dma_wait3A_48 : memref<2048xi32, #tpu.memory_space<hbm>>) dst(%arg8 : memref<2048xi32, #tpu.memory_space<vmem>>)
        %add3A_49 = arith.constant 1 : i32
        %add3A_50 = arith.addi %while3A_34, %add3A_49 : i32
        %lt3A = arith.cmpi slt, %add3A_50, %select_n3A_13 : i32
        %convert_element_type3A_51 = arith.extui %lt3A : i1 to i32
        %cond3A_52 = arith.constant 0 : i32
        %cond3A_53 = arith.cmpi ne, %convert_element_type3A_51, %cond3A_52 : i32
        scf.if %cond3A_53 {
          %add3A_58 = arith.addi %select_n3A, %while3A_34 : i32
          %add3A_59 = arith.constant 1 : i32
          %add3A_60 = arith.addi %add3A_58, %add3A_59 : i32
          %mul3A_61 = arith.constant 2048 : i32
          %mul3A_62 = arith.muli %add3A_60, %mul3A_61 : i32
          %dma_start3A_63 = tpu.memref_slice %arg2[%mul3A_62] : memref<6422528xi32, #tpu.memory_space<hbm>> -> memref<2048xi32, #tpu.memory_space<hbm>>
          %dma_start3A_64 = tpu.memref_slice %arg2[%mul3A_62] : memref<6422528xi32, #tpu.memory_space<hbm>> -> memref<2048xi32, #tpu.memory_space<hbm>>
          tpu.enqueue_dma source(%dma_start3A_64 : memref<2048xi32, #tpu.memory_space<hbm>>) target(%arg7 : memref<2048xi32, #tpu.memory_space<vmem>>) target_semaphore(%arg11 : memref<!tpu.dma_semaphore, #tpu.memory_space<semaphore_mem>>)
        } else {
        }
        %dma_start3A_54 = arith.constant 0 : i32
        %dma_start3A_55 = tpu.memref_slice %arg6[%dma_start3A_54] : memref<100096xf32, #tpu.memory_space<vmem_shared>> -> memref<100096xf32, #tpu.memory_space<vmem_shared>>
        tpu.enqueue_indirect_dma source(%arg9 : memref<2048xf32, #tpu.memory_space<vmem>>) target(%dma_start3A_55 : memref<100096xf32, #tpu.memory_space<vmem_shared>>) offsets(%arg8 : memref<2048xi32, #tpu.memory_space<vmem>>) semaphore(%arg13 : memref<!tpu.dma_semaphore, #tpu.memory_space<semaphore_mem>>) {add = true}
        %dma_wait3A_56 = arith.constant 0 : i32
        %dma_wait3A_57 = tpu.memref_slice %arg6[%dma_wait3A_56] : memref<100096xf32, #tpu.memory_space<vmem_shared>> -> memref<100096xf32, #tpu.memory_space<vmem_shared>>
        tpu.wait_indirect_dma semaphore(%arg13 : memref<!tpu.dma_semaphore, #tpu.memory_space<semaphore_mem>>) src(%arg9 : memref<2048xf32, #tpu.memory_space<vmem>>) dst(%dma_wait3A_57 : memref<100096xf32, #tpu.memory_space<vmem_shared>>)
      } else {
      }
      %while3A_45 = arith.constant 0 : i32
      scf.yield %while3A_45 : i32
    }
    %barrier3A_28 = arith.constant 0 : index
    tpu.barrier barrier_id(%barrier3A_28)
    "tpu.region"() ({
      %run_scoped3A = tpu.sem_alloc : memref<!tpu.dma_semaphore, #tpu.memory_space<semaphore_mem>>
      %dma_start3A_34 = tpu.memref_slice %arg6[%mul3A_2] : memref<100096xf32, #tpu.memory_space<vmem_shared>> -> memref<6256xf32, #tpu.memory_space<vmem_shared>>
      %dma_start3A_35 = tpu.memref_slice %arg6[%mul3A_2] : memref<100096xf32, #tpu.memory_space<vmem_shared>> -> memref<6256xf32, #tpu.memory_space<vmem_shared>>
      tpu.enqueue_dma source(%dma_start3A_35 : memref<6256xf32, #tpu.memory_space<vmem_shared>>) target(%arg10 : memref<6256xf32, #tpu.memory_space<vmem>>) target_semaphore(%run_scoped3A : memref<!tpu.dma_semaphore, #tpu.memory_space<semaphore_mem>>)
      %dma_wait3A = tpu.memref_slice %arg6[%mul3A_2] : memref<100096xf32, #tpu.memory_space<vmem_shared>> -> memref<6256xf32, #tpu.memory_space<vmem_shared>>
      %dma_wait3A_36 = tpu.memref_slice %arg6[%mul3A_2] : memref<100096xf32, #tpu.memory_space<vmem_shared>> -> memref<6256xf32, #tpu.memory_space<vmem_shared>>
      tpu.wait_dma2 semaphore(%run_scoped3A : memref<!tpu.dma_semaphore, #tpu.memory_space<semaphore_mem>>) src(%dma_wait3A_36 : memref<6256xf32, #tpu.memory_space<vmem_shared>>) dst(%arg10 : memref<6256xf32, #tpu.memory_space<vmem>>)
      tpu.yield
    }) : () -> ()
    %mul3A_29 = arith.constant 100096 : i32
    %mul3A_30 = arith.muli %arg0, %mul3A_29 : i32
    %mul3A_31 = arith.constant 6256 : i32
    %mul3A_32 = arith.muli %arg1, %mul3A_31 : i32
    %add3A_33 = arith.addi %mul3A_30, %mul3A_32 : i32
    "tpu.region"() ({
      %run_scoped3A = tpu.sem_alloc : memref<!tpu.dma_semaphore, #tpu.memory_space<semaphore_mem>>
      %dma_start3A_34 = tpu.memref_slice %arg5[%add3A_33] : memref<200192xf32, #tpu.memory_space<hbm>> -> memref<6256xf32, #tpu.memory_space<hbm>>
      %dma_start3A_35 = tpu.memref_slice %arg5[%add3A_33] : memref<200192xf32, #tpu.memory_space<hbm>> -> memref<6256xf32, #tpu.memory_space<hbm>>
      tpu.enqueue_dma source(%arg10 : memref<6256xf32, #tpu.memory_space<vmem>>) target(%dma_start3A_35 : memref<6256xf32, #tpu.memory_space<hbm>>) target_semaphore(%run_scoped3A : memref<!tpu.dma_semaphore, #tpu.memory_space<semaphore_mem>>)
      %dma_wait3A = tpu.memref_slice %arg5[%add3A_33] : memref<200192xf32, #tpu.memory_space<hbm>> -> memref<6256xf32, #tpu.memory_space<hbm>>
      %dma_wait3A_36 = tpu.memref_slice %arg5[%add3A_33] : memref<200192xf32, #tpu.memory_space<hbm>> -> memref<6256xf32, #tpu.memory_space<hbm>>
      tpu.wait_dma2 semaphore(%run_scoped3A : memref<!tpu.dma_semaphore, #tpu.memory_space<semaphore_mem>>) src(%arg10 : memref<6256xf32, #tpu.memory_space<vmem>>) dst(%dma_wait3A_36 : memref<6256xf32, #tpu.memory_space<hbm>>)
      tpu.yield
    }) : () -> ()
    return
  }
}

#map = affine_map<(d0, d1) -> (0)>
module attributes {stable_mosaic.version = 14 : i64} {
  func.func @body(%arg0: i32, %arg1: i32, %arg2: memref<6422528xi32, #tpu.memory_space<hbm>>, %arg3: memref<6422528xi32, #tpu.memory_space<hbm>>, %arg4: memref<100096xf32, #tpu.memory_space<hbm>>, %arg5: memref<100096xf32, #tpu.memory_space<hbm>>, %arg6: memref<100096xf32, #tpu.memory_space<hbm>>, %arg7: memref<200192xf32, #tpu.memory_space<hbm>>, %arg8: memref<200192xf32, #tpu.memory_space<hbm>>, %arg9: memref<100096xf32, #tpu.memory_space<vmem_shared>>, %arg10: memref<100096xf32, #tpu.memory_space<vmem_shared>>, %arg11: memref<100096xf32, #tpu.memory_space<vmem_shared>>, %arg12: memref<100096xf32, #tpu.memory_space<vmem_shared>>, %arg13: memref<2048xi32, #tpu.memory_space<vmem>>, %arg14: memref<2048xi32, #tpu.memory_space<vmem>>, %arg15: memref<2048xi32, #tpu.memory_space<vmem>>, %arg16: memref<2048xi32, #tpu.memory_space<vmem>>, %arg17: memref<2048xf32, #tpu.memory_space<vmem>>, %arg18: memref<2048xf32, #tpu.memory_space<vmem>>, %arg19: memref<6256xf32, #tpu.memory_space<vmem>>, %arg20: memref<!tpu.dma_semaphore, #tpu.memory_space<semaphore_mem>>, %arg21: memref<!tpu.dma_semaphore, #tpu.memory_space<semaphore_mem>>, %arg22: memref<!tpu.dma_semaphore, #tpu.memory_space<semaphore_mem>>) attributes {dimension_semantics = [#tpu.dimension_semantics<core_parallel>, #tpu.dimension_semantics<subcore_parallel>], iteration_bounds = array<i64: 2, 16>, scalar_prefetch = 0 : i64, scratch_operands = 14 : i64, tpu.core_type = #tpu.core_type<sc_vector_subcore>, window_params = [{transform_indices = #map}, {transform_indices = #map}, {transform_indices = #map}, {transform_indices = #map}, {transform_indices = #map}, {transform_indices = #map}, {transform_indices = #map}]} {
    %mul3A = arith.constant 16 : i32
    %mul3A_0 = arith.muli %arg0, %mul3A : i32
    %add3A = arith.addi %mul3A_0, %arg1 : i32
    %mul3A_1 = arith.constant 6256 : i32
    %mul3A_2 = arith.muli %arg1, %mul3A_1 : i32
    "tpu.region"() ({
      %run_scoped3A = tpu.sem_alloc : memref<!tpu.dma_semaphore, #tpu.memory_space<semaphore_mem>>
      %dma_start3A_41 = tpu.memref_slice %arg4[%mul3A_2] : memref<100096xf32, #tpu.memory_space<hbm>> -> memref<6256xf32, #tpu.memory_space<hbm>>
      %dma_start3A_42 = tpu.memref_slice %arg4[%mul3A_2] : memref<100096xf32, #tpu.memory_space<hbm>> -> memref<6256xf32, #tpu.memory_space<hbm>>
      tpu.enqueue_dma source(%dma_start3A_42 : memref<6256xf32, #tpu.memory_space<hbm>>) target(%arg19 : memref<6256xf32, #tpu.memory_space<vmem>>) target_semaphore(%run_scoped3A : memref<!tpu.dma_semaphore, #tpu.memory_space<semaphore_mem>>)
      %dma_wait3A = tpu.memref_slice %arg4[%mul3A_2] : memref<100096xf32, #tpu.memory_space<hbm>> -> memref<6256xf32, #tpu.memory_space<hbm>>
      %dma_wait3A_43 = tpu.memref_slice %arg4[%mul3A_2] : memref<100096xf32, #tpu.memory_space<hbm>> -> memref<6256xf32, #tpu.memory_space<hbm>>
      tpu.wait_dma2 semaphore(%run_scoped3A : memref<!tpu.dma_semaphore, #tpu.memory_space<semaphore_mem>>) src(%dma_wait3A_43 : memref<6256xf32, #tpu.memory_space<hbm>>) dst(%arg19 : memref<6256xf32, #tpu.memory_space<vmem>>)
      tpu.yield
    }) : () -> ()
    "tpu.region"() ({
      %run_scoped3A = tpu.sem_alloc : memref<!tpu.dma_semaphore, #tpu.memory_space<semaphore_mem>>
      %dma_start3A_41 = tpu.memref_slice %arg11[%mul3A_2] : memref<100096xf32, #tpu.memory_space<vmem_shared>> -> memref<6256xf32, #tpu.memory_space<vmem_shared>>
      %dma_start3A_42 = tpu.memref_slice %arg11[%mul3A_2] : memref<100096xf32, #tpu.memory_space<vmem_shared>> -> memref<6256xf32, #tpu.memory_space<vmem_shared>>
      tpu.enqueue_dma source(%arg19 : memref<6256xf32, #tpu.memory_space<vmem>>) target(%dma_start3A_42 : memref<6256xf32, #tpu.memory_space<vmem_shared>>) target_semaphore(%run_scoped3A : memref<!tpu.dma_semaphore, #tpu.memory_space<semaphore_mem>>)
      %dma_wait3A = tpu.memref_slice %arg11[%mul3A_2] : memref<100096xf32, #tpu.memory_space<vmem_shared>> -> memref<6256xf32, #tpu.memory_space<vmem_shared>>
      %dma_wait3A_43 = tpu.memref_slice %arg11[%mul3A_2] : memref<100096xf32, #tpu.memory_space<vmem_shared>> -> memref<6256xf32, #tpu.memory_space<vmem_shared>>
      tpu.wait_dma2 semaphore(%run_scoped3A : memref<!tpu.dma_semaphore, #tpu.memory_space<semaphore_mem>>) src(%arg19 : memref<6256xf32, #tpu.memory_space<vmem>>) dst(%dma_wait3A_43 : memref<6256xf32, #tpu.memory_space<vmem_shared>>)
      tpu.yield
    }) : () -> ()
    "tpu.region"() ({
      %run_scoped3A = tpu.sem_alloc : memref<!tpu.dma_semaphore, #tpu.memory_space<semaphore_mem>>
      %dma_start3A_41 = tpu.memref_slice %arg12[%mul3A_2] : memref<100096xf32, #tpu.memory_space<vmem_shared>> -> memref<6256xf32, #tpu.memory_space<vmem_shared>>
      %dma_start3A_42 = tpu.memref_slice %arg12[%mul3A_2] : memref<100096xf32, #tpu.memory_space<vmem_shared>> -> memref<6256xf32, #tpu.memory_space<vmem_shared>>
      tpu.enqueue_dma source(%arg19 : memref<6256xf32, #tpu.memory_space<vmem>>) target(%dma_start3A_42 : memref<6256xf32, #tpu.memory_space<vmem_shared>>) target_semaphore(%run_scoped3A : memref<!tpu.dma_semaphore, #tpu.memory_space<semaphore_mem>>)
      %dma_wait3A = tpu.memref_slice %arg12[%mul3A_2] : memref<100096xf32, #tpu.memory_space<vmem_shared>> -> memref<6256xf32, #tpu.memory_space<vmem_shared>>
      %dma_wait3A_43 = tpu.memref_slice %arg12[%mul3A_2] : memref<100096xf32, #tpu.memory_space<vmem_shared>> -> memref<6256xf32, #tpu.memory_space<vmem_shared>>
      tpu.wait_dma2 semaphore(%run_scoped3A : memref<!tpu.dma_semaphore, #tpu.memory_space<semaphore_mem>>) src(%arg19 : memref<6256xf32, #tpu.memory_space<vmem>>) dst(%dma_wait3A_43 : memref<6256xf32, #tpu.memory_space<vmem_shared>>)
      tpu.yield
    }) : () -> ()
    "tpu.region"() ({
      %run_scoped3A = tpu.sem_alloc : memref<!tpu.dma_semaphore, #tpu.memory_space<semaphore_mem>>
      %dma_start3A_41 = tpu.memref_slice %arg5[%mul3A_2] : memref<100096xf32, #tpu.memory_space<hbm>> -> memref<6256xf32, #tpu.memory_space<hbm>>
      %dma_start3A_42 = tpu.memref_slice %arg5[%mul3A_2] : memref<100096xf32, #tpu.memory_space<hbm>> -> memref<6256xf32, #tpu.memory_space<hbm>>
      tpu.enqueue_dma source(%dma_start3A_42 : memref<6256xf32, #tpu.memory_space<hbm>>) target(%arg19 : memref<6256xf32, #tpu.memory_space<vmem>>) target_semaphore(%run_scoped3A : memref<!tpu.dma_semaphore, #tpu.memory_space<semaphore_mem>>)
      %dma_wait3A = tpu.memref_slice %arg5[%mul3A_2] : memref<100096xf32, #tpu.memory_space<hbm>> -> memref<6256xf32, #tpu.memory_space<hbm>>
      %dma_wait3A_43 = tpu.memref_slice %arg5[%mul3A_2] : memref<100096xf32, #tpu.memory_space<hbm>> -> memref<6256xf32, #tpu.memory_space<hbm>>
      tpu.wait_dma2 semaphore(%run_scoped3A : memref<!tpu.dma_semaphore, #tpu.memory_space<semaphore_mem>>) src(%dma_wait3A_43 : memref<6256xf32, #tpu.memory_space<hbm>>) dst(%arg19 : memref<6256xf32, #tpu.memory_space<vmem>>)
      tpu.yield
    }) : () -> ()
    "tpu.region"() ({
      %run_scoped3A = tpu.sem_alloc : memref<!tpu.dma_semaphore, #tpu.memory_space<semaphore_mem>>
      %dma_start3A_41 = tpu.memref_slice %arg9[%mul3A_2] : memref<100096xf32, #tpu.memory_space<vmem_shared>> -> memref<6256xf32, #tpu.memory_space<vmem_shared>>
      %dma_start3A_42 = tpu.memref_slice %arg9[%mul3A_2] : memref<100096xf32, #tpu.memory_space<vmem_shared>> -> memref<6256xf32, #tpu.memory_space<vmem_shared>>
      tpu.enqueue_dma source(%arg19 : memref<6256xf32, #tpu.memory_space<vmem>>) target(%dma_start3A_42 : memref<6256xf32, #tpu.memory_space<vmem_shared>>) target_semaphore(%run_scoped3A : memref<!tpu.dma_semaphore, #tpu.memory_space<semaphore_mem>>)
      %dma_wait3A = tpu.memref_slice %arg9[%mul3A_2] : memref<100096xf32, #tpu.memory_space<vmem_shared>> -> memref<6256xf32, #tpu.memory_space<vmem_shared>>
      %dma_wait3A_43 = tpu.memref_slice %arg9[%mul3A_2] : memref<100096xf32, #tpu.memory_space<vmem_shared>> -> memref<6256xf32, #tpu.memory_space<vmem_shared>>
      tpu.wait_dma2 semaphore(%run_scoped3A : memref<!tpu.dma_semaphore, #tpu.memory_space<semaphore_mem>>) src(%arg19 : memref<6256xf32, #tpu.memory_space<vmem>>) dst(%dma_wait3A_43 : memref<6256xf32, #tpu.memory_space<vmem_shared>>)
      tpu.yield
    }) : () -> ()
    "tpu.region"() ({
      %run_scoped3A = tpu.sem_alloc : memref<!tpu.dma_semaphore, #tpu.memory_space<semaphore_mem>>
      %dma_start3A_41 = tpu.memref_slice %arg6[%mul3A_2] : memref<100096xf32, #tpu.memory_space<hbm>> -> memref<6256xf32, #tpu.memory_space<hbm>>
      %dma_start3A_42 = tpu.memref_slice %arg6[%mul3A_2] : memref<100096xf32, #tpu.memory_space<hbm>> -> memref<6256xf32, #tpu.memory_space<hbm>>
      tpu.enqueue_dma source(%dma_start3A_42 : memref<6256xf32, #tpu.memory_space<hbm>>) target(%arg19 : memref<6256xf32, #tpu.memory_space<vmem>>) target_semaphore(%run_scoped3A : memref<!tpu.dma_semaphore, #tpu.memory_space<semaphore_mem>>)
      %dma_wait3A = tpu.memref_slice %arg6[%mul3A_2] : memref<100096xf32, #tpu.memory_space<hbm>> -> memref<6256xf32, #tpu.memory_space<hbm>>
      %dma_wait3A_43 = tpu.memref_slice %arg6[%mul3A_2] : memref<100096xf32, #tpu.memory_space<hbm>> -> memref<6256xf32, #tpu.memory_space<hbm>>
      tpu.wait_dma2 semaphore(%run_scoped3A : memref<!tpu.dma_semaphore, #tpu.memory_space<semaphore_mem>>) src(%dma_wait3A_43 : memref<6256xf32, #tpu.memory_space<hbm>>) dst(%arg19 : memref<6256xf32, #tpu.memory_space<vmem>>)
      tpu.yield
    }) : () -> ()
    "tpu.region"() ({
      %run_scoped3A = tpu.sem_alloc : memref<!tpu.dma_semaphore, #tpu.memory_space<semaphore_mem>>
      %dma_start3A_41 = tpu.memref_slice %arg10[%mul3A_2] : memref<100096xf32, #tpu.memory_space<vmem_shared>> -> memref<6256xf32, #tpu.memory_space<vmem_shared>>
      %dma_start3A_42 = tpu.memref_slice %arg10[%mul3A_2] : memref<100096xf32, #tpu.memory_space<vmem_shared>> -> memref<6256xf32, #tpu.memory_space<vmem_shared>>
      tpu.enqueue_dma source(%arg19 : memref<6256xf32, #tpu.memory_space<vmem>>) target(%dma_start3A_42 : memref<6256xf32, #tpu.memory_space<vmem_shared>>) target_semaphore(%run_scoped3A : memref<!tpu.dma_semaphore, #tpu.memory_space<semaphore_mem>>)
      %dma_wait3A = tpu.memref_slice %arg10[%mul3A_2] : memref<100096xf32, #tpu.memory_space<vmem_shared>> -> memref<6256xf32, #tpu.memory_space<vmem_shared>>
      %dma_wait3A_43 = tpu.memref_slice %arg10[%mul3A_2] : memref<100096xf32, #tpu.memory_space<vmem_shared>> -> memref<6256xf32, #tpu.memory_space<vmem_shared>>
      tpu.wait_dma2 semaphore(%run_scoped3A : memref<!tpu.dma_semaphore, #tpu.memory_space<semaphore_mem>>) src(%arg19 : memref<6256xf32, #tpu.memory_space<vmem>>) dst(%dma_wait3A_43 : memref<6256xf32, #tpu.memory_space<vmem_shared>>)
      tpu.yield
    }) : () -> ()
    %barrier3A = arith.constant 0 : index
    tpu.barrier barrier_id(%barrier3A)
    %eq3A = arith.constant 0 : i32
    %eq3A_3 = arith.cmpi eq, %arg0, %eq3A : i32
    %mul3A_4 = arith.constant 106 : i32
    %mul3A_5 = arith.muli %arg1, %mul3A_4 : i32
    %mul3A_6 = arith.constant 90 : i32
    %mul3A_7 = arith.muli %arg1, %mul3A_6 : i32
    %add3A_8 = arith.constant 1696 : i32
    %add3A_9 = arith.addi %add3A_8, %mul3A_7 : i32
    %select_n3A = arith.select %eq3A_3, %mul3A_5, %add3A_9 : i32
    %eq3A_10 = arith.constant 0 : i32
    %eq3A_11 = arith.cmpi eq, %arg0, %eq3A_10 : i32
    %jit3A = arith.constant 106 : i32
    %jit3A_12 = arith.constant 90 : i32
    %select_n3A_13 = arith.select %eq3A_11, %jit3A, %jit3A_12 : i32
    %mul3A_14 = arith.constant 2048 : i32
    %mul3A_15 = arith.muli %select_n3A, %mul3A_14 : i32
    %dma_start3A = tpu.memref_slice %arg2[%mul3A_15] : memref<6422528xi32, #tpu.memory_space<hbm>> -> memref<2048xi32, #tpu.memory_space<hbm>>
    %dma_start3A_16 = tpu.memref_slice %arg2[%mul3A_15] : memref<6422528xi32, #tpu.memory_space<hbm>> -> memref<2048xi32, #tpu.memory_space<hbm>>
    tpu.enqueue_dma source(%dma_start3A_16 : memref<2048xi32, #tpu.memory_space<hbm>>) target(%arg13 : memref<2048xi32, #tpu.memory_space<vmem>>) target_semaphore(%arg20 : memref<!tpu.dma_semaphore, #tpu.memory_space<semaphore_mem>>)
    %dma_start3A_17 = tpu.memref_slice %arg3[%mul3A_15] : memref<6422528xi32, #tpu.memory_space<hbm>> -> memref<2048xi32, #tpu.memory_space<hbm>>
    %dma_start3A_18 = tpu.memref_slice %arg3[%mul3A_15] : memref<6422528xi32, #tpu.memory_space<hbm>> -> memref<2048xi32, #tpu.memory_space<hbm>>
    tpu.enqueue_dma source(%dma_start3A_18 : memref<2048xi32, #tpu.memory_space<hbm>>) target(%arg15 : memref<2048xi32, #tpu.memory_space<vmem>>) target_semaphore(%arg20 : memref<!tpu.dma_semaphore, #tpu.memory_space<semaphore_mem>>)
    %while3A = arith.constant 0 : i32
    %while3A_19 = arith.constant 0 : i32
    %while3A_20 = arith.subi %select_n3A_13, %while3A : i32
    %while3A_21 = arith.addi %while3A, %while3A_20 : i32
    %while3A_22 = arith.constant 1 : i32
    %while3A_23 = arith.divsi %while3A_20, %while3A_22 : i32
    %while3A_24 = arith.muli %while3A_23, %while3A_22 : i32
    %while3A_25 = arith.addi %while3A, %while3A_24 : i32
    %while3A_26 = arith.constant 1 : i32
    %while3A_27 = scf.for %while3A_41 = %while3A to %while3A_25 step %while3A_26 iter_args(%while3A_42 = %while3A_19) -> (i32)  : i32 {
      %rem3A = arith.constant 2 : i32
      %rem3A_43 = arith.remsi %while3A_41, %rem3A : i32
      %eq3A_44 = arith.constant 0 : i32
      %eq3A_45 = arith.cmpi eq, %rem3A_43, %eq3A_44 : i32
      %convert_element_type3A = arith.extui %eq3A_45 : i1 to i32
      %cond3A = arith.constant 0 : i32
      %cond3A_46 = arith.cmpi ne, %convert_element_type3A, %cond3A : i32
      scf.if %cond3A_46 {
        %dma_wait3A = arith.constant 0 : i32
        %dma_wait3A_53 = tpu.memref_slice %arg2[%dma_wait3A] : memref<6422528xi32, #tpu.memory_space<hbm>> -> memref<2048xi32, #tpu.memory_space<hbm>>
        %dma_wait3A_54 = arith.constant 0 : i32
        %dma_wait3A_55 = tpu.memref_slice %arg2[%dma_wait3A_54] : memref<6422528xi32, #tpu.memory_space<hbm>> -> memref<2048xi32, #tpu.memory_space<hbm>>
        tpu.wait_dma2 semaphore(%arg20 : memref<!tpu.dma_semaphore, #tpu.memory_space<semaphore_mem>>) src(%dma_wait3A_55 : memref<2048xi32, #tpu.memory_space<hbm>>) dst(%arg13 : memref<2048xi32, #tpu.memory_space<vmem>>)
        %dma_wait3A_56 = arith.constant 0 : i32
        %dma_wait3A_57 = tpu.memref_slice %arg3[%dma_wait3A_56] : memref<6422528xi32, #tpu.memory_space<hbm>> -> memref<2048xi32, #tpu.memory_space<hbm>>
        %dma_wait3A_58 = arith.constant 0 : i32
        %dma_wait3A_59 = tpu.memref_slice %arg3[%dma_wait3A_58] : memref<6422528xi32, #tpu.memory_space<hbm>> -> memref<2048xi32, #tpu.memory_space<hbm>>
        tpu.wait_dma2 semaphore(%arg20 : memref<!tpu.dma_semaphore, #tpu.memory_space<semaphore_mem>>) src(%dma_wait3A_59 : memref<2048xi32, #tpu.memory_space<hbm>>) dst(%arg15 : memref<2048xi32, #tpu.memory_space<vmem>>)
        %add3A_60 = arith.constant 1 : i32
        %add3A_61 = arith.addi %while3A_41, %add3A_60 : i32
        %lt3A = arith.cmpi slt, %add3A_61, %select_n3A_13 : i32
        %convert_element_type3A_62 = arith.extui %lt3A : i1 to i32
        %cond3A_63 = arith.constant 0 : i32
        %cond3A_64 = arith.cmpi ne, %convert_element_type3A_62, %cond3A_63 : i32
        scf.if %cond3A_64 {
          %add3A_81 = arith.addi %select_n3A, %while3A_41 : i32
          %add3A_82 = arith.constant 1 : i32
          %add3A_83 = arith.addi %add3A_81, %add3A_82 : i32
          %mul3A_84 = arith.constant 2048 : i32
          %mul3A_85 = arith.muli %add3A_83, %mul3A_84 : i32
          %dma_start3A_86 = tpu.memref_slice %arg2[%mul3A_85] : memref<6422528xi32, #tpu.memory_space<hbm>> -> memref<2048xi32, #tpu.memory_space<hbm>>
          %dma_start3A_87 = tpu.memref_slice %arg2[%mul3A_85] : memref<6422528xi32, #tpu.memory_space<hbm>> -> memref<2048xi32, #tpu.memory_space<hbm>>
          tpu.enqueue_dma source(%dma_start3A_87 : memref<2048xi32, #tpu.memory_space<hbm>>) target(%arg14 : memref<2048xi32, #tpu.memory_space<vmem>>) target_semaphore(%arg20 : memref<!tpu.dma_semaphore, #tpu.memory_space<semaphore_mem>>)
          %dma_start3A_88 = tpu.memref_slice %arg3[%mul3A_85] : memref<6422528xi32, #tpu.memory_space<hbm>> -> memref<2048xi32, #tpu.memory_space<hbm>>
          %dma_start3A_89 = tpu.memref_slice %arg3[%mul3A_85] : memref<6422528xi32, #tpu.memory_space<hbm>> -> memref<2048xi32, #tpu.memory_space<hbm>>
          tpu.enqueue_dma source(%dma_start3A_89 : memref<2048xi32, #tpu.memory_space<hbm>>) target(%arg16 : memref<2048xi32, #tpu.memory_space<vmem>>) target_semaphore(%arg20 : memref<!tpu.dma_semaphore, #tpu.memory_space<semaphore_mem>>)
        } else {
        }
        %dma_start3A_65 = arith.constant 0 : i32
        %dma_start3A_66 = tpu.memref_slice %arg9[%dma_start3A_65] : memref<100096xf32, #tpu.memory_space<vmem_shared>> -> memref<100096xf32, #tpu.memory_space<vmem_shared>>
        tpu.enqueue_indirect_dma source(%dma_start3A_66 : memref<100096xf32, #tpu.memory_space<vmem_shared>>) target(%arg17 : memref<2048xf32, #tpu.memory_space<vmem>>) offsets(%arg13 : memref<2048xi32, #tpu.memory_space<vmem>>) semaphore(%arg21 : memref<!tpu.dma_semaphore, #tpu.memory_space<semaphore_mem>>)
        %dma_start3A_67 = arith.constant 0 : i32
        %dma_start3A_68 = tpu.memref_slice %arg10[%dma_start3A_67] : memref<100096xf32, #tpu.memory_space<vmem_shared>> -> memref<100096xf32, #tpu.memory_space<vmem_shared>>
        tpu.enqueue_indirect_dma source(%dma_start3A_68 : memref<100096xf32, #tpu.memory_space<vmem_shared>>) target(%arg18 : memref<2048xf32, #tpu.memory_space<vmem>>) offsets(%arg13 : memref<2048xi32, #tpu.memory_space<vmem>>) semaphore(%arg21 : memref<!tpu.dma_semaphore, #tpu.memory_space<semaphore_mem>>)
        %dma_wait3A_69 = arith.constant 0 : i32
        %dma_wait3A_70 = tpu.memref_slice %arg9[%dma_wait3A_69] : memref<100096xf32, #tpu.memory_space<vmem_shared>> -> memref<100096xf32, #tpu.memory_space<vmem_shared>>
        tpu.wait_indirect_dma semaphore(%arg21 : memref<!tpu.dma_semaphore, #tpu.memory_space<semaphore_mem>>) src(%dma_wait3A_70 : memref<100096xf32, #tpu.memory_space<vmem_shared>>) dst(%arg17 : memref<2048xf32, #tpu.memory_space<vmem>>)
        %dma_wait3A_71 = arith.constant 0 : i32
        %dma_wait3A_72 = tpu.memref_slice %arg10[%dma_wait3A_71] : memref<100096xf32, #tpu.memory_space<vmem_shared>> -> memref<100096xf32, #tpu.memory_space<vmem_shared>>
        tpu.wait_indirect_dma semaphore(%arg21 : memref<!tpu.dma_semaphore, #tpu.memory_space<semaphore_mem>>) src(%dma_wait3A_72 : memref<100096xf32, #tpu.memory_space<vmem_shared>>) dst(%arg18 : memref<2048xf32, #tpu.memory_space<vmem>>)
        %dma_start3A_73 = arith.constant 0 : i32
        %dma_start3A_74 = tpu.memref_slice %arg11[%dma_start3A_73] : memref<100096xf32, #tpu.memory_space<vmem_shared>> -> memref<100096xf32, #tpu.memory_space<vmem_shared>>
        tpu.enqueue_indirect_dma source(%arg17 : memref<2048xf32, #tpu.memory_space<vmem>>) target(%dma_start3A_74 : memref<100096xf32, #tpu.memory_space<vmem_shared>>) offsets(%arg15 : memref<2048xi32, #tpu.memory_space<vmem>>) semaphore(%arg22 : memref<!tpu.dma_semaphore, #tpu.memory_space<semaphore_mem>>) {add = true}
        %dma_start3A_75 = arith.constant 0 : i32
        %dma_start3A_76 = tpu.memref_slice %arg12[%dma_start3A_75] : memref<100096xf32, #tpu.memory_space<vmem_shared>> -> memref<100096xf32, #tpu.memory_space<vmem_shared>>
        tpu.enqueue_indirect_dma source(%arg18 : memref<2048xf32, #tpu.memory_space<vmem>>) target(%dma_start3A_76 : memref<100096xf32, #tpu.memory_space<vmem_shared>>) offsets(%arg15 : memref<2048xi32, #tpu.memory_space<vmem>>) semaphore(%arg22 : memref<!tpu.dma_semaphore, #tpu.memory_space<semaphore_mem>>) {add = true}
        %dma_wait3A_77 = arith.constant 0 : i32
        %dma_wait3A_78 = tpu.memref_slice %arg11[%dma_wait3A_77] : memref<100096xf32, #tpu.memory_space<vmem_shared>> -> memref<100096xf32, #tpu.memory_space<vmem_shared>>
        tpu.wait_indirect_dma semaphore(%arg22 : memref<!tpu.dma_semaphore, #tpu.memory_space<semaphore_mem>>) src(%arg17 : memref<2048xf32, #tpu.memory_space<vmem>>) dst(%dma_wait3A_78 : memref<100096xf32, #tpu.memory_space<vmem_shared>>)
        %dma_wait3A_79 = arith.constant 0 : i32
        %dma_wait3A_80 = tpu.memref_slice %arg12[%dma_wait3A_79] : memref<100096xf32, #tpu.memory_space<vmem_shared>> -> memref<100096xf32, #tpu.memory_space<vmem_shared>>
        tpu.wait_indirect_dma semaphore(%arg22 : memref<!tpu.dma_semaphore, #tpu.memory_space<semaphore_mem>>) src(%arg18 : memref<2048xf32, #tpu.memory_space<vmem>>) dst(%dma_wait3A_80 : memref<100096xf32, #tpu.memory_space<vmem_shared>>)
      } else {
      }
      %eq3A_47 = arith.constant 1 : i32
      %eq3A_48 = arith.cmpi eq, %rem3A_43, %eq3A_47 : i32
      %convert_element_type3A_49 = arith.extui %eq3A_48 : i1 to i32
      %cond3A_50 = arith.constant 0 : i32
      %cond3A_51 = arith.cmpi ne, %convert_element_type3A_49, %cond3A_50 : i32
      scf.if %cond3A_51 {
        %dma_wait3A = arith.constant 0 : i32
        %dma_wait3A_53 = tpu.memref_slice %arg2[%dma_wait3A] : memref<6422528xi32, #tpu.memory_space<hbm>> -> memref<2048xi32, #tpu.memory_space<hbm>>
        %dma_wait3A_54 = arith.constant 0 : i32
        %dma_wait3A_55 = tpu.memref_slice %arg2[%dma_wait3A_54] : memref<6422528xi32, #tpu.memory_space<hbm>> -> memref<2048xi32, #tpu.memory_space<hbm>>
        tpu.wait_dma2 semaphore(%arg20 : memref<!tpu.dma_semaphore, #tpu.memory_space<semaphore_mem>>) src(%dma_wait3A_55 : memref<2048xi32, #tpu.memory_space<hbm>>) dst(%arg14 : memref<2048xi32, #tpu.memory_space<vmem>>)
        %dma_wait3A_56 = arith.constant 0 : i32
        %dma_wait3A_57 = tpu.memref_slice %arg3[%dma_wait3A_56] : memref<6422528xi32, #tpu.memory_space<hbm>> -> memref<2048xi32, #tpu.memory_space<hbm>>
        %dma_wait3A_58 = arith.constant 0 : i32
        %dma_wait3A_59 = tpu.memref_slice %arg3[%dma_wait3A_58] : memref<6422528xi32, #tpu.memory_space<hbm>> -> memref<2048xi32, #tpu.memory_space<hbm>>
        tpu.wait_dma2 semaphore(%arg20 : memref<!tpu.dma_semaphore, #tpu.memory_space<semaphore_mem>>) src(%dma_wait3A_59 : memref<2048xi32, #tpu.memory_space<hbm>>) dst(%arg16 : memref<2048xi32, #tpu.memory_space<vmem>>)
        %add3A_60 = arith.constant 1 : i32
        %add3A_61 = arith.addi %while3A_41, %add3A_60 : i32
        %lt3A = arith.cmpi slt, %add3A_61, %select_n3A_13 : i32
        %convert_element_type3A_62 = arith.extui %lt3A : i1 to i32
        %cond3A_63 = arith.constant 0 : i32
        %cond3A_64 = arith.cmpi ne, %convert_element_type3A_62, %cond3A_63 : i32
        scf.if %cond3A_64 {
          %add3A_81 = arith.addi %select_n3A, %while3A_41 : i32
          %add3A_82 = arith.constant 1 : i32
          %add3A_83 = arith.addi %add3A_81, %add3A_82 : i32
          %mul3A_84 = arith.constant 2048 : i32
          %mul3A_85 = arith.muli %add3A_83, %mul3A_84 : i32
          %dma_start3A_86 = tpu.memref_slice %arg2[%mul3A_85] : memref<6422528xi32, #tpu.memory_space<hbm>> -> memref<2048xi32, #tpu.memory_space<hbm>>
          %dma_start3A_87 = tpu.memref_slice %arg2[%mul3A_85] : memref<6422528xi32, #tpu.memory_space<hbm>> -> memref<2048xi32, #tpu.memory_space<hbm>>
          tpu.enqueue_dma source(%dma_start3A_87 : memref<2048xi32, #tpu.memory_space<hbm>>) target(%arg13 : memref<2048xi32, #tpu.memory_space<vmem>>) target_semaphore(%arg20 : memref<!tpu.dma_semaphore, #tpu.memory_space<semaphore_mem>>)
          %dma_start3A_88 = tpu.memref_slice %arg3[%mul3A_85] : memref<6422528xi32, #tpu.memory_space<hbm>> -> memref<2048xi32, #tpu.memory_space<hbm>>
          %dma_start3A_89 = tpu.memref_slice %arg3[%mul3A_85] : memref<6422528xi32, #tpu.memory_space<hbm>> -> memref<2048xi32, #tpu.memory_space<hbm>>
          tpu.enqueue_dma source(%dma_start3A_89 : memref<2048xi32, #tpu.memory_space<hbm>>) target(%arg15 : memref<2048xi32, #tpu.memory_space<vmem>>) target_semaphore(%arg20 : memref<!tpu.dma_semaphore, #tpu.memory_space<semaphore_mem>>)
        } else {
        }
        %dma_start3A_65 = arith.constant 0 : i32
        %dma_start3A_66 = tpu.memref_slice %arg9[%dma_start3A_65] : memref<100096xf32, #tpu.memory_space<vmem_shared>> -> memref<100096xf32, #tpu.memory_space<vmem_shared>>
        tpu.enqueue_indirect_dma source(%dma_start3A_66 : memref<100096xf32, #tpu.memory_space<vmem_shared>>) target(%arg17 : memref<2048xf32, #tpu.memory_space<vmem>>) offsets(%arg14 : memref<2048xi32, #tpu.memory_space<vmem>>) semaphore(%arg21 : memref<!tpu.dma_semaphore, #tpu.memory_space<semaphore_mem>>)
        %dma_start3A_67 = arith.constant 0 : i32
        %dma_start3A_68 = tpu.memref_slice %arg10[%dma_start3A_67] : memref<100096xf32, #tpu.memory_space<vmem_shared>> -> memref<100096xf32, #tpu.memory_space<vmem_shared>>
        tpu.enqueue_indirect_dma source(%dma_start3A_68 : memref<100096xf32, #tpu.memory_space<vmem_shared>>) target(%arg18 : memref<2048xf32, #tpu.memory_space<vmem>>) offsets(%arg14 : memref<2048xi32, #tpu.memory_space<vmem>>) semaphore(%arg21 : memref<!tpu.dma_semaphore, #tpu.memory_space<semaphore_mem>>)
        %dma_wait3A_69 = arith.constant 0 : i32
        %dma_wait3A_70 = tpu.memref_slice %arg9[%dma_wait3A_69] : memref<100096xf32, #tpu.memory_space<vmem_shared>> -> memref<100096xf32, #tpu.memory_space<vmem_shared>>
        tpu.wait_indirect_dma semaphore(%arg21 : memref<!tpu.dma_semaphore, #tpu.memory_space<semaphore_mem>>) src(%dma_wait3A_70 : memref<100096xf32, #tpu.memory_space<vmem_shared>>) dst(%arg17 : memref<2048xf32, #tpu.memory_space<vmem>>)
        %dma_wait3A_71 = arith.constant 0 : i32
        %dma_wait3A_72 = tpu.memref_slice %arg10[%dma_wait3A_71] : memref<100096xf32, #tpu.memory_space<vmem_shared>> -> memref<100096xf32, #tpu.memory_space<vmem_shared>>
        tpu.wait_indirect_dma semaphore(%arg21 : memref<!tpu.dma_semaphore, #tpu.memory_space<semaphore_mem>>) src(%dma_wait3A_72 : memref<100096xf32, #tpu.memory_space<vmem_shared>>) dst(%arg18 : memref<2048xf32, #tpu.memory_space<vmem>>)
        %dma_start3A_73 = arith.constant 0 : i32
        %dma_start3A_74 = tpu.memref_slice %arg11[%dma_start3A_73] : memref<100096xf32, #tpu.memory_space<vmem_shared>> -> memref<100096xf32, #tpu.memory_space<vmem_shared>>
        tpu.enqueue_indirect_dma source(%arg17 : memref<2048xf32, #tpu.memory_space<vmem>>) target(%dma_start3A_74 : memref<100096xf32, #tpu.memory_space<vmem_shared>>) offsets(%arg16 : memref<2048xi32, #tpu.memory_space<vmem>>) semaphore(%arg22 : memref<!tpu.dma_semaphore, #tpu.memory_space<semaphore_mem>>) {add = true}
        %dma_start3A_75 = arith.constant 0 : i32
        %dma_start3A_76 = tpu.memref_slice %arg12[%dma_start3A_75] : memref<100096xf32, #tpu.memory_space<vmem_shared>> -> memref<100096xf32, #tpu.memory_space<vmem_shared>>
        tpu.enqueue_indirect_dma source(%arg18 : memref<2048xf32, #tpu.memory_space<vmem>>) target(%dma_start3A_76 : memref<100096xf32, #tpu.memory_space<vmem_shared>>) offsets(%arg16 : memref<2048xi32, #tpu.memory_space<vmem>>) semaphore(%arg22 : memref<!tpu.dma_semaphore, #tpu.memory_space<semaphore_mem>>) {add = true}
        %dma_wait3A_77 = arith.constant 0 : i32
        %dma_wait3A_78 = tpu.memref_slice %arg11[%dma_wait3A_77] : memref<100096xf32, #tpu.memory_space<vmem_shared>> -> memref<100096xf32, #tpu.memory_space<vmem_shared>>
        tpu.wait_indirect_dma semaphore(%arg22 : memref<!tpu.dma_semaphore, #tpu.memory_space<semaphore_mem>>) src(%arg17 : memref<2048xf32, #tpu.memory_space<vmem>>) dst(%dma_wait3A_78 : memref<100096xf32, #tpu.memory_space<vmem_shared>>)
        %dma_wait3A_79 = arith.constant 0 : i32
        %dma_wait3A_80 = tpu.memref_slice %arg12[%dma_wait3A_79] : memref<100096xf32, #tpu.memory_space<vmem_shared>> -> memref<100096xf32, #tpu.memory_space<vmem_shared>>
        tpu.wait_indirect_dma semaphore(%arg22 : memref<!tpu.dma_semaphore, #tpu.memory_space<semaphore_mem>>) src(%arg18 : memref<2048xf32, #tpu.memory_space<vmem>>) dst(%dma_wait3A_80 : memref<100096xf32, #tpu.memory_space<vmem_shared>>)
      } else {
      }
      %while3A_52 = arith.constant 0 : i32
      scf.yield %while3A_52 : i32
    }
    %while3A_28 = arith.constant 1 : i32
    %while3A_29 = scf.for %while3A_41 = %while3A_25 to %while3A_21 step %while3A_28 iter_args(%while3A_42 = %while3A_27) -> (i32)  : i32 {
      %rem3A = arith.constant 2 : i32
      %rem3A_43 = arith.remsi %while3A_41, %rem3A : i32
      %eq3A_44 = arith.constant 0 : i32
      %eq3A_45 = arith.cmpi eq, %rem3A_43, %eq3A_44 : i32
      %convert_element_type3A = arith.extui %eq3A_45 : i1 to i32
      %cond3A = arith.constant 0 : i32
      %cond3A_46 = arith.cmpi ne, %convert_element_type3A, %cond3A : i32
      scf.if %cond3A_46 {
        %dma_wait3A = arith.constant 0 : i32
        %dma_wait3A_53 = tpu.memref_slice %arg2[%dma_wait3A] : memref<6422528xi32, #tpu.memory_space<hbm>> -> memref<2048xi32, #tpu.memory_space<hbm>>
        %dma_wait3A_54 = arith.constant 0 : i32
        %dma_wait3A_55 = tpu.memref_slice %arg2[%dma_wait3A_54] : memref<6422528xi32, #tpu.memory_space<hbm>> -> memref<2048xi32, #tpu.memory_space<hbm>>
        tpu.wait_dma2 semaphore(%arg20 : memref<!tpu.dma_semaphore, #tpu.memory_space<semaphore_mem>>) src(%dma_wait3A_55 : memref<2048xi32, #tpu.memory_space<hbm>>) dst(%arg13 : memref<2048xi32, #tpu.memory_space<vmem>>)
        %dma_wait3A_56 = arith.constant 0 : i32
        %dma_wait3A_57 = tpu.memref_slice %arg3[%dma_wait3A_56] : memref<6422528xi32, #tpu.memory_space<hbm>> -> memref<2048xi32, #tpu.memory_space<hbm>>
        %dma_wait3A_58 = arith.constant 0 : i32
        %dma_wait3A_59 = tpu.memref_slice %arg3[%dma_wait3A_58] : memref<6422528xi32, #tpu.memory_space<hbm>> -> memref<2048xi32, #tpu.memory_space<hbm>>
        tpu.wait_dma2 semaphore(%arg20 : memref<!tpu.dma_semaphore, #tpu.memory_space<semaphore_mem>>) src(%dma_wait3A_59 : memref<2048xi32, #tpu.memory_space<hbm>>) dst(%arg15 : memref<2048xi32, #tpu.memory_space<vmem>>)
        %add3A_60 = arith.constant 1 : i32
        %add3A_61 = arith.addi %while3A_41, %add3A_60 : i32
        %lt3A = arith.cmpi slt, %add3A_61, %select_n3A_13 : i32
        %convert_element_type3A_62 = arith.extui %lt3A : i1 to i32
        %cond3A_63 = arith.constant 0 : i32
        %cond3A_64 = arith.cmpi ne, %convert_element_type3A_62, %cond3A_63 : i32
        scf.if %cond3A_64 {
          %add3A_81 = arith.addi %select_n3A, %while3A_41 : i32
          %add3A_82 = arith.constant 1 : i32
          %add3A_83 = arith.addi %add3A_81, %add3A_82 : i32
          %mul3A_84 = arith.constant 2048 : i32
          %mul3A_85 = arith.muli %add3A_83, %mul3A_84 : i32
          %dma_start3A_86 = tpu.memref_slice %arg2[%mul3A_85] : memref<6422528xi32, #tpu.memory_space<hbm>> -> memref<2048xi32, #tpu.memory_space<hbm>>
          %dma_start3A_87 = tpu.memref_slice %arg2[%mul3A_85] : memref<6422528xi32, #tpu.memory_space<hbm>> -> memref<2048xi32, #tpu.memory_space<hbm>>
          tpu.enqueue_dma source(%dma_start3A_87 : memref<2048xi32, #tpu.memory_space<hbm>>) target(%arg14 : memref<2048xi32, #tpu.memory_space<vmem>>) target_semaphore(%arg20 : memref<!tpu.dma_semaphore, #tpu.memory_space<semaphore_mem>>)
          %dma_start3A_88 = tpu.memref_slice %arg3[%mul3A_85] : memref<6422528xi32, #tpu.memory_space<hbm>> -> memref<2048xi32, #tpu.memory_space<hbm>>
          %dma_start3A_89 = tpu.memref_slice %arg3[%mul3A_85] : memref<6422528xi32, #tpu.memory_space<hbm>> -> memref<2048xi32, #tpu.memory_space<hbm>>
          tpu.enqueue_dma source(%dma_start3A_89 : memref<2048xi32, #tpu.memory_space<hbm>>) target(%arg16 : memref<2048xi32, #tpu.memory_space<vmem>>) target_semaphore(%arg20 : memref<!tpu.dma_semaphore, #tpu.memory_space<semaphore_mem>>)
        } else {
        }
        %dma_start3A_65 = arith.constant 0 : i32
        %dma_start3A_66 = tpu.memref_slice %arg9[%dma_start3A_65] : memref<100096xf32, #tpu.memory_space<vmem_shared>> -> memref<100096xf32, #tpu.memory_space<vmem_shared>>
        tpu.enqueue_indirect_dma source(%dma_start3A_66 : memref<100096xf32, #tpu.memory_space<vmem_shared>>) target(%arg17 : memref<2048xf32, #tpu.memory_space<vmem>>) offsets(%arg13 : memref<2048xi32, #tpu.memory_space<vmem>>) semaphore(%arg21 : memref<!tpu.dma_semaphore, #tpu.memory_space<semaphore_mem>>)
        %dma_start3A_67 = arith.constant 0 : i32
        %dma_start3A_68 = tpu.memref_slice %arg10[%dma_start3A_67] : memref<100096xf32, #tpu.memory_space<vmem_shared>> -> memref<100096xf32, #tpu.memory_space<vmem_shared>>
        tpu.enqueue_indirect_dma source(%dma_start3A_68 : memref<100096xf32, #tpu.memory_space<vmem_shared>>) target(%arg18 : memref<2048xf32, #tpu.memory_space<vmem>>) offsets(%arg13 : memref<2048xi32, #tpu.memory_space<vmem>>) semaphore(%arg21 : memref<!tpu.dma_semaphore, #tpu.memory_space<semaphore_mem>>)
        %dma_wait3A_69 = arith.constant 0 : i32
        %dma_wait3A_70 = tpu.memref_slice %arg9[%dma_wait3A_69] : memref<100096xf32, #tpu.memory_space<vmem_shared>> -> memref<100096xf32, #tpu.memory_space<vmem_shared>>
        tpu.wait_indirect_dma semaphore(%arg21 : memref<!tpu.dma_semaphore, #tpu.memory_space<semaphore_mem>>) src(%dma_wait3A_70 : memref<100096xf32, #tpu.memory_space<vmem_shared>>) dst(%arg17 : memref<2048xf32, #tpu.memory_space<vmem>>)
        %dma_wait3A_71 = arith.constant 0 : i32
        %dma_wait3A_72 = tpu.memref_slice %arg10[%dma_wait3A_71] : memref<100096xf32, #tpu.memory_space<vmem_shared>> -> memref<100096xf32, #tpu.memory_space<vmem_shared>>
        tpu.wait_indirect_dma semaphore(%arg21 : memref<!tpu.dma_semaphore, #tpu.memory_space<semaphore_mem>>) src(%dma_wait3A_72 : memref<100096xf32, #tpu.memory_space<vmem_shared>>) dst(%arg18 : memref<2048xf32, #tpu.memory_space<vmem>>)
        %dma_start3A_73 = arith.constant 0 : i32
        %dma_start3A_74 = tpu.memref_slice %arg11[%dma_start3A_73] : memref<100096xf32, #tpu.memory_space<vmem_shared>> -> memref<100096xf32, #tpu.memory_space<vmem_shared>>
        tpu.enqueue_indirect_dma source(%arg17 : memref<2048xf32, #tpu.memory_space<vmem>>) target(%dma_start3A_74 : memref<100096xf32, #tpu.memory_space<vmem_shared>>) offsets(%arg15 : memref<2048xi32, #tpu.memory_space<vmem>>) semaphore(%arg22 : memref<!tpu.dma_semaphore, #tpu.memory_space<semaphore_mem>>) {add = true}
        %dma_start3A_75 = arith.constant 0 : i32
        %dma_start3A_76 = tpu.memref_slice %arg12[%dma_start3A_75] : memref<100096xf32, #tpu.memory_space<vmem_shared>> -> memref<100096xf32, #tpu.memory_space<vmem_shared>>
        tpu.enqueue_indirect_dma source(%arg18 : memref<2048xf32, #tpu.memory_space<vmem>>) target(%dma_start3A_76 : memref<100096xf32, #tpu.memory_space<vmem_shared>>) offsets(%arg15 : memref<2048xi32, #tpu.memory_space<vmem>>) semaphore(%arg22 : memref<!tpu.dma_semaphore, #tpu.memory_space<semaphore_mem>>) {add = true}
        %dma_wait3A_77 = arith.constant 0 : i32
        %dma_wait3A_78 = tpu.memref_slice %arg11[%dma_wait3A_77] : memref<100096xf32, #tpu.memory_space<vmem_shared>> -> memref<100096xf32, #tpu.memory_space<vmem_shared>>
        tpu.wait_indirect_dma semaphore(%arg22 : memref<!tpu.dma_semaphore, #tpu.memory_space<semaphore_mem>>) src(%arg17 : memref<2048xf32, #tpu.memory_space<vmem>>) dst(%dma_wait3A_78 : memref<100096xf32, #tpu.memory_space<vmem_shared>>)
        %dma_wait3A_79 = arith.constant 0 : i32
        %dma_wait3A_80 = tpu.memref_slice %arg12[%dma_wait3A_79] : memref<100096xf32, #tpu.memory_space<vmem_shared>> -> memref<100096xf32, #tpu.memory_space<vmem_shared>>
        tpu.wait_indirect_dma semaphore(%arg22 : memref<!tpu.dma_semaphore, #tpu.memory_space<semaphore_mem>>) src(%arg18 : memref<2048xf32, #tpu.memory_space<vmem>>) dst(%dma_wait3A_80 : memref<100096xf32, #tpu.memory_space<vmem_shared>>)
      } else {
      }
      %eq3A_47 = arith.constant 1 : i32
      %eq3A_48 = arith.cmpi eq, %rem3A_43, %eq3A_47 : i32
      %convert_element_type3A_49 = arith.extui %eq3A_48 : i1 to i32
      %cond3A_50 = arith.constant 0 : i32
      %cond3A_51 = arith.cmpi ne, %convert_element_type3A_49, %cond3A_50 : i32
      scf.if %cond3A_51 {
        %dma_wait3A = arith.constant 0 : i32
        %dma_wait3A_53 = tpu.memref_slice %arg2[%dma_wait3A] : memref<6422528xi32, #tpu.memory_space<hbm>> -> memref<2048xi32, #tpu.memory_space<hbm>>
        %dma_wait3A_54 = arith.constant 0 : i32
        %dma_wait3A_55 = tpu.memref_slice %arg2[%dma_wait3A_54] : memref<6422528xi32, #tpu.memory_space<hbm>> -> memref<2048xi32, #tpu.memory_space<hbm>>
        tpu.wait_dma2 semaphore(%arg20 : memref<!tpu.dma_semaphore, #tpu.memory_space<semaphore_mem>>) src(%dma_wait3A_55 : memref<2048xi32, #tpu.memory_space<hbm>>) dst(%arg14 : memref<2048xi32, #tpu.memory_space<vmem>>)
        %dma_wait3A_56 = arith.constant 0 : i32
        %dma_wait3A_57 = tpu.memref_slice %arg3[%dma_wait3A_56] : memref<6422528xi32, #tpu.memory_space<hbm>> -> memref<2048xi32, #tpu.memory_space<hbm>>
        %dma_wait3A_58 = arith.constant 0 : i32
        %dma_wait3A_59 = tpu.memref_slice %arg3[%dma_wait3A_58] : memref<6422528xi32, #tpu.memory_space<hbm>> -> memref<2048xi32, #tpu.memory_space<hbm>>
        tpu.wait_dma2 semaphore(%arg20 : memref<!tpu.dma_semaphore, #tpu.memory_space<semaphore_mem>>) src(%dma_wait3A_59 : memref<2048xi32, #tpu.memory_space<hbm>>) dst(%arg16 : memref<2048xi32, #tpu.memory_space<vmem>>)
        %add3A_60 = arith.constant 1 : i32
        %add3A_61 = arith.addi %while3A_41, %add3A_60 : i32
        %lt3A = arith.cmpi slt, %add3A_61, %select_n3A_13 : i32
        %convert_element_type3A_62 = arith.extui %lt3A : i1 to i32
        %cond3A_63 = arith.constant 0 : i32
        %cond3A_64 = arith.cmpi ne, %convert_element_type3A_62, %cond3A_63 : i32
        scf.if %cond3A_64 {
          %add3A_81 = arith.addi %select_n3A, %while3A_41 : i32
          %add3A_82 = arith.constant 1 : i32
          %add3A_83 = arith.addi %add3A_81, %add3A_82 : i32
          %mul3A_84 = arith.constant 2048 : i32
          %mul3A_85 = arith.muli %add3A_83, %mul3A_84 : i32
          %dma_start3A_86 = tpu.memref_slice %arg2[%mul3A_85] : memref<6422528xi32, #tpu.memory_space<hbm>> -> memref<2048xi32, #tpu.memory_space<hbm>>
          %dma_start3A_87 = tpu.memref_slice %arg2[%mul3A_85] : memref<6422528xi32, #tpu.memory_space<hbm>> -> memref<2048xi32, #tpu.memory_space<hbm>>
          tpu.enqueue_dma source(%dma_start3A_87 : memref<2048xi32, #tpu.memory_space<hbm>>) target(%arg13 : memref<2048xi32, #tpu.memory_space<vmem>>) target_semaphore(%arg20 : memref<!tpu.dma_semaphore, #tpu.memory_space<semaphore_mem>>)
          %dma_start3A_88 = tpu.memref_slice %arg3[%mul3A_85] : memref<6422528xi32, #tpu.memory_space<hbm>> -> memref<2048xi32, #tpu.memory_space<hbm>>
          %dma_start3A_89 = tpu.memref_slice %arg3[%mul3A_85] : memref<6422528xi32, #tpu.memory_space<hbm>> -> memref<2048xi32, #tpu.memory_space<hbm>>
          tpu.enqueue_dma source(%dma_start3A_89 : memref<2048xi32, #tpu.memory_space<hbm>>) target(%arg15 : memref<2048xi32, #tpu.memory_space<vmem>>) target_semaphore(%arg20 : memref<!tpu.dma_semaphore, #tpu.memory_space<semaphore_mem>>)
        } else {
        }
        %dma_start3A_65 = arith.constant 0 : i32
        %dma_start3A_66 = tpu.memref_slice %arg9[%dma_start3A_65] : memref<100096xf32, #tpu.memory_space<vmem_shared>> -> memref<100096xf32, #tpu.memory_space<vmem_shared>>
        tpu.enqueue_indirect_dma source(%dma_start3A_66 : memref<100096xf32, #tpu.memory_space<vmem_shared>>) target(%arg17 : memref<2048xf32, #tpu.memory_space<vmem>>) offsets(%arg14 : memref<2048xi32, #tpu.memory_space<vmem>>) semaphore(%arg21 : memref<!tpu.dma_semaphore, #tpu.memory_space<semaphore_mem>>)
        %dma_start3A_67 = arith.constant 0 : i32
        %dma_start3A_68 = tpu.memref_slice %arg10[%dma_start3A_67] : memref<100096xf32, #tpu.memory_space<vmem_shared>> -> memref<100096xf32, #tpu.memory_space<vmem_shared>>
        tpu.enqueue_indirect_dma source(%dma_start3A_68 : memref<100096xf32, #tpu.memory_space<vmem_shared>>) target(%arg18 : memref<2048xf32, #tpu.memory_space<vmem>>) offsets(%arg14 : memref<2048xi32, #tpu.memory_space<vmem>>) semaphore(%arg21 : memref<!tpu.dma_semaphore, #tpu.memory_space<semaphore_mem>>)
        %dma_wait3A_69 = arith.constant 0 : i32
        %dma_wait3A_70 = tpu.memref_slice %arg9[%dma_wait3A_69] : memref<100096xf32, #tpu.memory_space<vmem_shared>> -> memref<100096xf32, #tpu.memory_space<vmem_shared>>
        tpu.wait_indirect_dma semaphore(%arg21 : memref<!tpu.dma_semaphore, #tpu.memory_space<semaphore_mem>>) src(%dma_wait3A_70 : memref<100096xf32, #tpu.memory_space<vmem_shared>>) dst(%arg17 : memref<2048xf32, #tpu.memory_space<vmem>>)
        %dma_wait3A_71 = arith.constant 0 : i32
        %dma_wait3A_72 = tpu.memref_slice %arg10[%dma_wait3A_71] : memref<100096xf32, #tpu.memory_space<vmem_shared>> -> memref<100096xf32, #tpu.memory_space<vmem_shared>>
        tpu.wait_indirect_dma semaphore(%arg21 : memref<!tpu.dma_semaphore, #tpu.memory_space<semaphore_mem>>) src(%dma_wait3A_72 : memref<100096xf32, #tpu.memory_space<vmem_shared>>) dst(%arg18 : memref<2048xf32, #tpu.memory_space<vmem>>)
        %dma_start3A_73 = arith.constant 0 : i32
        %dma_start3A_74 = tpu.memref_slice %arg11[%dma_start3A_73] : memref<100096xf32, #tpu.memory_space<vmem_shared>> -> memref<100096xf32, #tpu.memory_space<vmem_shared>>
        tpu.enqueue_indirect_dma source(%arg17 : memref<2048xf32, #tpu.memory_space<vmem>>) target(%dma_start3A_74 : memref<100096xf32, #tpu.memory_space<vmem_shared>>) offsets(%arg16 : memref<2048xi32, #tpu.memory_space<vmem>>) semaphore(%arg22 : memref<!tpu.dma_semaphore, #tpu.memory_space<semaphore_mem>>) {add = true}
        %dma_start3A_75 = arith.constant 0 : i32
        %dma_start3A_76 = tpu.memref_slice %arg12[%dma_start3A_75] : memref<100096xf32, #tpu.memory_space<vmem_shared>> -> memref<100096xf32, #tpu.memory_space<vmem_shared>>
        tpu.enqueue_indirect_dma source(%arg18 : memref<2048xf32, #tpu.memory_space<vmem>>) target(%dma_start3A_76 : memref<100096xf32, #tpu.memory_space<vmem_shared>>) offsets(%arg16 : memref<2048xi32, #tpu.memory_space<vmem>>) semaphore(%arg22 : memref<!tpu.dma_semaphore, #tpu.memory_space<semaphore_mem>>) {add = true}
        %dma_wait3A_77 = arith.constant 0 : i32
        %dma_wait3A_78 = tpu.memref_slice %arg11[%dma_wait3A_77] : memref<100096xf32, #tpu.memory_space<vmem_shared>> -> memref<100096xf32, #tpu.memory_space<vmem_shared>>
        tpu.wait_indirect_dma semaphore(%arg22 : memref<!tpu.dma_semaphore, #tpu.memory_space<semaphore_mem>>) src(%arg17 : memref<2048xf32, #tpu.memory_space<vmem>>) dst(%dma_wait3A_78 : memref<100096xf32, #tpu.memory_space<vmem_shared>>)
        %dma_wait3A_79 = arith.constant 0 : i32
        %dma_wait3A_80 = tpu.memref_slice %arg12[%dma_wait3A_79] : memref<100096xf32, #tpu.memory_space<vmem_shared>> -> memref<100096xf32, #tpu.memory_space<vmem_shared>>
        tpu.wait_indirect_dma semaphore(%arg22 : memref<!tpu.dma_semaphore, #tpu.memory_space<semaphore_mem>>) src(%arg18 : memref<2048xf32, #tpu.memory_space<vmem>>) dst(%dma_wait3A_80 : memref<100096xf32, #tpu.memory_space<vmem_shared>>)
      } else {
      }
      %while3A_52 = arith.constant 0 : i32
      scf.yield %while3A_52 : i32
    }
    %barrier3A_30 = arith.constant 0 : index
    tpu.barrier barrier_id(%barrier3A_30)
    "tpu.region"() ({
      %run_scoped3A = tpu.sem_alloc : memref<!tpu.dma_semaphore, #tpu.memory_space<semaphore_mem>>
      %dma_start3A_41 = tpu.memref_slice %arg11[%mul3A_2] : memref<100096xf32, #tpu.memory_space<vmem_shared>> -> memref<6256xf32, #tpu.memory_space<vmem_shared>>
      %dma_start3A_42 = tpu.memref_slice %arg11[%mul3A_2] : memref<100096xf32, #tpu.memory_space<vmem_shared>> -> memref<6256xf32, #tpu.memory_space<vmem_shared>>
      tpu.enqueue_dma source(%dma_start3A_42 : memref<6256xf32, #tpu.memory_space<vmem_shared>>) target(%arg19 : memref<6256xf32, #tpu.memory_space<vmem>>) target_semaphore(%run_scoped3A : memref<!tpu.dma_semaphore, #tpu.memory_space<semaphore_mem>>)
      %dma_wait3A = tpu.memref_slice %arg11[%mul3A_2] : memref<100096xf32, #tpu.memory_space<vmem_shared>> -> memref<6256xf32, #tpu.memory_space<vmem_shared>>
      %dma_wait3A_43 = tpu.memref_slice %arg11[%mul3A_2] : memref<100096xf32, #tpu.memory_space<vmem_shared>> -> memref<6256xf32, #tpu.memory_space<vmem_shared>>
      tpu.wait_dma2 semaphore(%run_scoped3A : memref<!tpu.dma_semaphore, #tpu.memory_space<semaphore_mem>>) src(%dma_wait3A_43 : memref<6256xf32, #tpu.memory_space<vmem_shared>>) dst(%arg19 : memref<6256xf32, #tpu.memory_space<vmem>>)
      tpu.yield
    }) : () -> ()
    %mul3A_31 = arith.constant 100096 : i32
    %mul3A_32 = arith.muli %arg0, %mul3A_31 : i32
    %mul3A_33 = arith.constant 6256 : i32
    %mul3A_34 = arith.muli %arg1, %mul3A_33 : i32
    %add3A_35 = arith.addi %mul3A_32, %mul3A_34 : i32
    "tpu.region"() ({
      %run_scoped3A = tpu.sem_alloc : memref<!tpu.dma_semaphore, #tpu.memory_space<semaphore_mem>>
      %dma_start3A_41 = tpu.memref_slice %arg7[%add3A_35] : memref<200192xf32, #tpu.memory_space<hbm>> -> memref<6256xf32, #tpu.memory_space<hbm>>
      %dma_start3A_42 = tpu.memref_slice %arg7[%add3A_35] : memref<200192xf32, #tpu.memory_space<hbm>> -> memref<6256xf32, #tpu.memory_space<hbm>>
      tpu.enqueue_dma source(%arg19 : memref<6256xf32, #tpu.memory_space<vmem>>) target(%dma_start3A_42 : memref<6256xf32, #tpu.memory_space<hbm>>) target_semaphore(%run_scoped3A : memref<!tpu.dma_semaphore, #tpu.memory_space<semaphore_mem>>)
      %dma_wait3A = tpu.memref_slice %arg7[%add3A_35] : memref<200192xf32, #tpu.memory_space<hbm>> -> memref<6256xf32, #tpu.memory_space<hbm>>
      %dma_wait3A_43 = tpu.memref_slice %arg7[%add3A_35] : memref<200192xf32, #tpu.memory_space<hbm>> -> memref<6256xf32, #tpu.memory_space<hbm>>
      tpu.wait_dma2 semaphore(%run_scoped3A : memref<!tpu.dma_semaphore, #tpu.memory_space<semaphore_mem>>) src(%arg19 : memref<6256xf32, #tpu.memory_space<vmem>>) dst(%dma_wait3A_43 : memref<6256xf32, #tpu.memory_space<hbm>>)
      tpu.yield
    }) : () -> ()
    "tpu.region"() ({
      %run_scoped3A = tpu.sem_alloc : memref<!tpu.dma_semaphore, #tpu.memory_space<semaphore_mem>>
      %dma_start3A_41 = tpu.memref_slice %arg12[%mul3A_2] : memref<100096xf32, #tpu.memory_space<vmem_shared>> -> memref<6256xf32, #tpu.memory_space<vmem_shared>>
      %dma_start3A_42 = tpu.memref_slice %arg12[%mul3A_2] : memref<100096xf32, #tpu.memory_space<vmem_shared>> -> memref<6256xf32, #tpu.memory_space<vmem_shared>>
      tpu.enqueue_dma source(%dma_start3A_42 : memref<6256xf32, #tpu.memory_space<vmem_shared>>) target(%arg19 : memref<6256xf32, #tpu.memory_space<vmem>>) target_semaphore(%run_scoped3A : memref<!tpu.dma_semaphore, #tpu.memory_space<semaphore_mem>>)
      %dma_wait3A = tpu.memref_slice %arg12[%mul3A_2] : memref<100096xf32, #tpu.memory_space<vmem_shared>> -> memref<6256xf32, #tpu.memory_space<vmem_shared>>
      %dma_wait3A_43 = tpu.memref_slice %arg12[%mul3A_2] : memref<100096xf32, #tpu.memory_space<vmem_shared>> -> memref<6256xf32, #tpu.memory_space<vmem_shared>>
      tpu.wait_dma2 semaphore(%run_scoped3A : memref<!tpu.dma_semaphore, #tpu.memory_space<semaphore_mem>>) src(%dma_wait3A_43 : memref<6256xf32, #tpu.memory_space<vmem_shared>>) dst(%arg19 : memref<6256xf32, #tpu.memory_space<vmem>>)
      tpu.yield
    }) : () -> ()
    %mul3A_36 = arith.constant 100096 : i32
    %mul3A_37 = arith.muli %arg0, %mul3A_36 : i32
    %mul3A_38 = arith.constant 6256 : i32
    %mul3A_39 = arith.muli %arg1, %mul3A_38 : i32
    %add3A_40 = arith.addi %mul3A_37, %mul3A_39 : i32
    "tpu.region"() ({
      %run_scoped3A = tpu.sem_alloc : memref<!tpu.dma_semaphore, #tpu.memory_space<semaphore_mem>>
      %dma_start3A_41 = tpu.memref_slice %arg8[%add3A_40] : memref<200192xf32, #tpu.memory_space<hbm>> -> memref<6256xf32, #tpu.memory_space<hbm>>
      %dma_start3A_42 = tpu.memref_slice %arg8[%add3A_40] : memref<200192xf32, #tpu.memory_space<hbm>> -> memref<6256xf32, #tpu.memory_space<hbm>>
      tpu.enqueue_dma source(%arg19 : memref<6256xf32, #tpu.memory_space<vmem>>) target(%dma_start3A_42 : memref<6256xf32, #tpu.memory_space<hbm>>) target_semaphore(%run_scoped3A : memref<!tpu.dma_semaphore, #tpu.memory_space<semaphore_mem>>)
      %dma_wait3A = tpu.memref_slice %arg8[%add3A_40] : memref<200192xf32, #tpu.memory_space<hbm>> -> memref<6256xf32, #tpu.memory_space<hbm>>
      %dma_wait3A_43 = tpu.memref_slice %arg8[%add3A_40] : memref<200192xf32, #tpu.memory_space<hbm>> -> memref<6256xf32, #tpu.memory_space<hbm>>
      tpu.wait_dma2 semaphore(%run_scoped3A : memref<!tpu.dma_semaphore, #tpu.memory_space<semaphore_mem>>) src(%arg19 : memref<6256xf32, #tpu.memory_space<vmem>>) dst(%dma_wait3A_43 : memref<6256xf32, #tpu.memory_space<hbm>>)
      tpu.yield
    }) : () -> ()
    return
  }
}

</mosaic_0001>

<sc_bundles>
// kernel: kernel.11.cloned.1.call-start
scs
__scs_entry_jumppad:
0x0: {  	(pc) =	sbr.rel $0x88, $3  }
0x1: {  	(tag) =	ssettag $0x0;
	lr =	simm.s32 $0x1  }
0x2: {  	[smem:$0x3F9B] =	sst lr;
	_ =	strace $0xD0000000  }
0x3: {  	_ = 	snop  }
0x4: {  	_ = 	snop  }
0x5: {  	_ = 	snop  }
0x6: {  	_ = 	snop  }
0x7: {  	_ = 	snop  }
__scs_overlays_trampoline_lowered:
0x8: {  	[smem:$0x3FAA] =	sst s0  }
0x9: {  	[smem:$0x3FAB] =	sst s1  }
0xa: {  	[smem:$0x3FAC] =	sst s2  }
0xb: {  	[smem:$0x3FAD] =	sst s3  }
0xc: {  	[smem:$0x3FAE] =	sst s4  }
0xd: {  	[smem:$0x3FAF] =	sst s5  }
0xe: {  	[smem:$0x3FB0] =	sst s6  }
0xf: {  	[smem:$0x3FB1] =	sst s7  }
0x10: {  	[smem:$0x3FB2] =	sst s8  }
0x11: {  	[smem:$0x3FB3] =	sst s9;
	s0 =	simm.s32 @!p0 $0x0  }
0x12: {  	s1 =	sld [smem:$0x3F99];
	s0 =	simm.s32 @p0 $0x1  }
0x13: {  	[smem:$0x3FB4] =	sst s0;
	s0 =	simm.s32 @!p1 $0x0  }
0x14: {  	s2 =	sld [smem:$0x3F98];
	s0 =	simm.s32 @p1 $0x1  }
0x15: {  	[smem:$0x3FB5] =	sst s0;
	s0 =	simm.s32 @!p2 $0x0  }
0x16: {  	s3 =	sld [smem:$0x3FDB];
	s0 =	simm.s32 @p2 $0x1  }
0x17: {  	s4 =	simm.s32 $0x1BF5;
	[smem:$0x3FB7] =	sst s0  }
0x18: {  	s0 =	sld [smem:$0x3F9A];
	_ =	swait.ge [sflag:s4], $0x0  }
0x19: {  	s7 =	sld [smem:$0x3F9B]  }
0x1a: {  	s8 =	sadd.s32 $0xFFFFE003, lr  }
0x1b: {  	s9 =	sadd.s32 $0xFFFFFEF7, lr;
	s5 =	simm.s32 $0xFFFFFFFF;
	p2 =	slt.u32 s8, $0xFFFFF086  }
0x1c: {  	p1 =	slt.u32 s9, $0xF7A;
	s5 =	simm.s32 @!p2 $0x0  }
0x1d: {  	s5 =	simm.s32 @p1 $0x1;
	p0 =	seq.s32 s7, s2  }
0x1e: {  	s7 =	smul.u32 @!p0 $0xF7A, s2;
	p2 =	seq.s32 @!p0 s5, $0x0  }
0x1f: {  	s9 =	smul.u32 $0xF7A, s1;
	s8 =	simm.s32 @!p0 $0x1BF5;
	p2 =	por !p2, p0  }
0x20: {  	[sflag:s8] =	ssyncset.s32 @!p0 $0xFFFFF086;
	s6 =	sadd.s32 @!p0 s3, s7;
	s7 =	simm.s32 @!p0 $0x108  }
0x21: {  	s3 =	sadd.s32 s3, s9;
	s6 =	sadd.s32 @!p0 $0x88, s6;
	s7 =	simm.s32 @p2 $0x1082  }
0x22: {  	[simem:s7], [sflag:s8] =	dma.local @!p0 [hbm:s6], $0xF7A  }
0x23: {  	s9 =	sor.u32 $0xD0000000, s2;
	s6 =	simm.s32 $0x108;
	_ =	swait.ge @!p0 [sflag:s8], $0x0  }
0x24: {  	s3 =	sadd.s32 $0x88, s3;
	s6 =	simm.s32 @!p1 $0x1082;
	[sflag:s4] =	ssyncset.s32 $0xFFFFF086  }
0x25: {  	[simem:s6], [sflag:s4] =	dma.local [hbm:s3], $0xF7A  }
0x26: {  	[smem:$0x3F9B] =	sst s1;
	(tag) =	ssettag s2;
	_ =	strace s9  }
0x27: {  	s1 =	sld [smem:$0x3FAB]  }
0x28: {  	s2 =	sld [smem:$0x3FAC]  }
0x29: {  	s4 =	sld [smem:$0x3FAE]  }
0x2a: {  	p0 =	seq.s32 s5, $0x0;
	s5 =	sld [smem:$0x3FAF]  }
0x2b: {  	s6 =	sld [smem:$0x3FB0]  }
0x2c: {  	s7 =	sld [smem:$0x3FB1]  }
0x2d: {  	s3 =	simm.s32 $0x108;
	s8 =	sld [smem:$0x3FB2]  }
0x2e: {  	s3 =	simm.s32 @!p0 $0x1082;
	s9 =	sld [smem:$0x3FB3]  }
0x2f: {  	lr =	sadd.s32 s0, s3;
	s0 =	sld [smem:$0x3FAA]  }
0x30: {  	s3 =	sld [smem:$0x3FAD]  }
0x31: {  	[smem:$0x3FB6] =	sst s10  }
0x32: {  	s10 =	sld [smem:$0x3FB4];
	_ =	sdelay $0x3  }
0x33: {  	p0 =	seq.s32 s10, $0x1;
	s10 =	sld [smem:$0x3FB6];
	_ =	sdelay $0x3  }
0x34: {  	[smem:$0x3FB6] =	sst s10  }
0x35: {  	s10 =	sld [smem:$0x3FB5];
	_ =	sdelay $0x3  }
0x36: {  	p1 =	seq.s32 s10, $0x1;
	s10 =	sld [smem:$0x3FB6];
	_ =	sdelay $0x3  }
0x37: {  	[smem:$0x3FB6] =	sst s10  }
0x38: {  	s10 =	sld [smem:$0x3FB7]  }
0x39: {  	_ = 	snop;
	(pc) =	sbr.ind lr, $3  }
0x3a: {  	_ = 	snop  }
0x3b: {  	_ = 	snop  }
0x3c: {  	p2 =	seq.s32 s10, $0x1;
	s10 =	sld [smem:$0x3FB6]  }
0x3d: {  	_ =	shalt  }
0x3e: {  	_ =	shalt  }
0x3f: {  	_ =	shalt  }
0x40: {  	_ =	shalt  }
0x41: {  	_ =	shalt  }
0x42: {  	_ =	shalt  }
0x43: {  	_ =	shalt  }
0x44: {  	_ =	shalt  }
0x45: {  	_ =	shalt  }
0x46: {  	_ =	shalt  }
0x47: {  	_ =	shalt  }
0x48: {  	_ =	shalt  }
0x49: {  	_ =	shalt  }
0x4a: {  	_ =	shalt  }
0x4b: {  	_ =	shalt  }
0x4c: {  	_ =	shalt  }
0x4d: {  	_ =	shalt  }
0x4e: {  	_ =	shalt  }
0x4f: {  	_ =	shalt  }
0x50: {  	_ =	shalt  }
0x51: {  	_ =	shalt  }
0x52: {  	_ =	shalt  }
0x53: {  	_ =	shalt  }
0x54: {  	_ =	shalt  }
0x55: {  	_ =	shalt  }
0x56: {  	_ =	shalt  }
0x57: {  	_ =	shalt  }
0x58: {  	_ =	shalt  }
0x59: {  	_ =	shalt  }
0x5a: {  	_ =	shalt  }
0x5b: {  	_ =	shalt  }
0x5c: {  	_ =	shalt  }
0x5d: {  	_ =	shalt  }
0x5e: {  	_ =	shalt  }
0x5f: {  	_ =	shalt  }
0x60: {  	_ =	shalt  }
0x61: {  	_ =	shalt  }
0x62: {  	_ =	shalt  }
0x63: {  	_ =	shalt  }
0x64: {  	_ =	shalt  }
0x65: {  	_ =	shalt  }
0x66: {  	_ =	shalt  }
0x67: {  	_ =	shalt  }
0x68: {  	_ =	shalt  }
0x69: {  	_ =	shalt  }
0x6a: {  	_ =	shalt  }
0x6b: {  	_ =	shalt  }
0x6c: {  	_ =	shalt  }
0x6d: {  	_ =	shalt  }
0x6e: {  	_ =	shalt  }
0x6f: {  	_ =	shalt  }
0x70: {  	_ =	shalt  }
0x71: {  	_ =	shalt  }
0x72: {  	_ =	shalt  }
0x73: {  	_ =	shalt  }
0x74: {  	_ =	shalt  }
0x75: {  	_ =	shalt  }
0x76: {  	_ =	shalt  }
0x77: {  	_ =	shalt  }
0x78: {  	_ =	shalt  }
0x79: {  	_ =	shalt  }
0x7a: {  	_ =	shalt  }
0x7b: {  	_ =	shalt  }
0x7c: {  	_ =	shalt  }
0x7d: {  	_ =	shalt  }
0x7e: {  	_ =	shalt  }
0x7f: {  	_ =	shalt  }
0x80: {  	_ =	shalt  }
0x81: {  	_ =	shalt  }
0x82: {  	_ =	shalt  }
0x83: {  	_ =	shalt  }
0x84: {  	_ =	shalt  }
0x85: {  	_ =	shalt  }
0x86: {  	_ =	shalt  }
0x87: {  	_ =	shalt  }
.Lfunc_end0:
.L_simem_size_0:
called_computation.2_lowered:
.L_overlay_start_0:
0x88: {  	s2 =	sld [smem:$0x3FD9]  }
0x89: {  	s3 =	sld [smem:$0x3FFE];
	_ =	sdelay $0x1  }
0x8a: {  	s1 =	srdreg.scid  }
0x8b: {  	s0 =	sand.u32 $0x1, s1  }
0x8c: {  	s17 =	sshll.u32 s0, $0xA;
	s2 =	sadd.s32 s3, s2  }
0x8d: {  	s2 =	sadd.s32 s2, s17  }
0x8e: {  	[smem:$0x3FC2] =	sst s2  }
0x8f: {  	_ = 	snop  }
0x90: {  	s2 =	sld [smem:$0x3FD0];
	(tm) =	ssettm $0x1  }
0x91: {  	s18 =	sld [smem:$0x3FFB];
	_ =	sdelay $0x3  }
0x92: {  	_ =	strace s18  }
0x93: {  	s3 =	sld [smem:$0x3FFC];
	_ =	sdelay $0x3  }
0x94: {  	_ =	strace s3  }
0x95: {  	s3 =	sld [smem:$0x3FFD];
	_ =	sdelay $0x3  }
0x96: {  	_ =	strace s3  }
0x97: {  	_ =	strace $0x8FFFFFFF  }
0x98: {  	s19 =	sld [smem:$0x3FDB];
	_ =	sdelay $0x1  }
0x99: {  	s4 =	simm.s32 $_scs_section_size  }
0x9a: {  	s5 =	simm.s32 $_size__tile_overlayer_lowered;
	s6 =	simm.s32 $_tile_overlayer_lowered  }
0x9b: {  	s22 =	simm.s32 $0x1BFF;
	s21 =	sshll.u32 s6, $0x1;
	s3 =	sadd.s32 s4, s19  }
0x9c: {  	s7 =	simm.s32 $0x0;
	s20 =	sshll.u32 s5, $0x1;
	s5 =	sadd.s32 s21, s3  }
0x9d: {  	[timem:s7], [sflag:s22] =	dma.local [hbm:s5], s20  }
0x9e: {  	_ =	swait.ge [sflag:s22], s20  }
0x9f: {  	s4 =	ssub.s32 $0x0, s20;
	[sflag:s22] =	ssyncset.done $0x0  }
0xa0: {  	[sflag:s22] =	ssyncadd.s32 s4;
	_ =	sdelay $0x1  }
0xa1: {  	s23 =	simm.s32 $0x1B8B  }
0xa2: {  	_ =	swait.ge [sflag:s23], $0x1  }
0xa3: {  	[sflag:s23] =	ssyncset.done $0x0  }
0xa4: {  	s25 =	simm.s32 $0x1B8E;
	s24 =	sld [smem:$0x3FFE];
	[sflag:s23] =	ssyncadd.s32 $0xFFFFFFFF  }
0xa5: {  	s26 =	simm.s32 $execute0_lowered;
	[smem:$0x3FD2] =	sst s25  }
0xa6: {  	s5 =	sshll.u32 s26, $0x1;
	_ =	strace $0x8000004C;
	[dreg:$0x1] =	wrdreg $0xFFFFFFFF  }
0xa7: {  	s28 =	simm.s32 $_size_execute0_lowered;
	s3 =	sadd.s32 s3, s5;
	[dreg:$0x0] =	wrdreg $0x0  }
0xa8: {  	s5 =	sshll.u32 s28, $0x1;
	[dreg:$0x2] =	wrdreg s3  }
0xa9: {  	[dreg:$0x3] =	wrdreg s5  }
0xaa: {  	[dreg:$0x4] =	wrdreg $0xC0  }
0xab: {  	_ =	task [dreg:s7], $0x5FFFF  }
0xac: {  	[dreg:$0x1] =	wrdreg $0xFFFFFFFF  }
0xad: {  	[dreg:$0x0] =	wrdreg $0x60  }
0xae: {  	[dreg:$0x2] =	wrdreg s24  }
0xaf: {  	[dreg:$0x3] =	wrdreg s2  }
0xb0: {  	[dreg:$0x4] =	wrdreg $0x49500  }
0xb1: {  	[dreg:$0x5] =	wrdreg $0x61C00  }
0xb2: {  	[dreg:$0x6] =	wrdreg $0x7A300  }
0xb3: {  	[dreg:$0x7] =	wrdreg $0x0  }
0xb4: {  	[dreg:$0x8] =	wrdreg $0x18700  }
0xb5: {  	[dreg:$0x9] =	wrdreg $0x30E00  }
0xb6: {  	[dreg:$0xa] =	wrdreg $0x9  }
0xb7: {  	_ =	task.clear_ibuf [dreg:s7], $0xBFFFF;
	_ =	strace $0x9000004C  }
0xb8: {  	s29 =	simm.s32 $0x9;
	_ =	strace $0x8000004E  }
0xb9: {  	_ =	swait.ge [sflag:s29], $0x1  }
0xba: {  	[sflag:s29] =	ssyncadd.s32 $0xFFFFFFFF  }
0xbb: {  	_ =	strace $0x9000004E  }
0xbc: {  	_ =	sfence  }
0xbd: {  	s30 =	sld [smem:$0x0];
	_ =	sdelay $0x2  }
0xbe: {  	s31 =	sshll.u32 s1, $0xD;
	s1 =	sshrl.u32 s1, $0x2  }
0xbf: {  	s3 =	sand.u32 $0x4000, s31;
	s1 =	sadd.s32 s1, s30  }
0xc0: {  	s0 =	sor.u32 s3, s0;
	s1 =	sshll.u32 s1, $0x11  }
0xc1: {  	s0 =	sor.u32 s1, s0  }
0xc2: {  	s0 =	sadd.s32 $0x8F2B, s0  }
0xc3: {  	[sflag:s0] =	ssyncadd.remote.s32 $0x1  }
0xc4: {  	_ =	sfence.sel $0xFFFF  }
0xc5: {  	[dreg:$0x0] =	wrdreg $0xFFFFFFFF;
	(pc) =	sbr.abs _section_cstart, $3  }
0xc6: {  	[dreg:$0x1] =	wrdreg $0xFFFFFFFF  }
0xc7: {  	_ =	task.clear_ibuf [dreg:s7], $0x2FFFF;
	_ =	strace $0x9FFFFFFF  }
0xc8: {  	(tm) =	ssettm $0x7FFFFFFF  }
0xc9: {  	_ =	shalt  }
tec
execute0_lowered:
.L_overlay_start_1:
0x0: {  	(tag) =	ssettag $0x1  }
0x1: {  	s2 =	rddreg [dreg:$0x0]  }
0x2: {  	s5 =	rddreg [dreg:$0x1]  }
0x3: {  	s0 =	rddreg [dreg:$0x2]  }
0x4: {  	s1 =	rddreg [dreg:$0x3]  }
0x5: {  	s3 =	rddreg [dreg:$0x4]  }
0x6: {  	s4 =	rddreg [dreg:$0x5]  }
0x7: {  	s6 =	rddreg [dreg:$0x6]  }
0x8: {  	s8 =	srdreg.scid;
	s13 =	stileid.u32  }
0x9: {  	s7 =	rddreg [dreg:$0x7];
	s30 =	simm.s32 $0xCAA0;
	s15 =	smul.u32 $0x1870, s13  }
0xa: {  	s14 =	sand.u32 $0x1, s8;
	s8 =	simm.s32 $0x0;
	s17 =	smul.u32 $0x58, s13  }
0xb: {  	s31 =	simm.s32 $0x4;
	s9 =	smul.u32 $0x18700, s14;
	[smem:$0x7FF] =	sst s8  }
0xc: {  	s11 =	ssub.s32 $0x2, s14;
	p0 =	seq.s32 s14, $0x0;
	_ =	strace $0x8000004D  }
0xd: {  	s12 =	sshrl.u32 s11, $0x1;
	s23 =	sshrl.u32 s15, $0x3;
	s22 =	sadd.s32 s15, s1  }
0xe: {  	s20 =	sadd.s32 $0x6C0, s17;
	s25 =	sadd.s32 s15, s4;
	s26 =	sadd.s32 s15, s6  }
0xf: {  	s17 =	simm.s32 $0x6B;
	s29 =	sadd.s32 s15, s7;
	s10 =	sadd.s32 s15, s9  }
0x10: {  	s9 =	sadd.s32 $0x187600, s2;
	s19 =	ssub.s32 s11, s12;
	[dreg:$0xb] =	wrdreg s25  }
0x11: {  	s11 =	sadd.s32 s2, s23;
	s12 =	sadd.s32 s15, s0;
	[dreg:$0xc] =	wrdreg s26  }
0x12: {  	s23 =	sadd.s32 s15, s3;
	[dreg:$0xd] =	wrdreg s29;
	s17 =	simm.s32 @!p0 $0x57  }
0x13: {  	s16 =	sshrl.u32 s10, $0x3;
	s10 =	sadd.s32 $0xC3600, s2;
	[dreg:$0x9] =	wrdreg s11  }
0x14: {  	s25 =	smax.u32 s19, $0x1;
	s26 =	sadd.s32 $0x3200, s11;
	[dreg:$0xa] =	wrdreg s23  }
0x15: {  	s29 =	sadd.s32 $0x9600, s11;
	s19 =	simm.s32 $0x2;
	[dreg:$0x13] =	wrdreg s25  }
0x16: {  	s18 =	sadd.s32 s16, s2;
	s2 =	smul.u32 $0x6C, s13;
	[dreg:$0x14] =	wrdreg s26  }
0x17: {  	s5 =	sadd.s32 s5, s16;
	[dreg:$0x16] =	wrdreg s29;
	s16 =	simm.s32 $0xBAA0  }
0x18: {  	[dreg:$0x10] =	wrdreg s5;
	s21 =	sadd.s32 $0xC800, s18;
	s5 =	simm.s32 $0x1  }
0x19: {  	s20 =	smov.u32 @p0 s2;
	[dreg:$0x12] =	wrdreg s21;
	s2 =	simm.s32 $0x800  }
.Ltmp0:
0x1a: {  	s28 =	sshll.u32 s20, $0x8;
	s20 =	sadd.s32 $0x12A00, s18;
	(pc) =	sbr.rel .LBB2_1-.Ltmp0, $4  }
0x1b: {  	s21 =	simm.s32 $0x0;
	s14 =	sadd.s32 s9, s28;
	[dreg:$0x11] =	wrdreg s20  }
0x1c: {  	s18 =	simm.s32 $0xC2A0;
	s15 =	sadd.s32 s10, s28;
	[dreg:$0xe] =	wrdreg s14  }
0x1d: {  	s25 =	sor.u32 $0x100, s28;
	s28 =	sadd.s32 $0x6400, s11;
	[dreg:$0xf] =	wrdreg s15  }
0x1e: {  	s20 =	simm.s32 $0x3;
	[dreg:$0x15] =	wrdreg s28;
	s15 =	simm.s32 $0xB2A0  }
.LBB2_9:
0x1f: {  	s11 =	sand.u32 $0x1FFFFE00, s24;
	s22 =	simm.s32 $0xA2A0;
	s23 =	simm.s32 $0x92A0  }
0x20: {  	s28 =	simm.s32 $0xAAA0;
	s29 =	simm.s32 $0x9AA0;
	s26 =	sor.u32 $0x100, s11  }
.LBB2_12:
0x21: {  	s11 =	sadd.s32 s9, s26  }
0x22: {  	[tilespmem:s29], [sflag:$0x1] =	stream.linear.gather [hbm4b:s11+s8], $0x800, $0x38;
	[tilespmem:$0xE320] =	vst v63  }
0x23: {  	s29 =	sadd.s32 s10, s26  }
0x24: {  	[tilespmem:s28], [sflag:$0x1] =	stream.linear.gather [hbm4b:s29+s8], $0x800, $0x38;
	[tilespmem:$0xE320] =	vst v63  }
.LBB2_13:
0x25: {  	[tilespmem:s15], [sflag:$0x2] =	stream.indirect.gather [spmem:s4], $0x1, s23, s2, $0xb8;
	[tilespmem:$0xE320] =	vst v63  }
0x26: {  	_ = 	snop  }
0x27: {  	[tilespmem:s16], [sflag:$0x2] =	stream.indirect.gather [spmem:s6], $0x1, s23, s2, $0xb8;
	[tilespmem:$0xE320] =	vst v63  }
0x28: {  	_ = 	snop  }
0x29: {  	[tilespmem:s18], [sflag:$0x2] =	stream.indirect.gather [spmem:s7], $0x1, s23, s2, $0xb8;
	[tilespmem:$0xE320] =	vst v63  }
0x2a: {  	_ =	swait.ge [sflag:s19], $0x800  }
0x2b: {  	[sflag:s19] =	ssyncset.done $0x0  }
0x2c: {  	[sflag:s19] =	ssyncadd.s32 $0xFFFFF800  }
0x2d: {  	_ =	swait.ge [sflag:s19], $0x800  }
0x2e: {  	[sflag:s19] =	ssyncset.done $0x0  }
0x2f: {  	[sflag:s19] =	ssyncadd.s32 $0xFFFFF800  }
0x30: {  	_ =	swait.ge [sflag:s19], $0x800  }
0x31: {  	[sflag:s19] =	ssyncset.done $0x0  }
0x32: {  	[sflag:s19] =	ssyncadd.s32 $0xFFFFF800  }
0x33: {  	[spmem:s0] =	stream.indirect.scatter.add.f32 [tilespmem:s15], [sflag:$0x3], $0x1, s22, s2, $0xb8;
	[tilespmem:$0xE320] =	vst v63  }
0x34: {  	_ = 	snop  }
0x35: {  	[spmem:s1] =	stream.indirect.scatter.add.f32 [tilespmem:s16], [sflag:$0x3], $0x1, s22, s2, $0xb8;
	[tilespmem:$0xE320] =	vst v63  }
0x36: {  	_ = 	snop  }
0x37: {  	[spmem:s3] =	stream.indirect.scatter.add.f32 [tilespmem:s18], [sflag:$0x3], $0x1, s22, s2, $0xb8;
	[tilespmem:$0xE320] =	vst v63  }
0x38: {  	_ =	swait.ge [sflag:s20], $0x800  }
0x39: {  	[sflag:s20] =	ssyncset.done $0x0  }
0x3a: {  	[sflag:s20] =	ssyncadd.s32 $0xFFFFF800  }
0x3b: {  	_ =	swait.ge [sflag:s20], $0x800  }
0x3c: {  	[sflag:s20] =	ssyncset.done $0x0  }
0x3d: {  	[sflag:s20] =	ssyncadd.s32 $0xFFFFF800  }
0x3e: {  	_ =	swait.ge [sflag:s20], $0x800  }
0x3f: {  	[sflag:s20] =	ssyncset.done $0x0  }
0x40: {  	[sflag:s20] =	ssyncadd.s32 $0xFFFFF800  }
0x41: {  	[bflag:$0x0] =	sbarrier.arrive $0xFFFF  }
0x42: {  	[tilespmem:s30], [sflag:$0x4] =	stream.linear.gather [spmem:s12], $0x1870, $0x38;
	[tilespmem:$0xE320] =	vst v63  }
0x43: {  	_ =	swait.ge [sflag:s31], $0x1870  }
0x44: {  	[sflag:s31] =	ssyncset.done $0x0  }
0x45: {  	s11 =	rddreg [dreg:$0x10];
	[sflag:s31] =	ssyncadd.s32 $0xFFFFE790  }
0x46: {  	[hbm4b:s11+s8] =	stream.linear.scatter [tilespmem:s30], [sflag:$0x4], $0x1870, $0x38;
	[tilespmem:$0xE320] =	vst v63  }
0x47: {  	_ =	swait.ge [sflag:s31], $0x1870  }
0x48: {  	[sflag:s31] =	ssyncset.done $0x0  }
0x49: {  	[sflag:s31] =	ssyncadd.s32 $0xFFFFE790  }
0x4a: {  	[tilespmem:s30], [sflag:$0x4] =	stream.linear.gather [spmem:s14], $0x1870, $0x38;
	[tilespmem:$0xE320] =	vst v63  }
0x4b: {  	_ =	swait.ge [sflag:s31], $0x1870  }
0x4c: {  	[sflag:s31] =	ssyncset.done $0x0  }
0x4d: {  	s26 =	rddreg [dreg:$0x11];
	[sflag:s31] =	ssyncadd.s32 $0xFFFFE790  }
0x4e: {  	[hbm4b:s26+s8] =	stream.linear.scatter [tilespmem:s30], [sflag:$0x4], $0x1870, $0x38;
	[tilespmem:$0xE320] =	vst v63  }
0x4f: {  	_ =	swait.ge [sflag:s31], $0x1870  }
0x50: {  	[sflag:s31] =	ssyncset.done $0x0  }
0x51: {  	s23 =	rddreg [dreg:$0xa];
	[sflag:s31] =	ssyncadd.s32 $0xFFFFE790  }
0x52: {  	[tilespmem:s30], [sflag:$0x4] =	stream.linear.gather [spmem:s23], $0x1870, $0x38;
	[tilespmem:$0xE320] =	vst v63  }
0x53: {  	_ =	swait.ge [sflag:s31], $0x1870  }
0x54: {  	[sflag:s31] =	ssyncset.done $0x0  }
0x55: {  	s28 =	rddreg [dreg:$0x12];
	[sflag:s31] =	ssyncadd.s32 $0xFFFFE790  }
0x56: {  	[hbm4b:s28+s8] =	stream.linear.scatter [tilespmem:s30], [sflag:$0x4], $0x1870, $0x38;
	[tilespmem:$0xE320] =	vst v63  }
0x57: {  	_ =	swait.ge [sflag:s31], $0x1870  }
0x58: {  	s21 =	sadd.s32 $0x1, s21;
	s29 =	rddreg [dreg:$0x13]  }
0x59: {  	p0 =	sne.s32 s21, s29  }
.Ltmp1:
0x5a: {  	_ = 	snop;
	(pc) =	sbr.rel @!p0 .LBB2_14-.Ltmp1, $3  }
0x5b: {  	_ =	sdelay $0x1  }
0x5c: {  	[sflag:s31] =	ssyncset.done $0x0  }
0x5d: {  	s22 =	smov.u32 s14;
	[sflag:s31] =	ssyncadd.s32 $0xFFFFE790  }
.LBB2_1:
0x5e: {  	s11 =	rddreg [dreg:$0x9]  }
0x5f: {  	[tilespmem:s30], [sflag:$0x4] =	stream.linear.gather [hbm4b:s11+s8], $0x1870, $0x38;
	[tilespmem:$0xE320] =	vst v63  }
0x60: {  	_ =	swait.ge [sflag:s31], $0x1870  }
0x61: {  	[sflag:s31] =	ssyncset.done $0x0  }
0x62: {  	[sflag:s31] =	ssyncadd.s32 $0xFFFFE790  }
0x63: {  	[spmem:s12] =	stream.linear.scatter [tilespmem:s30], [sflag:$0x4], $0x1870, $0x38;
	[tilespmem:$0xE320] =	vst v63  }
0x64: {  	_ =	swait.ge [sflag:s31], $0x1870  }
0x65: {  	[sflag:s31] =	ssyncset.done $0x0  }
0x66: {  	[sflag:s31] =	ssyncadd.s32 $0xFFFFE790  }
0x67: {  	[spmem:s22] =	stream.linear.scatter [tilespmem:s30], [sflag:$0x4], $0x1870, $0x38;
	[tilespmem:$0xE320] =	vst v63  }
0x68: {  	_ =	swait.ge [sflag:s31], $0x1870  }
0x69: {  	[sflag:s31] =	ssyncset.done $0x0  }
0x6a: {  	[sflag:s31] =	ssyncadd.s32 $0xFFFFE790  }
0x6b: {  	[spmem:s23] =	stream.linear.scatter [tilespmem:s30], [sflag:$0x4], $0x1870, $0x38;
	[tilespmem:$0xE320] =	vst v63  }
0x6c: {  	_ =	swait.ge [sflag:s31], $0x1870  }
0x6d: {  	[sflag:s31] =	ssyncset.done $0x0  }
0x6e: {  	s23 =	rddreg [dreg:$0x14];
	[sflag:s31] =	ssyncadd.s32 $0xFFFFE790  }
0x6f: {  	[tilespmem:s30], [sflag:$0x4] =	stream.linear.gather [hbm4b:s23+s8], $0x1870, $0x38;
	[tilespmem:$0xE320] =	vst v63  }
0x70: {  	_ =	swait.ge [sflag:s31], $0x1870  }
0x71: {  	[sflag:s31] =	ssyncset.done $0x0  }
0x72: {  	s26 =	rddreg [dreg:$0xb];
	[sflag:s31] =	ssyncadd.s32 $0xFFFFE790  }
0x73: {  	[spmem:s26] =	stream.linear.scatter [tilespmem:s30], [sflag:$0x4], $0x1870, $0x38;
	[tilespmem:$0xE320] =	vst v63  }
0x74: {  	_ =	swait.ge [sflag:s31], $0x1870  }
0x75: {  	[sflag:s31] =	ssyncset.done $0x0  }
0x76: {  	s28 =	rddreg [dreg:$0x15];
	[sflag:s31] =	ssyncadd.s32 $0xFFFFE790  }
0x77: {  	[tilespmem:s30], [sflag:$0x4] =	stream.linear.gather [hbm4b:s28+s8], $0x1870, $0x38;
	[tilespmem:$0xE320] =	vst v63  }
0x78: {  	_ =	swait.ge [sflag:s31], $0x1870  }
0x79: {  	[sflag:s31] =	ssyncset.done $0x0  }
0x7a: {  	s29 =	rddreg [dreg:$0xc];
	[sflag:s31] =	ssyncadd.s32 $0xFFFFE790  }
0x7b: {  	[spmem:s29] =	stream.linear.scatter [tilespmem:s30], [sflag:$0x4], $0x1870, $0x38;
	[tilespmem:$0xE320] =	vst v63  }
0x7c: {  	_ =	swait.ge [sflag:s31], $0x1870  }
0x7d: {  	[sflag:s31] =	ssyncset.done $0x0  }
0x7e: {  	s13 =	smov.u32 s12;
	s12 =	rddreg [dreg:$0x16];
	[sflag:s31] =	ssyncadd.s32 $0xFFFFE790  }
0x7f: {  	[tilespmem:s30], [sflag:$0x4] =	stream.linear.gather [hbm4b:s12+s8], $0x1870, $0x38;
	[tilespmem:$0xE320] =	vst v63  }
0x80: {  	_ =	swait.ge [sflag:s31], $0x1870  }
0x81: {  	[sflag:s31] =	ssyncset.done $0x0  }
0x82: {  	s14 =	smov.u32 s22;
	s22 =	rddreg [dreg:$0xd];
	[sflag:s31] =	ssyncadd.s32 $0xFFFFE790  }
0x83: {  	[spmem:s22] =	stream.linear.scatter [tilespmem:s30], [sflag:$0x4], $0x1870, $0x38;
	[tilespmem:$0xE320] =	vst v63  }
0x84: {  	_ =	swait.ge [sflag:s31], $0x1870  }
0x85: {  	[sflag:s31] =	ssyncset.done $0x0  }
0x86: {  	p1 =	sne.s32 s17, $0x1;
	[sflag:s31] =	ssyncadd.s32 $0xFFFFE790  }
.Ltmp2:
0x87: {  	[bflag:$0x0] =	sbarrier.arrive $0xFFFF;
	(pc) =	sbr.rel @!p1 .LBB2_2-.Ltmp2, $4  }
0x88: {  	p0 =	por $0x0, $0x0;
	s26 =	simm.s32 $0x92A0;
	s23 =	rddreg [dreg:$0xe]  }
0x89: {  	[tilespmem:s26], [sflag:$0x1] =	stream.linear.gather [hbm4b:s23+s8], $0x800, $0x38;
	[tilespmem:$0xE320] =	vst v63  }
0x8a: {  	s29 =	simm.s32 $0xA2A0;
	s28 =	rddreg [dreg:$0xf];
	s26 =	simm.s32 $0x1  }
0x8b: {  	[tilespmem:s29], [sflag:$0x1] =	stream.linear.gather [hbm4b:s28+s8], $0x800, $0x38;
	[tilespmem:$0xE320] =	vst v63  }
0x8c: {  	s22 =	sand.u32 $0x1, s8  }
0x8d: {  	_ =	swait.ge [sflag:s5], $0x800;
	p0 =	seq.s32 s22, $0x1  }
0x8e: {  	[sflag:s5] =	ssyncset.done $0x0;
	s22 =	sadd.s32 @!p0 $0xFFFFFF00, s25  }
0x8f: {  	[sflag:s5] =	ssyncadd.s32 $0xFFFFF800;
	s22 =	sand.u32 @!p0 $0x1FFFFE00, s22  }
0x90: {  	s23 =	simm.s32 @!p0 $0x9AA0;
	_ =	swait.ge [sflag:s5], $0x800;
	s22 =	sor.u32 @!p0 $0x100, s22  }
0x91: {  	s28 =	simm.s32 @!p0 $0xAAA0;
	[sflag:s5] =	ssyncset.done $0x0;
	s22 =	smov.u32 @p0 s25  }
0x92: {  	s23 =	simm.s32 @p0 $0x92A0;
	[sflag:s5] =	ssyncadd.s32 $0xFFFFF800;
	s29 =	sadd.s32 s9, s22  }
0x93: {  	[tilespmem:s23], [sflag:$0x1] =	stream.linear.gather [hbm4b:s29+s8], $0x800, $0x38;
	[tilespmem:$0xE320] =	vst v63  }
0x94: {  	s28 =	simm.s32 @p0 $0xA2A0;
	s22 =	sadd.s32 s10, s22;
	s23 =	simm.s32 @!p0 $0x92A0  }
0x95: {  	[tilespmem:s28], [sflag:$0x1] =	stream.linear.gather [hbm4b:s22+s8], $0x800, $0x38;
	[tilespmem:$0xE320] =	vst v63  }
0x96: {  	s23 =	simm.s32 @p0 $0x9AA0  }
0x97: {  	[tilespmem:s15], [sflag:$0x2] =	stream.indirect.gather [spmem:s4], $0x1, s23, s2, $0xb8;
	[tilespmem:$0xE320] =	vst v63  }
0x98: {  	_ = 	snop  }
0x99: {  	[tilespmem:s16], [sflag:$0x2] =	stream.indirect.gather [spmem:s6], $0x1, s23, s2, $0xb8;
	[tilespmem:$0xE320] =	vst v63  }
0x9a: {  	_ = 	snop  }
0x9b: {  	[tilespmem:s18], [sflag:$0x2] =	stream.indirect.gather [spmem:s7], $0x1, s23, s2, $0xb8;
	[tilespmem:$0xE320] =	vst v63  }
0x9c: {  	_ =	swait.ge [sflag:s19], $0x800  }
0x9d: {  	[sflag:s19] =	ssyncset.done $0x0  }
0x9e: {  	[sflag:s19] =	ssyncadd.s32 $0xFFFFF800  }
0x9f: {  	_ =	swait.ge [sflag:s19], $0x800  }
0xa0: {  	[sflag:s19] =	ssyncset.done $0x0  }
0xa1: {  	[sflag:s19] =	ssyncadd.s32 $0xFFFFF800  }
0xa2: {  	_ =	swait.ge [sflag:s19], $0x800  }
0xa3: {  	s22 =	simm.s32 @!p0 $0xA2A0;
	[sflag:s19] =	ssyncset.done $0x0  }
0xa4: {  	s22 =	simm.s32 @p0 $0xAAA0;
	[sflag:s19] =	ssyncadd.s32 $0xFFFFF800  }
0xa5: {  	[spmem:s0] =	stream.indirect.scatter.add.f32 [tilespmem:s15], [sflag:$0x3], $0x1, s22, s2, $0xb8;
	[tilespmem:$0xE320] =	vst v63  }
0xa6: {  	_ = 	snop  }
0xa7: {  	[spmem:s1] =	stream.indirect.scatter.add.f32 [tilespmem:s16], [sflag:$0x3], $0x1, s22, s2, $0xb8;
	[tilespmem:$0xE320] =	vst v63  }
0xa8: {  	_ = 	snop  }
0xa9: {  	[spmem:s3] =	stream.indirect.scatter.add.f32 [tilespmem:s18], [sflag:$0x3], $0x1, s22, s2, $0xb8;
	[tilespmem:$0xE320] =	vst v63  }
0xaa: {  	_ =	swait.ge [sflag:s20], $0x800  }
0xab: {  	[sflag:s20] =	ssyncset.done $0x0  }
0xac: {  	p1 =	sne.s32 s17, $0x2;
	[sflag:s20] =	ssyncadd.s32 $0xFFFFF800  }
.Ltmp3:
0xad: {  	_ =	swait.ge [sflag:s20], $0x800;
	(pc) =	sbr.rel @!p1 .LBB2_6-.Ltmp3, $4  }
0xae: {  	[sflag:s20] =	ssyncset.done $0x0  }
0xaf: {  	[sflag:s20] =	ssyncadd.s32 $0xFFFFF800  }
0xb0: {  	p0 =	por $0x1, $0x1;
	_ =	swait.ge [sflag:s20], $0x800  }
0xb1: {  	s23 =	simm.s32 $0x2;
	s22 =	sadd.s32 $0x100, s25;
	[sflag:s20] =	ssyncset.done $0x0  }
.LBB2_4:
0xb2: {  	s24 =	sand.u32 $0x1, s26  }
0xb3: {  	[sflag:s20] =	ssyncadd.s32 $0xFFFFF800;
	s26 =	smov.u32 s23;
	s23 =	sadd.s32 $0x1, s23  }
0xb4: {  	p1 =	sne.s32 s17, s23;
	p2 =	seq.s32 s24, $0x1;
	_ =	swait.ge [sflag:s5], $0x800  }
0xb5: {  	[sflag:s5] =	ssyncset.done $0x0;
	s24 =	sadd.s32 @!p2 $0xFFFFFF00, s22;
	s28 =	simm.s32 @!p2 $0x9AA0  }
0xb6: {  	[sflag:s5] =	ssyncadd.s32 $0xFFFFF800;
	s24 =	sand.u32 @!p2 $0x1FFFFE00, s24;
	s28 =	simm.s32 @p2 $0x92A0  }
0xb7: {  	s29 =	simm.s32 @!p2 $0xAAA0;
	_ =	swait.ge [sflag:s5], $0x800;
	s24 =	sor.u32 @!p2 $0x100, s24  }
0xb8: {  	s29 =	simm.s32 @p2 $0xA2A0;
	[sflag:s5] =	ssyncset.done $0x0;
	s24 =	smov.u32 @p2 s22  }
0xb9: {  	s11 =	simm.s32 @!p2 $0x92A0;
	[sflag:s5] =	ssyncadd.s32 $0xFFFFF800;
	s12 =	sadd.s32 s9, s24  }
0xba: {  	[tilespmem:s28], [sflag:$0x1] =	stream.linear.gather [hbm4b:s12+s8], $0x800, $0x38;
	[tilespmem:$0xE320] =	vst v63  }
0xbb: {  	s24 =	sadd.s32 s10, s24;
	s12 =	simm.s32 @!p2 $0xA2A0  }
0xbc: {  	[tilespmem:s29], [sflag:$0x1] =	stream.linear.gather [hbm4b:s24+s8], $0x800, $0x38;
	[tilespmem:$0xE320] =	vst v63  }
0xbd: {  	s11 =	simm.s32 @p2 $0x9AA0  }
0xbe: {  	[tilespmem:s15], [sflag:$0x2] =	stream.indirect.gather [spmem:s4], $0x1, s11, s2, $0xb8;
	[tilespmem:$0xE320] =	vst v63  }
0xbf: {  	_ = 	snop  }
0xc0: {  	[tilespmem:s16], [sflag:$0x2] =	stream.indirect.gather [spmem:s6], $0x1, s11, s2, $0xb8;
	[tilespmem:$0xE320] =	vst v63  }
0xc1: {  	_ = 	snop  }
0xc2: {  	[tilespmem:s18], [sflag:$0x2] =	stream.indirect.gather [spmem:s7], $0x1, s11, s2, $0xb8;
	[tilespmem:$0xE320] =	vst v63  }
0xc3: {  	_ =	swait.ge [sflag:s19], $0x800  }
0xc4: {  	[sflag:s19] =	ssyncset.done $0x0  }
0xc5: {  	[sflag:s19] =	ssyncadd.s32 $0xFFFFF800  }
0xc6: {  	_ =	swait.ge [sflag:s19], $0x800  }
0xc7: {  	[sflag:s19] =	ssyncset.done $0x0  }
0xc8: {  	[sflag:s19] =	ssyncadd.s32 $0xFFFFF800  }
0xc9: {  	_ =	swait.ge [sflag:s19], $0x800  }
0xca: {  	[sflag:s19] =	ssyncset.done $0x0  }
0xcb: {  	s12 =	simm.s32 @p2 $0xAAA0;
	[sflag:s19] =	ssyncadd.s32 $0xFFFFF800  }
0xcc: {  	[spmem:s0] =	stream.indirect.scatter.add.f32 [tilespmem:s15], [sflag:$0x3], $0x1, s12, s2, $0xb8;
	[tilespmem:$0xE320] =	vst v63  }
0xcd: {  	_ = 	snop  }
0xce: {  	[spmem:s1] =	stream.indirect.scatter.add.f32 [tilespmem:s16], [sflag:$0x3], $0x1, s12, s2, $0xb8;
	[tilespmem:$0xE320] =	vst v63  }
0xcf: {  	_ = 	snop  }
0xd0: {  	[spmem:s3] =	stream.indirect.scatter.add.f32 [tilespmem:s18], [sflag:$0x3], $0x1, s12, s2, $0xb8;
	[tilespmem:$0xE320] =	vst v63  }
0xd1: {  	_ =	swait.ge [sflag:s20], $0x800  }
0xd2: {  	[sflag:s20] =	ssyncset.done $0x0  }
0xd3: {  	[sflag:s20] =	ssyncadd.s32 $0xFFFFF800  }
.Ltmp4:
0xd4: {  	_ =	swait.ge [sflag:s20], $0x800;
	(pc) =	sbr.rel @p1 .LBB2_4-.Ltmp4, $4  }
0xd5: {  	[sflag:s20] =	ssyncset.done $0x0  }
0xd6: {  	[sflag:s20] =	ssyncadd.s32 $0xFFFFF800  }
0xd7: {  	s24 =	sadd.s32 $0x100, s22;
	_ =	swait.ge [sflag:s20], $0x800  }
0xd8: {  	s22 =	smov.u32 s24;
	[sflag:s20] =	ssyncset.done $0x0  }
0xd9: {  	s22 =	smov.u32 s24  }
.LBB2_6:
0xda: {  	s11 =	sand.u32 $0x1, s26;
	[sflag:s20] =	ssyncadd.s32 @p0 $0xFFFFF800  }
0xdb: {  	p0 =	seq.s32 s11, $0x1;
	_ =	swait.ge [sflag:s5], $0x800  }
0xdc: {  	[sflag:s5] =	ssyncset.done $0x0;
	s11 =	sadd.s32 @!p0 $0xFFFFFF00, s22  }
0xdd: {  	[sflag:s5] =	ssyncadd.s32 $0xFFFFF800;
	s11 =	sand.u32 @!p0 $0x1FFFFE00, s11  }
0xde: {  	s12 =	simm.s32 @!p0 $0x9AA0;
	_ =	swait.ge [sflag:s5], $0x800;
	s11 =	sor.u32 @!p0 $0x100, s11  }
0xdf: {  	s26 =	simm.s32 @!p0 $0xAAA0;
	[sflag:s5] =	ssyncset.done $0x0;
	s11 =	smov.u32 @p0 s22  }
0xe0: {  	s12 =	simm.s32 @p0 $0x92A0;
	[sflag:s5] =	ssyncadd.s32 $0xFFFFF800;
	s28 =	sadd.s32 s9, s11  }
0xe1: {  	[tilespmem:s12], [sflag:$0x1] =	stream.linear.gather [hbm4b:s28+s8], $0x800, $0x38;
	[tilespmem:$0xE320] =	vst v63  }
0xe2: {  	s26 =	simm.s32 @p0 $0xA2A0;
	s11 =	sadd.s32 s10, s11;
	s12 =	simm.s32 @!p0 $0x92A0  }
0xe3: {  	[tilespmem:s26], [sflag:$0x1] =	stream.linear.gather [hbm4b:s11+s8], $0x800, $0x38;
	[tilespmem:$0xE320] =	vst v63  }
0xe4: {  	s12 =	simm.s32 @p0 $0x9AA0  }
0xe5: {  	[tilespmem:s15], [sflag:$0x2] =	stream.indirect.gather [spmem:s4], $0x1, s12, s2, $0xb8;
	[tilespmem:$0xE320] =	vst v63  }
0xe6: {  	_ = 	snop  }
0xe7: {  	[tilespmem:s16], [sflag:$0x2] =	stream.indirect.gather [spmem:s6], $0x1, s12, s2, $0xb8;
	[tilespmem:$0xE320] =	vst v63  }
0xe8: {  	_ = 	snop  }
0xe9: {  	[tilespmem:s18], [sflag:$0x2] =	stream.indirect.gather [spmem:s7], $0x1, s12, s2, $0xb8;
	[tilespmem:$0xE320] =	vst v63  }
0xea: {  	_ =	swait.ge [sflag:s19], $0x800  }
0xeb: {  	[sflag:s19] =	ssyncset.done $0x0  }
0xec: {  	[sflag:s19] =	ssyncadd.s32 $0xFFFFF800  }
0xed: {  	_ =	swait.ge [sflag:s19], $0x800  }
0xee: {  	[sflag:s19] =	ssyncset.done $0x0  }
0xef: {  	[sflag:s19] =	ssyncadd.s32 $0xFFFFF800  }
0xf0: {  	_ =	swait.ge [sflag:s19], $0x800  }
0xf1: {  	s11 =	simm.s32 @!p0 $0xA2A0;
	[sflag:s19] =	ssyncset.done $0x0  }
0xf2: {  	s11 =	simm.s32 @p0 $0xAAA0;
	[sflag:s19] =	ssyncadd.s32 $0xFFFFF800  }
0xf3: {  	[spmem:s0] =	stream.indirect.scatter.add.f32 [tilespmem:s15], [sflag:$0x3], $0x1, s11, s2, $0xb8;
	[tilespmem:$0xE320] =	vst v63  }
0xf4: {  	_ = 	snop  }
0xf5: {  	[spmem:s1] =	stream.indirect.scatter.add.f32 [tilespmem:s16], [sflag:$0x3], $0x1, s11, s2, $0xb8;
	[tilespmem:$0xE320] =	vst v63  }
0xf6: {  	_ = 	snop  }
0xf7: {  	[spmem:s3] =	stream.indirect.scatter.add.f32 [tilespmem:s18], [sflag:$0x3], $0x1, s11, s2, $0xb8;
	[tilespmem:$0xE320] =	vst v63  }
0xf8: {  	_ =	swait.ge [sflag:s20], $0x800  }
0xf9: {  	[sflag:s20] =	ssyncset.done $0x0  }
0xfa: {  	[sflag:s20] =	ssyncadd.s32 $0xFFFFF800  }
0xfb: {  	_ =	swait.ge [sflag:s20], $0x800  }
0xfc: {  	[sflag:s20] =	ssyncset.done $0x0  }
0xfd: {  	[sflag:s20] =	ssyncadd.s32 $0xFFFFF800  }
0xfe: {  	_ =	swait.ge [sflag:s20], $0x800  }
0xff: {  	[sflag:s20] =	ssyncset.done $0x0  }
0x100: {  	s29 =	sand.u32 $0x1, s23;
	[sflag:s20] =	ssyncadd.s32 $0xFFFFF800  }
0x101: {  	p1 =	seq.s32 s29, $0x1;
	_ =	swait.ge [sflag:s5], $0x800  }
.Ltmp5:
0x102: {  	[sflag:s5] =	ssyncset.done $0x0;
	(pc) =	sbr.rel @!p1 .LBB2_7-.Ltmp5, $4  }
0x103: {  	[sflag:s5] =	ssyncadd.s32 $0xFFFFF800  }
0x104: {  	_ =	swait.ge [sflag:s5], $0x800  }
0x105: {  	[sflag:s5] =	ssyncset.done $0x0  }
0x106: {  	s26 =	sadd.s32 $0x100, s22;
	p0 =	sge.u32 s23, s17;
	[sflag:s5] =	ssyncadd.s32 $0xFFFFF800  }
.Ltmp6:
0x107: {  	(pc) =	sbr.rel @p0 .LBB2_13-.Ltmp6, $2  }
0x108: {  	_ =	sdelay $0x2  }
0x109: {  	s22 =	simm.s32 $0xAAA0;
	s23 =	simm.s32 $0x9AA0;
	s12 =	smov.u32 s13  }
.Ltmp7:
0x10a: {  	(pc) =	sbr.rel .LBB2_12-.Ltmp7, $2  }
0x10b: {  	_ =	sdelay $0x2  }
0x10c: {  	s28 =	simm.s32 $0xA2A0;
	s29 =	simm.s32 $0x92A0  }
.LBB2_7:
.Ltmp8:
0x10d: {  	(pc) =	sbr.rel @!p0 .LBB2_9-.Ltmp8, $2  }
0x10e: {  	_ =	sdelay $0x2  }
0x10f: {  	s12 =	smov.u32 s13  }
.Ltmp9:
0x110: {  	(pc) =	sbr.rel .LBB2_13-.Ltmp9, $2  }
0x111: {  	_ =	sdelay $0x2  }
0x112: {  	s22 =	simm.s32 $0xA2A0;
	s23 =	simm.s32 $0x92A0  }
.LBB2_2:
.Ltmp10:
0x113: {  	(pc) =	sbr.rel .LBB2_6-.Ltmp10, $2  }
0x114: {  	_ =	sdelay $0x2  }
0x115: {  	s23 =	simm.s32 $0x1;
	s26 =	simm.s32 $0x0;
	s22 =	smov.u32 s25  }
.LBB2_14:
0x116: {  	_ =	sfence.sel $0x180000  }
0x117: {  	[bflag:$0x0] =	sbarrier.arrive $0xFFFF  }
0x118: {  	_ =	strace $0x9000004D  }
0x119: {  	s0 =	stileid.u32;
	[bflag:$0x2] =	sbarrier.arrive $0xFFFF  }
0x11a: {  	p0 =	sne.s32 s0, $0x0;
	s0 =	rddreg [dreg:$0x8]  }
0x11b: {  	s0 =	sadd.s32 @!p0 $0x100000, s0  }
0x11c: {  	[sflag:s0] =	ssyncadd.tile.s32 @!p0 $0x1;
	_ =	shalt  }
.Lfunc_end2:
_tile_overlayer_lowered:
.L_overlay_start_2:
0x11d: {  	(tag) =	ssettag $0x2  }
0x11e: {  	s0 =	rddreg [dreg:$0x0];
	s2 =	stileid.u32  }
0x11f: {  	s1 =	rddreg [dreg:$0x1];
	p0 =	sne.s32 s2, $0x0  }
0x120: {  	s3 =	rddreg [dreg:$0x2];
	[bflag:$0x3] =	sbarrier.arrive $0xFFFF;
	s2 =	simm.s32 @!p0 $0x1C04  }
0x121: {  	[timem:s3], [sflag:s2] =	dma.local @!p0 [hbm:s0], s1  }
0x122: {  	s0 =	simm.s32 @!p0 $0x4  }
0x123: {  	_ =	swait.ge @!p0 [sflag:s0], s1  }
0x124: {  	s1 =	ssub.s32 @!p0 $0x0, s1;
	[sflag:s0] =	ssyncset.done @!p0 $0x0  }
0x125: {  	[sflag:s0] =	ssyncadd.s32 @!p0 s1  }
0x126: {  	[bflag:$0x3] =	sbarrier.arrive $0xFFFF  }
0x127: {  	_ =	shalt  }

// kernel: kernel.5.cloned.1.call-start
scs
__scs_entry_jumppad:
0x0: {  	(pc) =	sbr.rel $0x88, $3  }
0x1: {  	(tag) =	ssettag $0x0;
	lr =	simm.s32 $0x1  }
0x2: {  	[smem:$0x3F9B] =	sst lr;
	_ =	strace $0xD0000000  }
0x3: {  	_ = 	snop  }
0x4: {  	_ = 	snop  }
0x5: {  	_ = 	snop  }
0x6: {  	_ = 	snop  }
0x7: {  	_ = 	snop  }
__scs_overlays_trampoline_lowered:
0x8: {  	[smem:$0x3FAA] =	sst s0  }
0x9: {  	[smem:$0x3FAB] =	sst s1  }
0xa: {  	[smem:$0x3FAC] =	sst s2  }
0xb: {  	[smem:$0x3FAD] =	sst s3  }
0xc: {  	[smem:$0x3FAE] =	sst s4  }
0xd: {  	[smem:$0x3FAF] =	sst s5  }
0xe: {  	[smem:$0x3FB0] =	sst s6  }
0xf: {  	[smem:$0x3FB1] =	sst s7  }
0x10: {  	[smem:$0x3FB2] =	sst s8  }
0x11: {  	[smem:$0x3FB3] =	sst s9;
	s0 =	simm.s32 @!p0 $0x0  }
0x12: {  	s1 =	sld [smem:$0x3F99];
	s0 =	simm.s32 @p0 $0x1  }
0x13: {  	[smem:$0x3FB4] =	sst s0;
	s0 =	simm.s32 @!p1 $0x0  }
0x14: {  	s2 =	sld [smem:$0x3F98];
	s0 =	simm.s32 @p1 $0x1  }
0x15: {  	[smem:$0x3FB5] =	sst s0;
	s0 =	simm.s32 @!p2 $0x0  }
0x16: {  	s3 =	sld [smem:$0x3FDB];
	s0 =	simm.s32 @p2 $0x1  }
0x17: {  	s4 =	simm.s32 $0x1BF5;
	[smem:$0x3FB7] =	sst s0  }
0x18: {  	s0 =	sld [smem:$0x3F9A];
	_ =	swait.ge [sflag:s4], $0x0  }
0x19: {  	s7 =	sld [smem:$0x3F9B]  }
0x1a: {  	s8 =	sadd.s32 $0xFFFFE003, lr  }
0x1b: {  	s9 =	sadd.s32 $0xFFFFFEF7, lr;
	s5 =	simm.s32 $0xFFFFFFFF;
	p2 =	slt.u32 s8, $0xFFFFF086  }
0x1c: {  	p1 =	slt.u32 s9, $0xF7A;
	s5 =	simm.s32 @!p2 $0x0  }
0x1d: {  	s5 =	simm.s32 @p1 $0x1;
	p0 =	seq.s32 s7, s2  }
0x1e: {  	s7 =	smul.u32 @!p0 $0xF7A, s2;
	p2 =	seq.s32 @!p0 s5, $0x0  }
0x1f: {  	s9 =	smul.u32 $0xF7A, s1;
	s8 =	simm.s32 @!p0 $0x1BF5;
	p2 =	por !p2, p0  }
0x20: {  	[sflag:s8] =	ssyncset.s32 @!p0 $0xFFFFF086;
	s6 =	sadd.s32 @!p0 s3, s7;
	s7 =	simm.s32 @!p0 $0x108  }
0x21: {  	s3 =	sadd.s32 s3, s9;
	s6 =	sadd.s32 @!p0 $0x88, s6;
	s7 =	simm.s32 @p2 $0x1082  }
0x22: {  	[simem:s7], [sflag:s8] =	dma.local @!p0 [hbm:s6], $0xF7A  }
0x23: {  	s9 =	sor.u32 $0xD0000000, s2;
	s6 =	simm.s32 $0x108;
	_ =	swait.ge @!p0 [sflag:s8], $0x0  }
0x24: {  	s3 =	sadd.s32 $0x88, s3;
	s6 =	simm.s32 @!p1 $0x1082;
	[sflag:s4] =	ssyncset.s32 $0xFFFFF086  }
0x25: {  	[simem:s6], [sflag:s4] =	dma.local [hbm:s3], $0xF7A  }
0x26: {  	[smem:$0x3F9B] =	sst s1;
	(tag) =	ssettag s2;
	_ =	strace s9  }
0x27: {  	s1 =	sld [smem:$0x3FAB]  }
0x28: {  	s2 =	sld [smem:$0x3FAC]  }
0x29: {  	s4 =	sld [smem:$0x3FAE]  }
0x2a: {  	p0 =	seq.s32 s5, $0x0;
	s5 =	sld [smem:$0x3FAF]  }
0x2b: {  	s6 =	sld [smem:$0x3FB0]  }
0x2c: {  	s7 =	sld [smem:$0x3FB1]  }
0x2d: {  	s3 =	simm.s32 $0x108;
	s8 =	sld [smem:$0x3FB2]  }
0x2e: {  	s3 =	simm.s32 @!p0 $0x1082;
	s9 =	sld [smem:$0x3FB3]  }
0x2f: {  	lr =	sadd.s32 s0, s3;
	s0 =	sld [smem:$0x3FAA]  }
0x30: {  	s3 =	sld [smem:$0x3FAD]  }
0x31: {  	[smem:$0x3FB6] =	sst s10  }
0x32: {  	s10 =	sld [smem:$0x3FB4];
	_ =	sdelay $0x3  }
0x33: {  	p0 =	seq.s32 s10, $0x1;
	s10 =	sld [smem:$0x3FB6];
	_ =	sdelay $0x3  }
0x34: {  	[smem:$0x3FB6] =	sst s10  }
0x35: {  	s10 =	sld [smem:$0x3FB5];
	_ =	sdelay $0x3  }
0x36: {  	p1 =	seq.s32 s10, $0x1;
	s10 =	sld [smem:$0x3FB6];
	_ =	sdelay $0x3  }
0x37: {  	[smem:$0x3FB6] =	sst s10  }
0x38: {  	s10 =	sld [smem:$0x3FB7]  }
0x39: {  	_ = 	snop;
	(pc) =	sbr.ind lr, $3  }
0x3a: {  	_ = 	snop  }
0x3b: {  	_ = 	snop  }
0x3c: {  	p2 =	seq.s32 s10, $0x1;
	s10 =	sld [smem:$0x3FB6]  }
0x3d: {  	_ =	shalt  }
0x3e: {  	_ =	shalt  }
0x3f: {  	_ =	shalt  }
0x40: {  	_ =	shalt  }
0x41: {  	_ =	shalt  }
0x42: {  	_ =	shalt  }
0x43: {  	_ =	shalt  }
0x44: {  	_ =	shalt  }
0x45: {  	_ =	shalt  }
0x46: {  	_ =	shalt  }
0x47: {  	_ =	shalt  }
0x48: {  	_ =	shalt  }
0x49: {  	_ =	shalt  }
0x4a: {  	_ =	shalt  }
0x4b: {  	_ =	shalt  }
0x4c: {  	_ =	shalt  }
0x4d: {  	_ =	shalt  }
0x4e: {  	_ =	shalt  }
0x4f: {  	_ =	shalt  }
0x50: {  	_ =	shalt  }
0x51: {  	_ =	shalt  }
0x52: {  	_ =	shalt  }
0x53: {  	_ =	shalt  }
0x54: {  	_ =	shalt  }
0x55: {  	_ =	shalt  }
0x56: {  	_ =	shalt  }
0x57: {  	_ =	shalt  }
0x58: {  	_ =	shalt  }
0x59: {  	_ =	shalt  }
0x5a: {  	_ =	shalt  }
0x5b: {  	_ =	shalt  }
0x5c: {  	_ =	shalt  }
0x5d: {  	_ =	shalt  }
0x5e: {  	_ =	shalt  }
0x5f: {  	_ =	shalt  }
0x60: {  	_ =	shalt  }
0x61: {  	_ =	shalt  }
0x62: {  	_ =	shalt  }
0x63: {  	_ =	shalt  }
0x64: {  	_ =	shalt  }
0x65: {  	_ =	shalt  }
0x66: {  	_ =	shalt  }
0x67: {  	_ =	shalt  }
0x68: {  	_ =	shalt  }
0x69: {  	_ =	shalt  }
0x6a: {  	_ =	shalt  }
0x6b: {  	_ =	shalt  }
0x6c: {  	_ =	shalt  }
0x6d: {  	_ =	shalt  }
0x6e: {  	_ =	shalt  }
0x6f: {  	_ =	shalt  }
0x70: {  	_ =	shalt  }
0x71: {  	_ =	shalt  }
0x72: {  	_ =	shalt  }
0x73: {  	_ =	shalt  }
0x74: {  	_ =	shalt  }
0x75: {  	_ =	shalt  }
0x76: {  	_ =	shalt  }
0x77: {  	_ =	shalt  }
0x78: {  	_ =	shalt  }
0x79: {  	_ =	shalt  }
0x7a: {  	_ =	shalt  }
0x7b: {  	_ =	shalt  }
0x7c: {  	_ =	shalt  }
0x7d: {  	_ =	shalt  }
0x7e: {  	_ =	shalt  }
0x7f: {  	_ =	shalt  }
0x80: {  	_ =	shalt  }
0x81: {  	_ =	shalt  }
0x82: {  	_ =	shalt  }
0x83: {  	_ =	shalt  }
0x84: {  	_ =	shalt  }
0x85: {  	_ =	shalt  }
0x86: {  	_ =	shalt  }
0x87: {  	_ =	shalt  }
.Lfunc_end0:
.L_simem_size_0:
called_computation_lowered:
.L_overlay_start_0:
0x88: {  	s2 =	sld [smem:$0x3FD9]  }
0x89: {  	s3 =	sld [smem:$0x3FFE];
	_ =	sdelay $0x1  }
0x8a: {  	s1 =	srdreg.scid  }
0x8b: {  	s0 =	sand.u32 $0x1, s1  }
0x8c: {  	s17 =	sshll.u32 s0, $0xA;
	s2 =	sadd.s32 s3, s2  }
0x8d: {  	s2 =	sadd.s32 s2, s17  }
0x8e: {  	[smem:$0x3FC2] =	sst s2  }
0x8f: {  	_ = 	snop  }
0x90: {  	s2 =	sld [smem:$0x3FD0];
	(tm) =	ssettm $0x1  }
0x91: {  	s18 =	sld [smem:$0x3FFB];
	_ =	sdelay $0x3  }
0x92: {  	_ =	strace s18  }
0x93: {  	s3 =	sld [smem:$0x3FFC];
	_ =	sdelay $0x3  }
0x94: {  	_ =	strace s3  }
0x95: {  	s3 =	sld [smem:$0x3FFD];
	_ =	sdelay $0x3  }
0x96: {  	_ =	strace s3  }
0x97: {  	_ =	strace $0x8FFFFFFF  }
0x98: {  	s19 =	sld [smem:$0x3FDB];
	_ =	sdelay $0x1  }
0x99: {  	s4 =	simm.s32 $_scs_section_size  }
0x9a: {  	s5 =	simm.s32 $_size__tile_overlayer_lowered;
	s6 =	simm.s32 $_tile_overlayer_lowered  }
0x9b: {  	s22 =	simm.s32 $0x1BFF;
	s21 =	sshll.u32 s6, $0x1;
	s3 =	sadd.s32 s4, s19  }
0x9c: {  	s7 =	simm.s32 $0x0;
	s20 =	sshll.u32 s5, $0x1;
	s5 =	sadd.s32 s21, s3  }
0x9d: {  	[timem:s7], [sflag:s22] =	dma.local [hbm:s5], s20  }
0x9e: {  	_ =	swait.ge [sflag:s22], s20  }
0x9f: {  	s4 =	ssub.s32 $0x0, s20;
	[sflag:s22] =	ssyncset.done $0x0  }
0xa0: {  	[sflag:s22] =	ssyncadd.s32 s4;
	_ =	sdelay $0x1  }
0xa1: {  	s23 =	simm.s32 $0x1B8B  }
0xa2: {  	_ =	swait.ge [sflag:s23], $0x1  }
0xa3: {  	[sflag:s23] =	ssyncset.done $0x0  }
0xa4: {  	s25 =	simm.s32 $0x1B8E;
	s24 =	sld [smem:$0x3FFE];
	[sflag:s23] =	ssyncadd.s32 $0xFFFFFFFF  }
0xa5: {  	s26 =	simm.s32 $execute0_lowered;
	[smem:$0x3FD2] =	sst s25  }
0xa6: {  	s5 =	sshll.u32 s26, $0x1;
	_ =	strace $0x80000046;
	[dreg:$0x1] =	wrdreg $0xFFFFFFFF  }
0xa7: {  	s28 =	simm.s32 $_size_execute0_lowered;
	s3 =	sadd.s32 s3, s5;
	[dreg:$0x0] =	wrdreg $0x0  }
0xa8: {  	s5 =	sshll.u32 s28, $0x1;
	[dreg:$0x2] =	wrdreg s3  }
0xa9: {  	[dreg:$0x3] =	wrdreg s5  }
0xaa: {  	[dreg:$0x4] =	wrdreg $0xC0  }
0xab: {  	_ =	task [dreg:s7], $0x5FFFF  }
0xac: {  	[dreg:$0x1] =	wrdreg $0xFFFFFFFF  }
0xad: {  	[dreg:$0x0] =	wrdreg $0x60  }
0xae: {  	[dreg:$0x2] =	wrdreg s24  }
0xaf: {  	[dreg:$0x3] =	wrdreg s2  }
0xb0: {  	[dreg:$0x4] =	wrdreg $0x0  }
0xb1: {  	[dreg:$0x5] =	wrdreg $0x9  }
0xb2: {  	_ =	task.clear_ibuf [dreg:s7], $0x6FFFF;
	_ =	strace $0x90000046  }
0xb3: {  	s29 =	simm.s32 $0x9;
	_ =	strace $0x80000048  }
0xb4: {  	_ =	swait.ge [sflag:s29], $0x1  }
0xb5: {  	[sflag:s29] =	ssyncadd.s32 $0xFFFFFFFF  }
0xb6: {  	_ =	strace $0x90000048  }
0xb7: {  	_ =	sfence  }
0xb8: {  	s30 =	sld [smem:$0x0];
	_ =	sdelay $0x2  }
0xb9: {  	s31 =	sshll.u32 s1, $0xD;
	s1 =	sshrl.u32 s1, $0x2  }
0xba: {  	s3 =	sand.u32 $0x4000, s31;
	s1 =	sadd.s32 s1, s30  }
0xbb: {  	s0 =	sor.u32 s3, s0;
	s1 =	sshll.u32 s1, $0x11  }
0xbc: {  	s0 =	sor.u32 s1, s0  }
0xbd: {  	s0 =	sadd.s32 $0x8F2B, s0  }
0xbe: {  	[sflag:s0] =	ssyncadd.remote.s32 $0x1  }
0xbf: {  	_ =	sfence.sel $0xFFFF  }
0xc0: {  	[dreg:$0x0] =	wrdreg $0xFFFFFFFF;
	(pc) =	sbr.abs _section_cstart, $3  }
0xc1: {  	[dreg:$0x1] =	wrdreg $0xFFFFFFFF  }
0xc2: {  	_ =	task.clear_ibuf [dreg:s7], $0x2FFFF;
	_ =	strace $0x9FFFFFFF  }
0xc3: {  	(tm) =	ssettm $0x7FFFFFFF  }
tec
execute0_lowered:
.L_overlay_start_1:
0x0: {  	(tag) =	ssettag $0x1  }
0x1: {  	s10 =	rddreg [dreg:$0x0]  }
0x2: {  	s11 =	rddreg [dreg:$0x1]  }
0x3: {  	s2 =	rddreg [dreg:$0x2]  }
0x4: {  	s0 =	rddreg [dreg:$0x3]  }
0x5: {  	s1 =	stileid.u32;
	s4 =	srdreg.scid;
	s3 =	simm.s32 $0x0  }
0x6: {  	s14 =	simm.s32 $0x3;
	s15 =	simm.s32 $0x2870;
	s16 =	simm.s32 $0x1870  }
0x7: {  	s17 =	simm.s32 $0x1;
	s18 =	simm.s32 $0x800;
	s5 =	smul.u32 $0x58, s1  }
0x8: {  	s19 =	simm.s32 $0x2;
	s6 =	sand.u32 $0x1, s4;
	s4 =	smul.u32 $0x6C, s1  }
0x9: {  	s20 =	simm.s32 $0x0;
	[smem:$0x7FF] =	sst s3;
	s8 =	smul.u32 $0x1870, s1  }
0xa: {  	p0 =	seq.s32 s6, $0x0;
	_ =	strace $0x80000047;
	s7 =	ssub.s32 $0x2, s6  }
0xb: {  	s13 =	smul.u32 $0x18700, s6;
	s5 =	sadd.s32 $0x6C0, s5;
	s12 =	sshrl.u32 s7, $0x1  }
0xc: {  	s31 =	sshrl.u32 s8, $0x3;
	s5 =	smov.u32 @p0 s4;
	s12 =	ssub.s32 s7, s12  }
.Ltmp0:
0xd: {  	s6 =	sadd.s32 s10, s31;
	s7 =	simm.s32 $0x6B;
	(pc) =	sbr.rel .LBB2_1-.Ltmp0, $4  }
0xe: {  	s13 =	sadd.s32 s8, s13;
	s8 =	sadd.s32 s8, s2;
	s4 =	sshll.u32 s5, $0x8  }
0xf: {  	s5 =	sadd.s32 $0x3200, s10;
	s7 =	simm.s32 @!p0 $0x57;
	s13 =	sshrl.u32 s13, $0x3  }
0x10: {  	s12 =	smax.u32 s12, $0x1;
	s9 =	sadd.s32 s4, s10;
	s10 =	sadd.s32 $0xC3700, s10  }
0x11: {  	s11 =	sadd.s32 s11, s13;
	s13 =	simm.s32 $0x3070;
	s9 =	sadd.s32 $0xC3600, s9  }
.LBB2_8:
0x12: {  	[tilespmem:s23], [sflag:$0x1] =	stream.linear.gather [hbm4b:s22+s3], $0x800, $0x38;
	[tilespmem:$0x48F0] =	vst v63  }
.LBB2_9:
0x13: {  	[spmem:s2] =	stream.indirect.scatter.add.f32 [tilespmem:s15], [sflag:$0x2], $0x1, s21, s18, $0xb8;
	[tilespmem:$0x48F0] =	vst v63  }
0x14: {  	_ =	swait.ge [sflag:s19], $0x800  }
0x15: {  	[sflag:s19] =	ssyncset.done $0x0  }
0x16: {  	[sflag:s19] =	ssyncadd.s32 $0xFFFFF800  }
0x17: {  	[bflag:$0x0] =	sbarrier.arrive $0xFFFF  }
0x18: {  	[tilespmem:s13], [sflag:$0x3] =	stream.linear.gather [spmem:s8], $0x1870, $0x38;
	[tilespmem:$0x48F0] =	vst v63  }
0x19: {  	s20 =	sadd.s32 $0x1, s20;
	_ =	swait.ge [sflag:s14], $0x1870  }
0x1a: {  	p0 =	sne.s32 s20, s12;
	[sflag:s14] =	ssyncset.done $0x0  }
.Ltmp1:
0x1b: {  	[sflag:s14] =	ssyncadd.s32 $0xFFFFE790;
	(pc) =	sbr.rel @!p0 .LBB2_10-.Ltmp1, $4  }
0x1c: {  	[hbm4b:s11+s3] =	stream.linear.scatter [tilespmem:s13], [sflag:$0x3], $0x1870, $0x38;
	[tilespmem:$0x48F0] =	vst v63  }
0x1d: {  	_ =	swait.ge [sflag:s14], $0x1870  }
0x1e: {  	[sflag:s14] =	ssyncset.done $0x0  }
0x1f: {  	[sflag:s14] =	ssyncadd.s32 $0xFFFFE790  }
.LBB2_1:
0x20: {  	[tilespmem:s13], [sflag:$0x3] =	stream.linear.gather [hbm4b:s6+s3], $0x1870, $0x38;
	[tilespmem:$0x48F0] =	vst v63  }
0x21: {  	_ =	swait.ge [sflag:s14], $0x1870  }
0x22: {  	[sflag:s14] =	ssyncset.done $0x0  }
0x23: {  	[sflag:s14] =	ssyncadd.s32 $0xFFFFE790  }
0x24: {  	[spmem:s8] =	stream.linear.scatter [tilespmem:s13], [sflag:$0x3], $0x1870, $0x38;
	[tilespmem:$0x48F0] =	vst v63  }
0x25: {  	_ =	swait.ge [sflag:s14], $0x1870  }
0x26: {  	[sflag:s14] =	ssyncset.done $0x0  }
0x27: {  	[sflag:s14] =	ssyncadd.s32 $0xFFFFE790  }
0x28: {  	[tilespmem:s15], [sflag:$0x3] =	stream.linear.gather [hbm4b:s5+s3], $0x800, $0x38;
	[tilespmem:$0x48F0] =	vst v63  }
0x29: {  	_ =	swait.ge [sflag:s14], $0x800  }
0x2a: {  	s21 =	sadd.s32 s4, s10;
	[sflag:s14] =	ssyncset.done $0x0  }
0x2b: {  	s22 =	sand.u32 $0x1, s3;
	s23 =	sand.u32 $0x1FFFFE00, s4;
	[sflag:s14] =	ssyncadd.s32 $0xFFFFF800  }
0x2c: {  	p0 =	seq.s32 s22, $0x1;
	s22 =	sadd.s32 s23, s10;
	[bflag:$0x0] =	sbarrier.arrive $0xFFFF  }
0x2d: {  	[tilespmem:s16], [sflag:$0x1] =	stream.linear.gather [hbm4b:s9+s3], $0x800, $0x38;
	[tilespmem:$0x48F0] =	vst v63  }
0x2e: {  	s23 =	simm.s32 $0x1870;
	s22 =	smov.u32 @p0 s21;
	_ =	swait.ge [sflag:s17], $0x800  }
0x2f: {  	s23 =	simm.s32 @!p0 $0x2070;
	s21 =	simm.s32 $0x2070;
	[sflag:s17] =	ssyncset.done $0x0  }
0x30: {  	s21 =	simm.s32 @!p0 $0x1870;
	p0 =	sne.s32 s7, $0x1;
	[sflag:s17] =	ssyncadd.s32 $0xFFFFF800  }
0x31: {  	[tilespmem:s23], [sflag:$0x1] =	stream.linear.gather [hbm4b:s22+s3], $0x800, $0x38;
	[tilespmem:$0x48F0] =	vst v63  }
.Ltmp2:
0x32: {  	_ = 	snop;
	(pc) =	sbr.rel @!p0 .LBB2_3-.Ltmp2, $4  }
0x33: {  	_ = 	snop  }
0x34: {  	[spmem:s2] =	stream.indirect.scatter.add.f32 [tilespmem:s15], [sflag:$0x2], $0x1, s21, s18, $0xb8;
	[tilespmem:$0x48F0] =	vst v63  }
0x35: {  	_ =	swait.ge [sflag:s19], $0x800  }
0x36: {  	s22 =	smov.u32 s4;
	s21 =	simm.s32 $0x1;
	[sflag:s19] =	ssyncset.done $0x0  }
.LBB2_2:
0x37: {  	[sflag:s19] =	ssyncadd.s32 $0xFFFFF800;
	s22 =	sadd.s32 $0x100, s22  }
0x38: {  	s23 =	smov.u32 s21;
	s21 =	sadd.s32 $0x1, s21;
	s24 =	sadd.s32 s22, s10  }
0x39: {  	p0 =	sne.s32 s7, s21;
	s23 =	sand.u32 $0x1, s23;
	s25 =	sand.u32 $0x1FFFFE00, s22  }
0x3a: {  	_ =	swait.ge [sflag:s17], $0x800;
	p1 =	seq.s32 s23, $0x1;
	s23 =	sadd.s32 s25, s10  }
0x3b: {  	[sflag:s17] =	ssyncset.done $0x0;
	s23 =	smov.u32 @p1 s24;
	s24 =	simm.s32 $0x1870  }
0x3c: {  	[sflag:s17] =	ssyncadd.s32 $0xFFFFF800;
	s24 =	simm.s32 @!p1 $0x2070  }
0x3d: {  	[tilespmem:s24], [sflag:$0x1] =	stream.linear.gather [hbm4b:s23+s3], $0x800, $0x38;
	[tilespmem:$0x48F0] =	vst v63  }
.Ltmp3:
0x3e: {  	s23 =	simm.s32 $0x2070;
	(pc) =	sbr.rel @p0 .LBB2_2-.Ltmp3, $4  }
0x3f: {  	s23 =	simm.s32 @!p1 $0x1870  }
0x40: {  	[spmem:s2] =	stream.indirect.scatter.add.f32 [tilespmem:s15], [sflag:$0x2], $0x1, s23, s18, $0xb8;
	[tilespmem:$0x48F0] =	vst v63  }
0x41: {  	_ =	swait.ge [sflag:s19], $0x800  }
0x42: {  	[sflag:s19] =	ssyncset.done $0x0  }
.LBB2_3:
0x43: {  	s23 =	sand.u32 $0x1, s21  }
0x44: {  	p1 =	seq.s32 s23, $0x1  }
.Ltmp4:
0x45: {  	_ = 	snop;
	(pc) =	sbr.rel @!p1 .LBB2_4-.Ltmp4, $4  }
0x46: {  	[sflag:s19] =	ssyncadd.s32 $0xFFFFF800  }
0x47: {  	_ =	swait.ge [sflag:s17], $0x800  }
0x48: {  	[sflag:s17] =	ssyncset.done $0x0  }
0x49: {  	s22 =	sadd.s32 $0x100, s22;
	p0 =	sge.u32 s21, s7;
	[sflag:s17] =	ssyncadd.s32 $0xFFFFF800  }
.Ltmp5:
0x4a: {  	(pc) =	sbr.rel @p0 .LBB2_9-.Ltmp5, $2  }
0x4b: {  	_ =	sdelay $0x2  }
0x4c: {  	s21 =	simm.s32 $0x2070  }
.Ltmp6:
0x4d: {  	(pc) =	sbr.rel .LBB2_8-.Ltmp6, $2  }
0x4e: {  	_ =	sdelay $0x2  }
0x4f: {  	s22 =	sadd.s32 s22, s10;
	s21 =	simm.s32 $0x2070;
	s23 =	simm.s32 $0x1870  }
.LBB2_4:
.Ltmp7:
0x50: {  	(pc) =	sbr.rel @p0 .LBB2_9-.Ltmp7, $2  }
0x51: {  	_ =	sdelay $0x2  }
0x52: {  	s21 =	simm.s32 $0x1870  }
.Ltmp8:
0x53: {  	(pc) =	sbr.rel .LBB2_8-.Ltmp8, $3  }
0x54: {  	_ =	sdelay $0x1  }
0x55: {  	s21 =	sand.u32 $0x1FFFFE00, s22  }
0x56: {  	s23 =	simm.s32 $0x2070;
	s22 =	sadd.s32 s21, s10;
	s21 =	simm.s32 $0x1870  }
.LBB2_10:
0x57: {  	_ =	sfence.sel $0x180000  }
0x58: {  	[bflag:$0x0] =	sbarrier.arrive $0xFFFF  }
0x59: {  	p0 =	sne.s32 s1, $0x0;
	_ =	strace $0x90000047  }
0x5a: {  	s0 =	sadd.s32 @!p0 $0x100000, s0;
	[bflag:$0x2] =	sbarrier.arrive $0xFFFF  }
0x5b: {  	[sflag:s0] =	ssyncadd.tile.s32 @!p0 $0x1;
	_ =	shalt  }
.Lfunc_end2:
_tile_overlayer_lowered:
.L_overlay_start_2:
0x5c: {  	(tag) =	ssettag $0x2  }
0x5d: {  	s0 =	rddreg [dreg:$0x0];
	s2 =	stileid.u32  }
0x5e: {  	s1 =	rddreg [dreg:$0x1];
	p0 =	sne.s32 s2, $0x0  }
0x5f: {  	s3 =	rddreg [dreg:$0x2];
	[bflag:$0x3] =	sbarrier.arrive $0xFFFF;
	s2 =	simm.s32 @!p0 $0x1C03  }
0x60: {  	[timem:s3], [sflag:s2] =	dma.local @!p0 [hbm:s0], s1  }
0x61: {  	s0 =	simm.s32 @!p0 $0x3  }
0x62: {  	_ =	swait.ge @!p0 [sflag:s0], s1  }
0x63: {  	s1 =	ssub.s32 @!p0 $0x0, s1;
	[sflag:s0] =	ssyncset.done @!p0 $0x0  }
0x64: {  	[sflag:s0] =	ssyncadd.s32 @!p0 s1  }
0x65: {  	[bflag:$0x3] =	sbarrier.arrive $0xFFFF  }
0x66: {  	_ =	shalt  }

// kernel: kernel.8.cloned.1.call-start
scs
__scs_entry_jumppad:
0x0: {  	(pc) =	sbr.rel $0x88, $3  }
0x1: {  	(tag) =	ssettag $0x0;
	lr =	simm.s32 $0x1  }
0x2: {  	[smem:$0x3F9B] =	sst lr;
	_ =	strace $0xD0000000  }
0x3: {  	_ = 	snop  }
0x4: {  	_ = 	snop  }
0x5: {  	_ = 	snop  }
0x6: {  	_ = 	snop  }
0x7: {  	_ = 	snop  }
__scs_overlays_trampoline_lowered:
0x8: {  	[smem:$0x3FAA] =	sst s0  }
0x9: {  	[smem:$0x3FAB] =	sst s1  }
0xa: {  	[smem:$0x3FAC] =	sst s2  }
0xb: {  	[smem:$0x3FAD] =	sst s3  }
0xc: {  	[smem:$0x3FAE] =	sst s4  }
0xd: {  	[smem:$0x3FAF] =	sst s5  }
0xe: {  	[smem:$0x3FB0] =	sst s6  }
0xf: {  	[smem:$0x3FB1] =	sst s7  }
0x10: {  	[smem:$0x3FB2] =	sst s8  }
0x11: {  	[smem:$0x3FB3] =	sst s9;
	s0 =	simm.s32 @!p0 $0x0  }
0x12: {  	s1 =	sld [smem:$0x3F99];
	s0 =	simm.s32 @p0 $0x1  }
0x13: {  	[smem:$0x3FB4] =	sst s0;
	s0 =	simm.s32 @!p1 $0x0  }
0x14: {  	s2 =	sld [smem:$0x3F98];
	s0 =	simm.s32 @p1 $0x1  }
0x15: {  	[smem:$0x3FB5] =	sst s0;
	s0 =	simm.s32 @!p2 $0x0  }
0x16: {  	s3 =	sld [smem:$0x3FDB];
	s0 =	simm.s32 @p2 $0x1  }
0x17: {  	s4 =	simm.s32 $0x1BF5;
	[smem:$0x3FB7] =	sst s0  }
0x18: {  	s0 =	sld [smem:$0x3F9A];
	_ =	swait.ge [sflag:s4], $0x0  }
0x19: {  	s7 =	sld [smem:$0x3F9B]  }
0x1a: {  	s8 =	sadd.s32 $0xFFFFE003, lr  }
0x1b: {  	s9 =	sadd.s32 $0xFFFFFEF7, lr;
	s5 =	simm.s32 $0xFFFFFFFF;
	p2 =	slt.u32 s8, $0xFFFFF086  }
0x1c: {  	p1 =	slt.u32 s9, $0xF7A;
	s5 =	simm.s32 @!p2 $0x0  }
0x1d: {  	s5 =	simm.s32 @p1 $0x1;
	p0 =	seq.s32 s7, s2  }
0x1e: {  	s7 =	smul.u32 @!p0 $0xF7A, s2;
	p2 =	seq.s32 @!p0 s5, $0x0  }
0x1f: {  	s9 =	smul.u32 $0xF7A, s1;
	s8 =	simm.s32 @!p0 $0x1BF5;
	p2 =	por !p2, p0  }
0x20: {  	[sflag:s8] =	ssyncset.s32 @!p0 $0xFFFFF086;
	s6 =	sadd.s32 @!p0 s3, s7;
	s7 =	simm.s32 @!p0 $0x108  }
0x21: {  	s3 =	sadd.s32 s3, s9;
	s6 =	sadd.s32 @!p0 $0x88, s6;
	s7 =	simm.s32 @p2 $0x1082  }
0x22: {  	[simem:s7], [sflag:s8] =	dma.local @!p0 [hbm:s6], $0xF7A  }
0x23: {  	s9 =	sor.u32 $0xD0000000, s2;
	s6 =	simm.s32 $0x108;
	_ =	swait.ge @!p0 [sflag:s8], $0x0  }
0x24: {  	s3 =	sadd.s32 $0x88, s3;
	s6 =	simm.s32 @!p1 $0x1082;
	[sflag:s4] =	ssyncset.s32 $0xFFFFF086  }
0x25: {  	[simem:s6], [sflag:s4] =	dma.local [hbm:s3], $0xF7A  }
0x26: {  	[smem:$0x3F9B] =	sst s1;
	(tag) =	ssettag s2;
	_ =	strace s9  }
0x27: {  	s1 =	sld [smem:$0x3FAB]  }
0x28: {  	s2 =	sld [smem:$0x3FAC]  }
0x29: {  	s4 =	sld [smem:$0x3FAE]  }
0x2a: {  	p0 =	seq.s32 s5, $0x0;
	s5 =	sld [smem:$0x3FAF]  }
0x2b: {  	s6 =	sld [smem:$0x3FB0]  }
0x2c: {  	s7 =	sld [smem:$0x3FB1]  }
0x2d: {  	s3 =	simm.s32 $0x108;
	s8 =	sld [smem:$0x3FB2]  }
0x2e: {  	s3 =	simm.s32 @!p0 $0x1082;
	s9 =	sld [smem:$0x3FB3]  }
0x2f: {  	lr =	sadd.s32 s0, s3;
	s0 =	sld [smem:$0x3FAA]  }
0x30: {  	s3 =	sld [smem:$0x3FAD]  }
0x31: {  	[smem:$0x3FB6] =	sst s10  }
0x32: {  	s10 =	sld [smem:$0x3FB4];
	_ =	sdelay $0x3  }
0x33: {  	p0 =	seq.s32 s10, $0x1;
	s10 =	sld [smem:$0x3FB6];
	_ =	sdelay $0x3  }
0x34: {  	[smem:$0x3FB6] =	sst s10  }
0x35: {  	s10 =	sld [smem:$0x3FB5];
	_ =	sdelay $0x3  }
0x36: {  	p1 =	seq.s32 s10, $0x1;
	s10 =	sld [smem:$0x3FB6];
	_ =	sdelay $0x3  }
0x37: {  	[smem:$0x3FB6] =	sst s10  }
0x38: {  	s10 =	sld [smem:$0x3FB7]  }
0x39: {  	_ = 	snop;
	(pc) =	sbr.ind lr, $3  }
0x3a: {  	_ = 	snop  }
0x3b: {  	_ = 	snop  }
0x3c: {  	p2 =	seq.s32 s10, $0x1;
	s10 =	sld [smem:$0x3FB6]  }
0x3d: {  	_ =	shalt  }
0x3e: {  	_ =	shalt  }
0x3f: {  	_ =	shalt  }
0x40: {  	_ =	shalt  }
0x41: {  	_ =	shalt  }
0x42: {  	_ =	shalt  }
0x43: {  	_ =	shalt  }
0x44: {  	_ =	shalt  }
0x45: {  	_ =	shalt  }
0x46: {  	_ =	shalt  }
0x47: {  	_ =	shalt  }
0x48: {  	_ =	shalt  }
0x49: {  	_ =	shalt  }
0x4a: {  	_ =	shalt  }
0x4b: {  	_ =	shalt  }
0x4c: {  	_ =	shalt  }
0x4d: {  	_ =	shalt  }
0x4e: {  	_ =	shalt  }
0x4f: {  	_ =	shalt  }
0x50: {  	_ =	shalt  }
0x51: {  	_ =	shalt  }
0x52: {  	_ =	shalt  }
0x53: {  	_ =	shalt  }
0x54: {  	_ =	shalt  }
0x55: {  	_ =	shalt  }
0x56: {  	_ =	shalt  }
0x57: {  	_ =	shalt  }
0x58: {  	_ =	shalt  }
0x59: {  	_ =	shalt  }
0x5a: {  	_ =	shalt  }
0x5b: {  	_ =	shalt  }
0x5c: {  	_ =	shalt  }
0x5d: {  	_ =	shalt  }
0x5e: {  	_ =	shalt  }
0x5f: {  	_ =	shalt  }
0x60: {  	_ =	shalt  }
0x61: {  	_ =	shalt  }
0x62: {  	_ =	shalt  }
0x63: {  	_ =	shalt  }
0x64: {  	_ =	shalt  }
0x65: {  	_ =	shalt  }
0x66: {  	_ =	shalt  }
0x67: {  	_ =	shalt  }
0x68: {  	_ =	shalt  }
0x69: {  	_ =	shalt  }
0x6a: {  	_ =	shalt  }
0x6b: {  	_ =	shalt  }
0x6c: {  	_ =	shalt  }
0x6d: {  	_ =	shalt  }
0x6e: {  	_ =	shalt  }
0x6f: {  	_ =	shalt  }
0x70: {  	_ =	shalt  }
0x71: {  	_ =	shalt  }
0x72: {  	_ =	shalt  }
0x73: {  	_ =	shalt  }
0x74: {  	_ =	shalt  }
0x75: {  	_ =	shalt  }
0x76: {  	_ =	shalt  }
0x77: {  	_ =	shalt  }
0x78: {  	_ =	shalt  }
0x79: {  	_ =	shalt  }
0x7a: {  	_ =	shalt  }
0x7b: {  	_ =	shalt  }
0x7c: {  	_ =	shalt  }
0x7d: {  	_ =	shalt  }
0x7e: {  	_ =	shalt  }
0x7f: {  	_ =	shalt  }
0x80: {  	_ =	shalt  }
0x81: {  	_ =	shalt  }
0x82: {  	_ =	shalt  }
0x83: {  	_ =	shalt  }
0x84: {  	_ =	shalt  }
0x85: {  	_ =	shalt  }
0x86: {  	_ =	shalt  }
0x87: {  	_ =	shalt  }
.Lfunc_end0:
.L_simem_size_0:
called_computation.1_lowered:
.L_overlay_start_0:
0x88: {  	s2 =	sld [smem:$0x3FD9]  }
0x89: {  	s3 =	sld [smem:$0x3FFE];
	_ =	sdelay $0x1  }
0x8a: {  	s1 =	srdreg.scid  }
0x8b: {  	s0 =	sand.u32 $0x1, s1  }
0x8c: {  	s17 =	sshll.u32 s0, $0xA;
	s2 =	sadd.s32 s3, s2  }
0x8d: {  	s2 =	sadd.s32 s2, s17  }
0x8e: {  	[smem:$0x3FC2] =	sst s2  }
0x8f: {  	_ = 	snop  }
0x90: {  	s2 =	sld [smem:$0x3FD0];
	(tm) =	ssettm $0x1  }
0x91: {  	s18 =	sld [smem:$0x3FFB];
	_ =	sdelay $0x3  }
0x92: {  	_ =	strace s18  }
0x93: {  	s3 =	sld [smem:$0x3FFC];
	_ =	sdelay $0x3  }
0x94: {  	_ =	strace s3  }
0x95: {  	s3 =	sld [smem:$0x3FFD];
	_ =	sdelay $0x3  }
0x96: {  	_ =	strace s3  }
0x97: {  	_ =	strace $0x8FFFFFFF  }
0x98: {  	s19 =	sld [smem:$0x3FDB];
	_ =	sdelay $0x1  }
0x99: {  	s4 =	simm.s32 $_scs_section_size  }
0x9a: {  	s5 =	simm.s32 $_size__tile_overlayer_lowered;
	s6 =	simm.s32 $_tile_overlayer_lowered  }
0x9b: {  	s22 =	simm.s32 $0x1BFF;
	s21 =	sshll.u32 s6, $0x1;
	s3 =	sadd.s32 s4, s19  }
0x9c: {  	s7 =	simm.s32 $0x0;
	s20 =	sshll.u32 s5, $0x1;
	s5 =	sadd.s32 s21, s3  }
0x9d: {  	[timem:s7], [sflag:s22] =	dma.local [hbm:s5], s20  }
0x9e: {  	_ =	swait.ge [sflag:s22], s20  }
0x9f: {  	s4 =	ssub.s32 $0x0, s20;
	[sflag:s22] =	ssyncset.done $0x0  }
0xa0: {  	[sflag:s22] =	ssyncadd.s32 s4;
	_ =	sdelay $0x1  }
0xa1: {  	s23 =	simm.s32 $0x1B8B  }
0xa2: {  	_ =	swait.ge [sflag:s23], $0x1  }
0xa3: {  	[sflag:s23] =	ssyncset.done $0x0  }
0xa4: {  	s25 =	simm.s32 $0x1B8E;
	s24 =	sld [smem:$0x3FFE];
	[sflag:s23] =	ssyncadd.s32 $0xFFFFFFFF  }
0xa5: {  	s26 =	simm.s32 $execute0_lowered;
	[smem:$0x3FD2] =	sst s25  }
0xa6: {  	s5 =	sshll.u32 s26, $0x1;
	_ =	strace $0x80000049;
	[dreg:$0x1] =	wrdreg $0xFFFFFFFF  }
0xa7: {  	s28 =	simm.s32 $_size_execute0_lowered;
	s3 =	sadd.s32 s3, s5;
	[dreg:$0x0] =	wrdreg $0x0  }
0xa8: {  	s5 =	sshll.u32 s28, $0x1;
	[dreg:$0x2] =	wrdreg s3  }
0xa9: {  	[dreg:$0x3] =	wrdreg s5  }
0xaa: {  	[dreg:$0x4] =	wrdreg $0xC0  }
0xab: {  	_ =	task [dreg:s7], $0x5FFFF  }
0xac: {  	[dreg:$0x1] =	wrdreg $0xFFFFFFFF  }
0xad: {  	[dreg:$0x0] =	wrdreg $0x60  }
0xae: {  	[dreg:$0x2] =	wrdreg s24  }
0xaf: {  	[dreg:$0x3] =	wrdreg s2  }
0xb0: {  	[dreg:$0x4] =	wrdreg $0x30E00  }
0xb1: {  	[dreg:$0x5] =	wrdreg $0x49500  }
0xb2: {  	[dreg:$0x6] =	wrdreg $0x0  }
0xb3: {  	[dreg:$0x7] =	wrdreg $0x18700  }
0xb4: {  	[dreg:$0x8] =	wrdreg $0x9  }
0xb5: {  	_ =	task.clear_ibuf [dreg:s7], $0x9FFFF;
	_ =	strace $0x90000049  }
0xb6: {  	s29 =	simm.s32 $0x9;
	_ =	strace $0x8000004B  }
0xb7: {  	_ =	swait.ge [sflag:s29], $0x1  }
0xb8: {  	[sflag:s29] =	ssyncadd.s32 $0xFFFFFFFF  }
0xb9: {  	_ =	strace $0x9000004B  }
0xba: {  	_ =	sfence  }
0xbb: {  	s30 =	sld [smem:$0x0];
	_ =	sdelay $0x2  }
0xbc: {  	s31 =	sshll.u32 s1, $0xD;
	s1 =	sshrl.u32 s1, $0x2  }
0xbd: {  	s3 =	sand.u32 $0x4000, s31;
	s1 =	sadd.s32 s1, s30  }
0xbe: {  	s0 =	sor.u32 s3, s0;
	s1 =	sshll.u32 s1, $0x11  }
0xbf: {  	s0 =	sor.u32 s1, s0  }
0xc0: {  	s0 =	sadd.s32 $0x8F2B, s0  }
0xc1: {  	[sflag:s0] =	ssyncadd.remote.s32 $0x1  }
0xc2: {  	_ =	sfence.sel $0xFFFF  }
0xc3: {  	[dreg:$0x0] =	wrdreg $0xFFFFFFFF;
	(pc) =	sbr.abs _section_cstart, $3  }
0xc4: {  	[dreg:$0x1] =	wrdreg $0xFFFFFFFF  }
0xc5: {  	_ =	task.clear_ibuf [dreg:s7], $0x2FFFF;
	_ =	strace $0x9FFFFFFF  }
0xc6: {  	(tm) =	ssettm $0x7FFFFFFF  }
0xc7: {  	_ =	shalt  }
tec
execute0_lowered:
.L_overlay_start_1:
0x0: {  	(tag) =	ssettag $0x1  }
0x1: {  	s0 =	rddreg [dreg:$0x0]  }
0x2: {  	s3 =	rddreg [dreg:$0x1]  }
0x3: {  	s1 =	rddreg [dreg:$0x2]  }
0x4: {  	s2 =	rddreg [dreg:$0x3]  }
0x5: {  	s4 =	rddreg [dreg:$0x4]  }
0x6: {  	s6 =	srdreg.scid;
	s16 =	stileid.u32  }
0x7: {  	s5 =	rddreg [dreg:$0x5];
	s28 =	simm.s32 $0x1;
	s14 =	smul.u32 $0x1870, s16  }
0x8: {  	s29 =	simm.s32 $0x800;
	s30 =	simm.s32 $0x81C0;
	s20 =	smul.u32 $0x5A, s16  }
0x9: {  	s31 =	simm.s32 $0x89C0;
	s12 =	sand.u32 $0x1, s6;
	s16 =	smul.u32 $0x6A, s16  }
0xa: {  	s6 =	simm.s32 $0x0;
	s7 =	sadd.s32 $0x187600, s0;
	s8 =	smul.u32 $0x18700, s12  }
0xb: {  	[smem:$0x7FF] =	sst s6;
	s19 =	ssub.s32 $0x2, s12;
	p0 =	seq.s32 s12, $0x0  }
0xc: {  	_ =	strace $0x8000004A;
	s10 =	sshrl.u32 s19, $0x1;
	s11 =	sshrl.u32 s14, $0x3  }
0xd: {  	s22 =	sadd.s32 s14, s4;
	s24 =	sadd.s32 s14, s5;
	s9 =	sadd.s32 s14, s8  }
0xe: {  	s8 =	sadd.s32 $0xC3600, s0;
	s21 =	ssub.s32 s19, s10;
	[dreg:$0x8] =	wrdreg s22  }
0xf: {  	s10 =	sadd.s32 s14, s1;
	[dreg:$0xa] =	wrdreg s24;
	s24 =	simm.s32 $0x4  }
0x10: {  	s15 =	sshrl.u32 s9, $0x3;
	s9 =	sadd.s32 s0, s11;
	s11 =	sadd.s32 s14, s2  }
0x11: {  	s21 =	smax.u32 s21, $0x1;
	s17 =	sadd.s32 s15, s0;
	s18 =	sadd.s32 $0x3200, s9  }
0x12: {  	s0 =	sadd.s32 $0x6A0, s20;
	s23 =	sadd.s32 $0x6400, s9;
	[dreg:$0x7] =	wrdreg s18  }
0x13: {  	s3 =	sadd.s32 s3, s15;
	[dreg:$0x9] =	wrdreg s23;
	s0 =	smov.u32 @p0 s16  }
.Ltmp0:
0x14: {  	s16 =	simm.s32 $0x69;
	[dreg:$0xd] =	wrdreg s3;
	(pc) =	sbr.rel .LBB2_1-.Ltmp0, $4  }
0x15: {  	s20 =	sadd.s32 $0x9600, s17;
	s23 =	simm.s32 $0x91C0;
	s0 =	sshll.u32 s0, $0x8  }
0x16: {  	s3 =	simm.s32 $0x2;
	s16 =	simm.s32 @!p0 $0x59;
	s25 =	sadd.s32 s7, s0  }
0x17: {  	s26 =	sadd.s32 s8, s0;
	s22 =	sor.u32 $0x100, s0;
	[dreg:$0xb] =	wrdreg s25  }
0x18: {  	s0 =	simm.s32 $0x3;
	[dreg:$0xc] =	wrdreg s26;
	s25 =	simm.s32 $0x0  }
.LBB2_9:
0x19: {  	s12 =	sand.u32 $0x1FFFFE00, s13;
	s26 =	simm.s32 $0x61C0;
	s15 =	simm.s32 $0x79C0  }
0x1a: {  	s17 =	simm.s32 $0x69C0;
	s14 =	sor.u32 $0x100, s12;
	s12 =	simm.s32 $0x71C0  }
.LBB2_12:
0x1b: {  	s18 =	sadd.s32 s7, s14  }
0x1c: {  	[tilespmem:s17], [sflag:$0x1] =	stream.linear.gather [hbm4b:s18+s6], $0x800, $0x38;
	[tilespmem:$0xAA40] =	vst v63  }
0x1d: {  	s19 =	sadd.s32 s8, s14  }
0x1e: {  	[tilespmem:s15], [sflag:$0x1] =	stream.linear.gather [hbm4b:s19+s6], $0x800, $0x38;
	[tilespmem:$0xAA40] =	vst v63  }
.LBB2_13:
0x1f: {  	[tilespmem:s30], [sflag:$0x2] =	stream.indirect.gather [spmem:s4], $0x1, s26, s29, $0xb8;
	[tilespmem:$0xAA40] =	vst v63  }
0x20: {  	_ = 	snop  }
0x21: {  	[tilespmem:s31], [sflag:$0x2] =	stream.indirect.gather [spmem:s5], $0x1, s26, s29, $0xb8;
	[tilespmem:$0xAA40] =	vst v63  }
0x22: {  	_ =	swait.ge [sflag:s3], $0x800  }
0x23: {  	[sflag:s3] =	ssyncset.done $0x0  }
0x24: {  	[sflag:s3] =	ssyncadd.s32 $0xFFFFF800  }
0x25: {  	_ =	swait.ge [sflag:s3], $0x800  }
0x26: {  	[sflag:s3] =	ssyncset.done $0x0  }
0x27: {  	[sflag:s3] =	ssyncadd.s32 $0xFFFFF800  }
0x28: {  	[spmem:s1] =	stream.indirect.scatter.add.f32 [tilespmem:s30], [sflag:$0x3], $0x1, s12, s29, $0xb8;
	[tilespmem:$0xAA40] =	vst v63  }
0x29: {  	_ = 	snop  }
0x2a: {  	[spmem:s2] =	stream.indirect.scatter.add.f32 [tilespmem:s31], [sflag:$0x3], $0x1, s12, s29, $0xb8;
	[tilespmem:$0xAA40] =	vst v63  }
0x2b: {  	_ =	swait.ge [sflag:s0], $0x800  }
0x2c: {  	[sflag:s0] =	ssyncset.done $0x0  }
0x2d: {  	[sflag:s0] =	ssyncadd.s32 $0xFFFFF800  }
0x2e: {  	_ =	swait.ge [sflag:s0], $0x800  }
0x2f: {  	[sflag:s0] =	ssyncset.done $0x0  }
0x30: {  	[sflag:s0] =	ssyncadd.s32 $0xFFFFF800  }
0x31: {  	[bflag:$0x0] =	sbarrier.arrive $0xFFFF  }
0x32: {  	[tilespmem:s23], [sflag:$0x4] =	stream.linear.gather [spmem:s10], $0x1870, $0x38;
	[tilespmem:$0xAA40] =	vst v63  }
0x33: {  	_ =	swait.ge [sflag:s24], $0x1870  }
0x34: {  	[sflag:s24] =	ssyncset.done $0x0  }
0x35: {  	s26 =	rddreg [dreg:$0xd];
	[sflag:s24] =	ssyncadd.s32 $0xFFFFE790  }
0x36: {  	[hbm4b:s26+s6] =	stream.linear.scatter [tilespmem:s23], [sflag:$0x4], $0x1870, $0x38;
	[tilespmem:$0xAA40] =	vst v63  }
0x37: {  	_ =	swait.ge [sflag:s24], $0x1870  }
0x38: {  	[sflag:s24] =	ssyncset.done $0x0  }
0x39: {  	[sflag:s24] =	ssyncadd.s32 $0xFFFFE790  }
0x3a: {  	[tilespmem:s23], [sflag:$0x4] =	stream.linear.gather [spmem:s11], $0x1870, $0x38;
	[tilespmem:$0xAA40] =	vst v63  }
0x3b: {  	s25 =	sadd.s32 $0x1, s25;
	_ =	swait.ge [sflag:s24], $0x1870  }
0x3c: {  	p0 =	sne.s32 s25, s21;
	[sflag:s24] =	ssyncset.done $0x0  }
.Ltmp1:
0x3d: {  	[sflag:s24] =	ssyncadd.s32 $0xFFFFE790;
	(pc) =	sbr.rel @!p0 .LBB2_14-.Ltmp1, $4  }
0x3e: {  	[hbm4b:s20+s6] =	stream.linear.scatter [tilespmem:s23], [sflag:$0x4], $0x1870, $0x38;
	[tilespmem:$0xAA40] =	vst v63  }
0x3f: {  	_ =	swait.ge [sflag:s24], $0x1870  }
0x40: {  	[sflag:s24] =	ssyncset.done $0x0  }
0x41: {  	[sflag:s24] =	ssyncadd.s32 $0xFFFFE790  }
.LBB2_1:
0x42: {  	[tilespmem:s23], [sflag:$0x4] =	stream.linear.gather [hbm4b:s9+s6], $0x1870, $0x38;
	[tilespmem:$0xAA40] =	vst v63  }
0x43: {  	_ =	swait.ge [sflag:s24], $0x1870  }
0x44: {  	[sflag:s24] =	ssyncset.done $0x0  }
0x45: {  	[sflag:s24] =	ssyncadd.s32 $0xFFFFE790  }
0x46: {  	[spmem:s10] =	stream.linear.scatter [tilespmem:s23], [sflag:$0x4], $0x1870, $0x38;
	[tilespmem:$0xAA40] =	vst v63  }
0x47: {  	_ =	swait.ge [sflag:s24], $0x1870  }
0x48: {  	[sflag:s24] =	ssyncset.done $0x0  }
0x49: {  	[sflag:s24] =	ssyncadd.s32 $0xFFFFE790  }
0x4a: {  	[spmem:s11] =	stream.linear.scatter [tilespmem:s23], [sflag:$0x4], $0x1870, $0x38;
	[tilespmem:$0xAA40] =	vst v63  }
0x4b: {  	_ =	swait.ge [sflag:s24], $0x1870  }
0x4c: {  	[sflag:s24] =	ssyncset.done $0x0  }
0x4d: {  	s12 =	rddreg [dreg:$0x7];
	[sflag:s24] =	ssyncadd.s32 $0xFFFFE790  }
0x4e: {  	[tilespmem:s23], [sflag:$0x4] =	stream.linear.gather [hbm4b:s12+s6], $0x1870, $0x38;
	[tilespmem:$0xAA40] =	vst v63  }
0x4f: {  	_ =	swait.ge [sflag:s24], $0x1870  }
0x50: {  	[sflag:s24] =	ssyncset.done $0x0  }
0x51: {  	s14 =	rddreg [dreg:$0x8];
	[sflag:s24] =	ssyncadd.s32 $0xFFFFE790  }
0x52: {  	[spmem:s14] =	stream.linear.scatter [tilespmem:s23], [sflag:$0x4], $0x1870, $0x38;
	[tilespmem:$0xAA40] =	vst v63  }
0x53: {  	_ =	swait.ge [sflag:s24], $0x1870  }
0x54: {  	[sflag:s24] =	ssyncset.done $0x0  }
0x55: {  	s15 =	rddreg [dreg:$0x9];
	[sflag:s24] =	ssyncadd.s32 $0xFFFFE790  }
0x56: {  	[tilespmem:s23], [sflag:$0x4] =	stream.linear.gather [hbm4b:s15+s6], $0x1870, $0x38;
	[tilespmem:$0xAA40] =	vst v63  }
0x57: {  	_ =	swait.ge [sflag:s24], $0x1870  }
0x58: {  	[sflag:s24] =	ssyncset.done $0x0  }
0x59: {  	s17 =	rddreg [dreg:$0xa];
	[sflag:s24] =	ssyncadd.s32 $0xFFFFE790  }
0x5a: {  	[spmem:s17] =	stream.linear.scatter [tilespmem:s23], [sflag:$0x4], $0x1870, $0x38;
	[tilespmem:$0xAA40] =	vst v63  }
0x5b: {  	_ =	swait.ge [sflag:s24], $0x1870  }
0x5c: {  	[sflag:s24] =	ssyncset.done $0x0  }
0x5d: {  	p1 =	sne.s32 s16, $0x1;
	[sflag:s24] =	ssyncadd.s32 $0xFFFFE790  }
.Ltmp2:
0x5e: {  	[bflag:$0x0] =	sbarrier.arrive $0xFFFF;
	(pc) =	sbr.rel @!p1 .LBB2_2-.Ltmp2, $4  }
0x5f: {  	s26 =	simm.s32 $0x71C0;
	s14 =	simm.s32 $0x61C0;
	s18 =	rddreg [dreg:$0xb]  }
0x60: {  	[tilespmem:s14], [sflag:$0x1] =	stream.linear.gather [hbm4b:s18+s6], $0x800, $0x38;
	[tilespmem:$0xAA40] =	vst v63  }
0x61: {  	p0 =	por $0x0, $0x0;
	s19 =	rddreg [dreg:$0xc];
	s14 =	simm.s32 $0x1  }
0x62: {  	[tilespmem:s26], [sflag:$0x1] =	stream.linear.gather [hbm4b:s19+s6], $0x800, $0x38;
	[tilespmem:$0xAA40] =	vst v63  }
0x63: {  	s12 =	sand.u32 $0x1, s6  }
0x64: {  	_ =	swait.ge [sflag:s28], $0x800;
	p0 =	seq.s32 s12, $0x1  }
0x65: {  	[sflag:s28] =	ssyncset.done $0x0;
	s12 =	sadd.s32 @!p0 $0xFFFFFF00, s22  }
0x66: {  	[sflag:s28] =	ssyncadd.s32 $0xFFFFF800;
	s12 =	sand.u32 @!p0 $0x1FFFFE00, s12  }
0x67: {  	s15 =	simm.s32 @!p0 $0x69C0;
	_ =	swait.ge [sflag:s28], $0x800;
	s12 =	sor.u32 @!p0 $0x100, s12  }
0x68: {  	s17 =	simm.s32 @!p0 $0x79C0;
	[sflag:s28] =	ssyncset.done $0x0;
	s12 =	smov.u32 @p0 s22  }
0x69: {  	s15 =	simm.s32 @p0 $0x61C0;
	[sflag:s28] =	ssyncadd.s32 $0xFFFFF800;
	s26 =	sadd.s32 s7, s12  }
0x6a: {  	[tilespmem:s15], [sflag:$0x1] =	stream.linear.gather [hbm4b:s26+s6], $0x800, $0x38;
	[tilespmem:$0xAA40] =	vst v63  }
0x6b: {  	s17 =	simm.s32 @p0 $0x71C0;
	s12 =	sadd.s32 s8, s12;
	s15 =	simm.s32 @!p0 $0x61C0  }
0x6c: {  	[tilespmem:s17], [sflag:$0x1] =	stream.linear.gather [hbm4b:s12+s6], $0x800, $0x38;
	[tilespmem:$0xAA40] =	vst v63  }
0x6d: {  	s15 =	simm.s32 @p0 $0x69C0  }
0x6e: {  	[tilespmem:s30], [sflag:$0x2] =	stream.indirect.gather [spmem:s4], $0x1, s15, s29, $0xb8;
	[tilespmem:$0xAA40] =	vst v63  }
0x6f: {  	_ = 	snop  }
0x70: {  	[tilespmem:s31], [sflag:$0x2] =	stream.indirect.gather [spmem:s5], $0x1, s15, s29, $0xb8;
	[tilespmem:$0xAA40] =	vst v63  }
0x71: {  	_ =	swait.ge [sflag:s3], $0x800  }
0x72: {  	[sflag:s3] =	ssyncset.done $0x0  }
0x73: {  	[sflag:s3] =	ssyncadd.s32 $0xFFFFF800  }
0x74: {  	_ =	swait.ge [sflag:s3], $0x800  }
0x75: {  	s12 =	simm.s32 @!p0 $0x71C0;
	[sflag:s3] =	ssyncset.done $0x0  }
0x76: {  	s12 =	simm.s32 @p0 $0x79C0;
	[sflag:s3] =	ssyncadd.s32 $0xFFFFF800  }
0x77: {  	[spmem:s1] =	stream.indirect.scatter.add.f32 [tilespmem:s30], [sflag:$0x3], $0x1, s12, s29, $0xb8;
	[tilespmem:$0xAA40] =	vst v63  }
0x78: {  	p1 =	sne.s32 s16, $0x2  }
0x79: {  	[spmem:s2] =	stream.indirect.scatter.add.f32 [tilespmem:s31], [sflag:$0x3], $0x1, s12, s29, $0xb8;
	[tilespmem:$0xAA40] =	vst v63  }
.Ltmp3:
0x7a: {  	_ =	swait.ge [sflag:s0], $0x800;
	(pc) =	sbr.rel @!p1 .LBB2_6-.Ltmp3, $4  }
0x7b: {  	[sflag:s0] =	ssyncset.done $0x0  }
0x7c: {  	[sflag:s0] =	ssyncadd.s32 $0xFFFFF800  }
0x7d: {  	s26 =	sadd.s32 $0x100, s22;
	_ =	swait.ge [sflag:s0], $0x800  }
0x7e: {  	p0 =	por $0x1, $0x1;
	s12 =	simm.s32 $0x2;
	[sflag:s0] =	ssyncset.done $0x0  }
.LBB2_4:
0x7f: {  	s13 =	sand.u32 $0x1, s14  }
0x80: {  	[sflag:s0] =	ssyncadd.s32 $0xFFFFF800;
	s14 =	smov.u32 s12;
	s12 =	sadd.s32 $0x1, s12  }
0x81: {  	p1 =	sne.s32 s16, s12;
	p2 =	seq.s32 s13, $0x1;
	_ =	swait.ge [sflag:s28], $0x800  }
0x82: {  	[sflag:s28] =	ssyncset.done $0x0;
	s13 =	sadd.s32 @!p2 $0xFFFFFF00, s26;
	s15 =	simm.s32 @!p2 $0x69C0  }
0x83: {  	[sflag:s28] =	ssyncadd.s32 $0xFFFFF800;
	s13 =	sand.u32 @!p2 $0x1FFFFE00, s13;
	s15 =	simm.s32 @p2 $0x61C0  }
0x84: {  	s17 =	simm.s32 @!p2 $0x79C0;
	_ =	swait.ge [sflag:s28], $0x800;
	s13 =	sor.u32 @!p2 $0x100, s13  }
0x85: {  	s17 =	simm.s32 @p2 $0x71C0;
	[sflag:s28] =	ssyncset.done $0x0;
	s13 =	smov.u32 @p2 s26  }
0x86: {  	s18 =	simm.s32 @!p2 $0x61C0;
	[sflag:s28] =	ssyncadd.s32 $0xFFFFF800;
	s19 =	sadd.s32 s7, s13  }
0x87: {  	[tilespmem:s15], [sflag:$0x1] =	stream.linear.gather [hbm4b:s19+s6], $0x800, $0x38;
	[tilespmem:$0xAA40] =	vst v63  }
0x88: {  	s13 =	sadd.s32 s8, s13;
	s15 =	simm.s32 @!p2 $0x71C0  }
0x89: {  	[tilespmem:s17], [sflag:$0x1] =	stream.linear.gather [hbm4b:s13+s6], $0x800, $0x38;
	[tilespmem:$0xAA40] =	vst v63  }
0x8a: {  	s18 =	simm.s32 @p2 $0x69C0  }
0x8b: {  	[tilespmem:s30], [sflag:$0x2] =	stream.indirect.gather [spmem:s4], $0x1, s18, s29, $0xb8;
	[tilespmem:$0xAA40] =	vst v63  }
0x8c: {  	_ = 	snop  }
0x8d: {  	[tilespmem:s31], [sflag:$0x2] =	stream.indirect.gather [spmem:s5], $0x1, s18, s29, $0xb8;
	[tilespmem:$0xAA40] =	vst v63  }
0x8e: {  	_ =	swait.ge [sflag:s3], $0x800  }
0x8f: {  	[sflag:s3] =	ssyncset.done $0x0  }
0x90: {  	[sflag:s3] =	ssyncadd.s32 $0xFFFFF800  }
0x91: {  	_ =	swait.ge [sflag:s3], $0x800  }
0x92: {  	[sflag:s3] =	ssyncset.done $0x0  }
0x93: {  	s15 =	simm.s32 @p2 $0x79C0;
	[sflag:s3] =	ssyncadd.s32 $0xFFFFF800  }
0x94: {  	[spmem:s1] =	stream.indirect.scatter.add.f32 [tilespmem:s30], [sflag:$0x3], $0x1, s15, s29, $0xb8;
	[tilespmem:$0xAA40] =	vst v63  }
0x95: {  	_ = 	snop  }
0x96: {  	[spmem:s2] =	stream.indirect.scatter.add.f32 [tilespmem:s31], [sflag:$0x3], $0x1, s15, s29, $0xb8;
	[tilespmem:$0xAA40] =	vst v63  }
.Ltmp4:
0x97: {  	_ =	swait.ge [sflag:s0], $0x800;
	(pc) =	sbr.rel @p1 .LBB2_4-.Ltmp4, $4  }
0x98: {  	[sflag:s0] =	ssyncset.done $0x0  }
0x99: {  	[sflag:s0] =	ssyncadd.s32 $0xFFFFF800  }
0x9a: {  	s13 =	sadd.s32 $0x100, s26;
	_ =	swait.ge [sflag:s0], $0x800  }
0x9b: {  	s26 =	smov.u32 s13;
	[sflag:s0] =	ssyncset.done $0x0  }
0x9c: {  	s26 =	smov.u32 s13  }
.LBB2_6:
0x9d: {  	s14 =	sand.u32 $0x1, s14;
	[sflag:s0] =	ssyncadd.s32 @p0 $0xFFFFF800  }
0x9e: {  	p0 =	seq.s32 s14, $0x1;
	_ =	swait.ge [sflag:s28], $0x800  }
0x9f: {  	[sflag:s28] =	ssyncset.done $0x0;
	s14 =	sadd.s32 @!p0 $0xFFFFFF00, s26  }
0xa0: {  	[sflag:s28] =	ssyncadd.s32 $0xFFFFF800;
	s14 =	sand.u32 @!p0 $0x1FFFFE00, s14  }
0xa1: {  	s15 =	simm.s32 @!p0 $0x69C0;
	_ =	swait.ge [sflag:s28], $0x800;
	s14 =	sor.u32 @!p0 $0x100, s14  }
0xa2: {  	s17 =	simm.s32 @!p0 $0x79C0;
	[sflag:s28] =	ssyncset.done $0x0;
	s14 =	smov.u32 @p0 s26  }
0xa3: {  	s15 =	simm.s32 @p0 $0x61C0;
	[sflag:s28] =	ssyncadd.s32 $0xFFFFF800;
	s18 =	sadd.s32 s7, s14  }
0xa4: {  	[tilespmem:s15], [sflag:$0x1] =	stream.linear.gather [hbm4b:s18+s6], $0x800, $0x38;
	[tilespmem:$0xAA40] =	vst v63  }
0xa5: {  	s17 =	simm.s32 @p0 $0x71C0;
	s14 =	sadd.s32 s8, s14;
	s15 =	simm.s32 @!p0 $0x61C0  }
0xa6: {  	[tilespmem:s17], [sflag:$0x1] =	stream.linear.gather [hbm4b:s14+s6], $0x800, $0x38;
	[tilespmem:$0xAA40] =	vst v63  }
0xa7: {  	s15 =	simm.s32 @p0 $0x69C0  }
0xa8: {  	[tilespmem:s30], [sflag:$0x2] =	stream.indirect.gather [spmem:s4], $0x1, s15, s29, $0xb8;
	[tilespmem:$0xAA40] =	vst v63  }
0xa9: {  	_ = 	snop  }
0xaa: {  	[tilespmem:s31], [sflag:$0x2] =	stream.indirect.gather [spmem:s5], $0x1, s15, s29, $0xb8;
	[tilespmem:$0xAA40] =	vst v63  }
0xab: {  	_ =	swait.ge [sflag:s3], $0x800  }
0xac: {  	[sflag:s3] =	ssyncset.done $0x0  }
0xad: {  	[sflag:s3] =	ssyncadd.s32 $0xFFFFF800  }
0xae: {  	_ =	swait.ge [sflag:s3], $0x800  }
0xaf: {  	s14 =	simm.s32 @!p0 $0x71C0;
	[sflag:s3] =	ssyncset.done $0x0  }
0xb0: {  	s14 =	simm.s32 @p0 $0x79C0;
	[sflag:s3] =	ssyncadd.s32 $0xFFFFF800  }
0xb1: {  	[spmem:s1] =	stream.indirect.scatter.add.f32 [tilespmem:s30], [sflag:$0x3], $0x1, s14, s29, $0xb8;
	[tilespmem:$0xAA40] =	vst v63  }
0xb2: {  	_ = 	snop  }
0xb3: {  	[spmem:s2] =	stream.indirect.scatter.add.f32 [tilespmem:s31], [sflag:$0x3], $0x1, s14, s29, $0xb8;
	[tilespmem:$0xAA40] =	vst v63  }
0xb4: {  	_ =	swait.ge [sflag:s0], $0x800  }
0xb5: {  	[sflag:s0] =	ssyncset.done $0x0  }
0xb6: {  	[sflag:s0] =	ssyncadd.s32 $0xFFFFF800  }
0xb7: {  	_ =	swait.ge [sflag:s0], $0x800  }
0xb8: {  	[sflag:s0] =	ssyncset.done $0x0  }
0xb9: {  	s19 =	sand.u32 $0x1, s12;
	[sflag:s0] =	ssyncadd.s32 $0xFFFFF800  }
0xba: {  	p1 =	seq.s32 s19, $0x1;
	_ =	swait.ge [sflag:s28], $0x800  }
.Ltmp5:
0xbb: {  	[sflag:s28] =	ssyncset.done $0x0;
	(pc) =	sbr.rel @!p1 .LBB2_7-.Ltmp5, $4  }
0xbc: {  	[sflag:s28] =	ssyncadd.s32 $0xFFFFF800  }
0xbd: {  	_ =	swait.ge [sflag:s28], $0x800  }
0xbe: {  	[sflag:s28] =	ssyncset.done $0x0  }
0xbf: {  	p0 =	sge.u32 s12, s16;
	s14 =	sadd.s32 $0x100, s26;
	[sflag:s28] =	ssyncadd.s32 $0xFFFFF800  }
.Ltmp6:
0xc0: {  	(pc) =	sbr.rel @p0 .LBB2_13-.Ltmp6, $2  }
0xc1: {  	_ =	sdelay $0x2  }
0xc2: {  	s12 =	simm.s32 $0x79C0;
	s26 =	simm.s32 $0x69C0  }
.Ltmp7:
0xc3: {  	(pc) =	sbr.rel .LBB2_12-.Ltmp7, $2  }
0xc4: {  	_ =	sdelay $0x2  }
0xc5: {  	s15 =	simm.s32 $0x71C0;
	s17 =	simm.s32 $0x61C0  }
.LBB2_7:
.Ltmp8:
0xc6: {  	(pc) =	sbr.rel @!p0 .LBB2_9-.Ltmp8, $1  }
0xc7: {  	_ =	sdelay $0x3  }
.Ltmp9:
0xc8: {  	(pc) =	sbr.rel .LBB2_13-.Ltmp9, $2  }
0xc9: {  	_ =	sdelay $0x2  }
0xca: {  	s12 =	simm.s32 $0x71C0;
	s26 =	simm.s32 $0x61C0  }
.LBB2_2:
.Ltmp10:
0xcb: {  	(pc) =	sbr.rel .LBB2_6-.Ltmp10, $2  }
0xcc: {  	_ =	sdelay $0x2  }
0xcd: {  	s12 =	simm.s32 $0x1;
	s14 =	simm.s32 $0x0;
	s26 =	smov.u32 s22  }
.LBB2_14:
0xce: {  	_ =	sfence.sel $0x180000  }
0xcf: {  	[bflag:$0x0] =	sbarrier.arrive $0xFFFF  }
0xd0: {  	_ =	strace $0x9000004A  }
0xd1: {  	s0 =	stileid.u32;
	[bflag:$0x2] =	sbarrier.arrive $0xFFFF  }
0xd2: {  	p0 =	sne.s32 s0, $0x0;
	s0 =	rddreg [dreg:$0x6]  }
0xd3: {  	s0 =	sadd.s32 @!p0 $0x100000, s0  }
0xd4: {  	[sflag:s0] =	ssyncadd.tile.s32 @!p0 $0x1;
	_ =	shalt  }
.Lfunc_end2:
_tile_overlayer_lowered:
.L_overlay_start_2:
0xd5: {  	(tag) =	ssettag $0x2  }
0xd6: {  	s0 =	rddreg [dreg:$0x0];
	s2 =	stileid.u32  }
0xd7: {  	s1 =	rddreg [dreg:$0x1];
	p0 =	sne.s32 s2, $0x0  }
0xd8: {  	s3 =	rddreg [dreg:$0x2];
	[bflag:$0x3] =	sbarrier.arrive $0xFFFF;
	s2 =	simm.s32 @!p0 $0x1C04  }
0xd9: {  	[timem:s3], [sflag:s2] =	dma.local @!p0 [hbm:s0], s1  }
0xda: {  	s0 =	simm.s32 @!p0 $0x4  }
0xdb: {  	_ =	swait.ge @!p0 [sflag:s0], s1  }
0xdc: {  	s1 =	ssub.s32 @!p0 $0x0, s1;
	[sflag:s0] =	ssyncset.done @!p0 $0x0  }
0xdd: {  	[sflag:s0] =	ssyncadd.s32 @!p0 s1  }
0xde: {  	[bflag:$0x3] =	sbarrier.arrive $0xFFFF  }
0xdf: {  	_ =	shalt  }

</sc_bundles>
